<compile_context>
chip_gen: v7x
topology: tpu7x:2x2x1
jax: 0.10.2.dev20260603
libtpu: 0.0.44.dev20260713+nightly
codegen_flags: <defaults>
</compile_context>

<pallas_src>
import functools

import jax
import jax.numpy as jnp
from jax.experimental import pallas as pl

N0, N0_REAL, N1, N2 = 3000, 2250, 3500, 3500
N_TOTAL = N0 + N1 + N2
N_REAL = N0_REAL + N1 + N2
IN_DIM, HID, NHID, NHEADS, NMP, NCLS = 128, 64, 32, 4, 2, 8
E_EDGES = 320000
FC_HID = int(2.0 / 3.0 * NHID) + int(2.0 / 3.0 * NCLS)

_f32 = jnp.float32


def _elu(x):
    return jnp.where(x > 0, x, jnp.exp(jnp.minimum(x, 0.0)) - 1.0)


def _lrelu(x):
    return jnp.where(x > 0, x, 0.2 * x)


def _mm_body(x_ref, w_ref, b_ref, o_ref, *, act):
    y = jnp.dot(x_ref[...], w_ref[...], preferred_element_type=_f32)
    if b_ref is not None:
        y = y + b_ref[...]
    o_ref[...] = act(y) if act is not None else y


def _mm_nb_body(x_ref, w_ref, o_ref, *, act):
    _mm_body(x_ref, w_ref, None, o_ref, act=act)


def _mm(x, w, b=None, act=None, tr=512):
    n, k = x.shape
    m = w.shape[1]
    n_pad = ((n + tr - 1) // tr) * tr
    if n_pad != n:
        x = jnp.pad(x, ((0, n_pad - n), (0, 0)))
    specs = [
        pl.BlockSpec((tr, k), lambda i: (i, 0)),
        pl.BlockSpec((k, m), lambda i: (0, 0)),
    ]
    args = [x, w]
    if b is not None:
        specs.append(pl.BlockSpec((1, m), lambda i: (0, 0)))
        args.append(b.reshape(1, m))
        body = functools.partial(_mm_body, act=act)
    else:
        body = functools.partial(_mm_nb_body, act=act)
    out = pl.pallas_call(
        body,
        grid=(n_pad // tr,),
        in_specs=specs,
        out_specs=pl.BlockSpec((tr, m), lambda i: (i, 0)),
        out_shape=jax.ShapeDtypeStruct((n_pad, m), _f32),
    )(*args)
    return out[:n] if n_pad != n else out


def _mm_heads_body(x_ref, *w_refs, o_ref, act, nh):
    x = x_ref[...]
    ys = [jnp.dot(x, w_refs[j][...].T, preferred_element_type=_f32)
          for j in range(nh)]
    y = jnp.concatenate(ys, axis=1)
    o_ref[...] = act(y) if act is not None else y


def _mm_heads(x, ws, act=None, tr=512):
    n, k = x.shape
    nh = len(ws)
    m = sum(w.shape[0] for w in ws)
    n_pad = ((n + tr - 1) // tr) * tr
    if n_pad != n:
        x = jnp.pad(x, ((0, n_pad - n), (0, 0)))
    specs = [pl.BlockSpec((tr, k), lambda i: (i, 0))]
    for w in ws:
        specs.append(pl.BlockSpec(w.shape, lambda i: (0, 0)))

    def body(x_ref, *w_refs_and_o):
        w_refs, o_ref = w_refs_and_o[:-1], w_refs_and_o[-1]
        _mm_heads_body(x_ref, *w_refs, o_ref=o_ref, act=act, nh=nh)

    out = pl.pallas_call(
        body,
        grid=(n_pad // tr,),
        in_specs=specs,
        out_specs=pl.BlockSpec((tr, m), lambda i: (i, 0)),
        out_shape=jax.ShapeDtypeStruct((n_pad, m), _f32),
    )(x, *ws)
    return out[:n] if n_pad != n else out


def _pred_body(zc_ref, zf_ref, mp_ref, pred_ref, fin_ref, *, tr):
    i = pl.program_id(0)
    p = jax.nn.sigmoid(jax.lax.dot_general(
        zc_ref[...], zf_ref[...], (((1,), (1,)), ((), ())),
        preferred_element_type=_f32))
    rows = i * tr + jax.lax.broadcasted_iota(jnp.int32, (tr, 1), 0)
    cols = jax.lax.broadcasted_iota(jnp.int32, (1, N0), 1)
    mask = (rows >= N0_REAL) | (cols >= N0_REAL)
    pred_ref[...] = p
    fin_ref[...] = jnp.where(mask, p, mp_ref[...])


def _meta_pred_m(zc, mp_real, tr=120):
    return pl.pallas_call(
        functools.partial(_pred_body, tr=tr),
        grid=(N0 // tr,),
        in_specs=[
            pl.BlockSpec((tr, NHID), lambda i: (i, 0)),
            pl.BlockSpec((N0, NHID), lambda i: (0, 0)),
            pl.BlockSpec((tr, N0), lambda i: (i, 0)),
        ],
        out_specs=[
            pl.BlockSpec((tr, N0), lambda i: (i, 0)),
            pl.BlockSpec((tr, N0), lambda i: (i, 0)),
        ],
        out_shape=[
            jax.ShapeDtypeStruct((N0, N0), _f32),
            jax.ShapeDtypeStruct((N0, N0), _f32),
        ],
    )(zc, zc, mp_real)


def _dense_attn_body(adj_ref, ft_ref, ff_ref, *rest, nh):
    a1_refs = rest[:nh]
    a2_refs = rest[nh:2 * nh]
    b_refs = rest[2 * nh:4 * nh]
    o_ref = rest[-1]
    adj = adj_ref[...]
    ft = ft_ref[...]
    ff = ff_ref[...]
    outs = []
    for j in range(nh):
        fj_t = ft[:, j * NHID:(j + 1) * NHID]
        fj_f = ff[:, j * NHID:(j + 1) * NHID]
        f1 = jnp.dot(fj_t, a1_refs[j][...].T, preferred_element_type=_f32)
        f2 = jax.lax.dot_general(a2_refs[j][...], fj_f,
                                 (((1,), (1,)), ((), ())),
                                 preferred_element_type=_f32)
        logits = _lrelu(f1 + f2)
        mx = jnp.max(logits, axis=1, keepdims=True)
        e = jnp.exp(logits - mx)
        sm = e / jnp.sum(e, axis=1, keepdims=True)
        c = sm * adj
        outs.append(jnp.dot(c, fj_f, preferred_element_type=_f32))
    y = jnp.concatenate(outs, axis=1) if nh > 1 else outs[0]
    bias = jnp.concatenate([b_refs[j][...] for j in range(nh)], axis=1) \
        if nh > 1 else b_refs[0][...]
    o_ref[...] = _elu(y + bias)


def _dense_attn_m(adj, fts, a1s, a2s, bs, nh, tr=120):
    w = nh * NHID
    specs = [
        pl.BlockSpec((tr, N0), lambda i: (i, 0)),
        pl.BlockSpec((tr, w), lambda i: (i, 0)),
        pl.BlockSpec((N0, w), lambda i: (0, 0)),
    ]
    for _ in range(3 * nh):
        specs.append(pl.BlockSpec((1, NHID), lambda i: (0, 0)))

    def body(adj_ref, ft_ref, ff_ref, *rest):
        _dense_attn_body(adj_ref, ft_ref, ff_ref, *rest, nh=nh)

    return pl.pallas_call(
        body,
        grid=(N0 // tr,),
        in_specs=specs,
        out_specs=pl.BlockSpec((tr, w), lambda i: (i, 0)),
        out_shape=jax.ShapeDtypeStruct((N0, w), _f32),
    )(adj, fts, fts, *a1s, *a2s, *bs)


def _sp_attn_multi(fts, f1, f2, bias, src, dst, nh):
    mbound = _lrelu(jnp.max(f1, axis=0) + jnp.max(f2, axis=0))
    e = _lrelu(f1[src] + f2[dst])
    a = jnp.exp(e - mbound[None, :])
    denom = jax.ops.segment_sum(a, dst, num_segments=N_REAL)
    w = a / (denom[dst] + 1e-30)
    g = fts.reshape(N_REAL, nh, NHID)[src]
    out = jax.ops.segment_sum(w[:, :, None] * g, dst, num_segments=N_REAL)
    return _elu(out.reshape(N_REAL, nh * NHID) + bias)


def kernel(features_0, features_1, features_2, features_target, edge_index,
           meta_path_0, meta_path_1, params):
    p = params
    src, dst = edge_index[0], edge_index[1]

    h0p = _mm(features_0, p["W_fc0"].T, p["b_fc0"], _elu)
    h1p = _mm(features_1, p["W_fc1"].T, p["b_fc1"], _elu)
    h2p = _mm(features_2, p["W_fc2"].T, p["b_fc2"], _elu)

    preds, final_mps = [], []
    for m in range(NMP):
        zc = _mm(features_target, p["W_mp%d" % m].T, p["b_mp%d" % m])
        pr, fi = _meta_pred_m(zc, (meta_path_0, meta_path_1)[m])
        preds.append(pr)
        final_mps.append(fi)

    wf_sp = jnp.concatenate([p["sp%d" % j]["Wf"] for j in range(NHEADS)], 0)
    h_real = jnp.concatenate([
        _elu(features_0[:N0_REAL] @ p["W_fc0"].T + p["b_fc0"]),
        _elu(features_1 @ p["W_fc1"].T + p["b_fc1"]),
        _elu(features_2 @ p["W_fc2"].T + p["b_fc2"]),
    ], axis=0)
    fts_sp = h_real @ wf_sp.T
    a1_sp = jnp.stack([p["sp%d" % j]["a1"] for j in range(NHEADS)])
    a2_sp = jnp.stack([p["sp%d" % j]["a2"] for j in range(NHEADS)])
    fts_sp4 = fts_sp.reshape(N_REAL, NHEADS, NHID)
    f1_sp = jnp.einsum("nhc,hc->nh", fts_sp4, a1_sp)
    f2_sp = jnp.einsum("nhc,hc->nh", fts_sp4, a2_sp)
    b_sp = jnp.concatenate([p["sp%d" % j]["b"] for j in range(NHEADS)])
    h1cat = _sp_attn_multi(fts_sp, f1_sp, f2_sp, b_sp, src, dst, NHEADS)

    po = p["sp_out"]
    fts_o = h1cat @ po["Wf"].T
    f1_o = (fts_o @ po["a1"])[:, None]
    f2_o = (fts_o @ po["a2"])[:, None]
    h1_sp = _sp_attn_multi(fts_o, f1_o, f2_o, po["b"], src, dst, 1)

    h1_pred = h0p @ p["W_emb"].T + p["b_emb"]
    loss_embed = jnp.mean((h1_pred[:N0_REAL] - h1_sp[:N0_REAL]) ** 2)
    h1_full = jnp.concatenate([h1_sp[:N0_REAL], h1_pred[N0_REAL:]], axis=0)

    sup_o = []
    for m in range(NMP):
        hs = [p["m%d_%d" % (m, j)] for j in range(NHEADS)]
        ftsd = _mm_heads(h0p, [hp["Wf"] for hp in hs])
        sup = _dense_attn_m(final_mps[m], ftsd,
                            [hp["a1"].reshape(1, NHID) for hp in hs],
                            [hp["a2"].reshape(1, NHID) for hp in hs],
                            [hp["b"].reshape(1, NHID) for hp in hs], NHEADS)
        mo = p["mo%d" % m]
        fts_mo = _mm(sup, mo["Wf"].T)
        sup_o.append(_dense_attn_m(final_mps[m], fts_mo,
                                   [mo["a1"].reshape(1, NHID)],
                                   [mo["a2"].reshape(1, NHID)],
                                   [mo["b"].reshape(1, NHID)], 1))

    w_red = p["W_red"][0]
    fin = _elu(h1_full * w_red[0] + sup_o[0] * w_red[1] + sup_o[1] * w_red[2]
               + p["b_red"][0])
    out = _elu(fin @ p["W_o1"].T + p["b_o1"])
    out = jax.nn.log_softmax(out @ p["W_o2"].T + p["b_o2"], axis=1)
    return (preds[0], preds[1], out, loss_embed)

# --- scband reference (transcript-rebuilt; emitter-appended) ---
"""Pipeline reference for scband-imba-hgnn-41283225649262 (READ-ONLY COPY).

The authoritative reference and input builder live on the scoring server;
editing this copy changes nothing except your own understanding.
"""

import jax, jax.numpy as jnp
import numpy as np

N0, N0_REAL, N1, N2 = 3000, 2250, 3500, 3500
N_TOTAL = N0 + N1 + N2
N_REAL = N0_REAL + N1 + N2
IN_DIM, HID, NHID, NHEADS, NMP, NCLS = 128, 64, 32, 4, 2, 8
E_EDGES = 320000
FC_HID = int(2.0 / 3.0 * NHID) + int(2.0 / 3.0 * NCLS)

TARGET_IDX = np.arange(N0)
REAL_IDX = np.concatenate([np.arange(N0_REAL), np.arange(N0, N_TOTAL)])
_r = np.arange(N0)
MP_MASK = jnp.asarray((_r[:, None] >= N0_REAL) | (_r[None, :] >= N0_REAL))


def _attn_params(key, in_d, out_d):
    k1, k2, k3 = jax.random.split(key, 3)
    return {"Wf": jax.random.normal(k1, (out_d, in_d), jnp.float32) / np.sqrt(in_d),
            "a1": jax.random.normal(k2, (out_d,), jnp.float32) * 0.1,
            "a2": jax.random.normal(k3, (out_d,), jnp.float32) * 0.1,
            "b": jnp.zeros((out_d,), jnp.float32)}


def make_params(key):
    ks = jax.random.split(key, 32)
    it = iter(range(32))
    p = {}
    for m in range(NMP):
        p["W_mp%d" % m] = jax.random.normal(ks[next(it)], (NHID, IN_DIM), jnp.float32) / np.sqrt(IN_DIM)
        p["b_mp%d" % m] = jnp.zeros((NHID,), jnp.float32)
    p["W_emb"] = jax.random.normal(ks[next(it)], (NHID, HID), jnp.float32) / np.sqrt(HID)
    p["b_emb"] = jnp.zeros((NHID,), jnp.float32)
    for t in range(3):
        p["W_fc%d" % t] = jax.random.normal(ks[next(it)], (HID, IN_DIM), jnp.float32) * 1.414 / np.sqrt(IN_DIM)
        p["b_fc%d" % t] = jnp.zeros((HID,), jnp.float32)
    for h in range(NHEADS):
        p["sp%d" % h] = _attn_params(ks[next(it)], HID, NHID)
    p["sp_out"] = _attn_params(ks[next(it)], NHEADS * NHID, NHID)
    for m in range(NMP):
        for h in range(NHEADS):
            p["m%d_%d" % (m, h)] = _attn_params(ks[next(it)], HID, NHID)
        p["mo%d" % m] = _attn_params(ks[next(it)], NHEADS * NHID, NHID)
    p["W_red"] = jax.random.normal(ks[next(it)], (1, NMP + 1), jnp.float32) * 1.414 / np.sqrt(NMP + 1)
    p["b_red"] = jnp.zeros((1,), jnp.float32)
    p["W_o1"] = jax.random.normal(ks[next(it)], (FC_HID, NHID), jnp.float32) * 1.414 / np.sqrt(NHID)
    p["b_o1"] = jnp.zeros((FC_HID,), jnp.float32)
    p["W_o2"] = jax.random.normal(ks[next(it)], (NCLS, FC_HID), jnp.float32) * 1.414 / np.sqrt(FC_HID)
    p["b_o2"] = jnp.zeros((NCLS,), jnp.float32)
    return p


def setup_inputs(seed: int = 0):
    key = jax.random.key(seed)
    ks = jax.random.split(key, 8)
    return {
        "features_0": jax.random.normal(ks[0], (N0, IN_DIM), jnp.float32),
        "features_1": jax.random.normal(ks[1], (N1, IN_DIM), jnp.float32),
        "features_2": jax.random.normal(ks[2], (N2, IN_DIM), jnp.float32),
        "features_target": jax.random.normal(ks[3], (N0, IN_DIM), jnp.float32),
        "edge_index": jax.random.randint(ks[4], (2, E_EDGES), 0, N_REAL, jnp.int32),
        "meta_path_0": jax.random.uniform(ks[5], (N0, N0), jnp.float32),
        "meta_path_1": jax.random.uniform(ks[6], (N0, N0), jnp.float32),
        "params": make_params(ks[7]),
    }


def _forward(features_0, features_1, features_2, features_target, meta_path_0, meta_path_1, params, edge_index):
    elu = jax.nn.elu
    lrelu = lambda x: jax.nn.leaky_relu(x, 0.2)
    # fea2mp heads: predict soft meta-path adjacencies from target features
    ft_t = features_target.T
    meta_path_preds = []
    for m in range(NMP):
        z = params["W_mp%d" % m] @ ft_t + params["b_mp%d" % m][:, None]
        meta_path_preds.append(jax.nn.sigmoid(z.T @ z))
    # per-type linear projections + ELU, concat over all nodes
    feats = [features_0, features_1, features_2]
    h = jnp.concatenate([elu(f @ params["W_fc%d" % t].T + params["b_fc%d" % t]) for t, f in enumerate(feats)], axis=0)
    h = h.T[None]
    h_target = h[:, :, TARGET_IDX]
    h_real = h[:, :, REAL_IDX]

    def sp_attn(seq, pp):
        fts = pp["Wf"] @ seq[0]
        f1 = pp["a1"] @ fts
        f2 = pp["a2"] @ fts
        src = edge_index[0]
        dst = edge_index[1]
        e = lrelu(f1[src] + f2[dst])
        mseg = jax.ops.segment_max(e, dst, num_segments=N_REAL)
        a = jnp.exp(e - mseg[dst])
        denom = jax.ops.segment_sum(a, dst, num_segments=N_REAL)
        a = a / (denom[dst] + 1e-9)
        out = jax.ops.segment_sum(a[:, None] * fts.T[src], dst, num_segments=N_REAL)
        return elu(out + pp["b"]).T[None]

    h1 = jnp.concatenate([sp_attn(h_real, params["sp%d" % j]) for j in range(NHEADS)], axis=1)
    h1 = sp_attn(h1, params["sp_out"])
    h1 = h1[:, :, :N0_REAL]
    h1_pred = (params["W_emb"] @ h_target[0] + params["b_emb"][:, None])[None]
    loss_embed = jnp.mean((h1_pred[:, :, :N0_REAL] - h1) ** 2)
    h1 = jnp.concatenate([h1, h1_pred[:, :, N0_REAL:]], axis=2)
    real_mps = [meta_path_0, meta_path_1]
    final_mps = [jnp.where(MP_MASK, meta_path_preds[m], real_mps[m]) for m in range(NMP)]

    def dense_attn(seq, pp, adj):
        fts = pp["Wf"] @ seq[0]
        f1 = pp["a1"] @ fts
        f2 = pp["a2"] @ fts
        logits = lrelu(f1[:, None] + f2[None, :])
        coefs = jax.nn.softmax(logits, axis=-1) * adj
        out = coefs @ fts.T
        return elu(out + pp["b"]).T[None]

    h2 = [h1]
    for m in range(NMP):
        sup = jnp.concatenate([dense_attn(h_target, params["m%d_%d" % (m, j)], final_mps[m]) for j in range(NHEADS)], axis=1)
        sup = dense_attn(sup, params["mo%d" % m], final_mps[m])
        h2.append(sup)
    multi = jnp.concatenate(h2, axis=0).transpose(2, 1, 0)
    fin = jnp.squeeze(elu(multi @ params["W_red"].T + params["b_red"]), axis=-1)
    out = elu(fin @ params["W_o1"].T + params["b_o1"])
    out = jax.nn.log_softmax(out @ params["W_o2"].T + params["b_o2"], axis=1)
    return meta_path_preds, out, loss_embed


def reference(features_0, features_1, features_2, features_target, edge_index, meta_path_0, meta_path_1, params):
    preds, out, loss_embed = _forward(features_0, features_1, features_2, features_target, meta_path_0, meta_path_1, params, edge_index)
    return (preds[0], preds[1], out, loss_embed)

if __name__ == "__main__":
    import jax
    _d = setup_inputs()
    print(jax.jit(kernel)(*tuple(_d.values())))

</pallas_src>

<mosaic_0001>
module attributes {stable_mosaic.version = 14 : i64} {
  func.func @_mm_body(%arg0: i32, %arg1: memref<512x128xf32, #tpu.memory_space<vmem>>, %arg2: memref<128x64xf32, #tpu.memory_space<vmem>>, %arg3: memref<1x64xf32, #tpu.memory_space<vmem>>, %arg4: memref<512x64xf32, #tpu.memory_space<vmem>>) attributes {dimension_semantics = [#tpu.dimension_semantics<arbitrary>], iteration_bounds = array<i64: 6>, scalar_prefetch = 0 : i64, scratch_operands = 0 : i64, tpu.core_type = #tpu.core_type<tc>, window_params = [{transform_indices = @transform_0, window_bounds = array<i64: 512, 128>}, {pipeline_mode = #tpu.pipeline_mode<synchronous>, transform_indices = @transform_1, window_bounds = array<i64: 128, 64>}, {pipeline_mode = #tpu.pipeline_mode<synchronous>, transform_indices = @transform_2, window_bounds = array<i64: 1, 64>}, {transform_indices = @transform_3, window_bounds = array<i64: 512, 64>}]} {
    %get3A = arith.constant 0 : index
    %get3A_0 = arith.constant 0 : index
    %get3A_1 = vector.load %arg1[%get3A, %get3A_0] : memref<512x128xf32, #tpu.memory_space<vmem>>, vector<512x128xf32>
    %get3A_2 = arith.constant 0 : index
    %get3A_3 = arith.constant 0 : index
    %get3A_4 = vector.load %arg2[%get3A_2, %get3A_3] : memref<128x64xf32, #tpu.memory_space<vmem>>, vector<128x64xf32>
    %dot_general3A = arith.constant dense<0.000000e+00> : vector<512x64xf32>
    %dot_general3A_5 = tpu.matmul %get3A_1, %get3A_4, %dot_general3A {dimension_numbers = #tpu.dot_dimension_numbers<[1], [0], [0], [1], [0, 0, 1, 1], [], []>, transpose_lhs_hint = false} : vector<512x128xf32>, vector<128x64xf32>, vector<512x64xf32> -> vector<512x64xf32>
    %get3A_6 = arith.constant 0 : index
    %get3A_7 = arith.constant 0 : index
    %get3A_8 = vector.load %arg3[%get3A_6, %get3A_7] : memref<1x64xf32, #tpu.memory_space<vmem>>, vector<1x64xf32>
    %add3A = vector.broadcast %get3A_8 : vector<1x64xf32> to vector<512x64xf32>
    %add3A_9 = arith.addf %dot_general3A_5, %add3A : vector<512x64xf32>
    %gt3A = arith.constant 0.000000e+00 : f32
    %gt3A_10 = vector.broadcast %gt3A : f32 to vector<512x64xf32>
    %gt3A_11 = arith.cmpf ogt, %add3A_9, %gt3A_10 : vector<512x64xf32>
    %min3A = arith.constant 0.000000e+00 : f32
    %min3A_12 = vector.broadcast %min3A : f32 to vector<512x64xf32>
    %min3A_13 = arith.minimumf %add3A_9, %min3A_12 : vector<512x64xf32>
    %exp3A = math.exp %min3A_13 : vector<512x64xf32>
    %sub3A = arith.constant 1.000000e+00 : f32
    %sub3A_14 = vector.broadcast %sub3A : f32 to vector<512x64xf32>
    %sub3A_15 = arith.subf %exp3A, %sub3A_14 : vector<512x64xf32>
    %select_n3A = arith.select %gt3A_11, %add3A_9, %sub3A_15 : vector<512x64xi1>, vector<512x64xf32>
    %swap3A = arith.constant 0 : index
    %swap3A_16 = arith.constant 0 : index
    %swap3A_17 = vector.load %arg4[%swap3A, %swap3A_16] : memref<512x64xf32, #tpu.memory_space<vmem>>, vector<512x64xf32>
    tpu.vector_store %arg4[%swap3A, %swap3A_16], %select_n3A {strides = array<i32>} : memref<512x64xf32, #tpu.memory_space<vmem>>, vector<512x64xf32>,
    return
  }
  func.func @transform_0(%arg0: i32) -> (i32, i32) {
    %c0_i32 = arith.constant 0 : i32
    %c0_i32_0 = arith.constant 0 : i32
    return %arg0, %c0_i32 : i32, i32
  }
  func.func @transform_1(%arg0: i32) -> (i32, i32) {
    %c0_i32 = arith.constant 0 : i32
    %c0_i32_0 = arith.constant 0 : i32
    %c0_i32_1 = arith.constant 0 : i32
    return %c0_i32, %c0_i32_0 : i32, i32
  }
  func.func @transform_2(%arg0: i32) -> (i32, i32) {
    %c0_i32 = arith.constant 0 : i32
    %c0_i32_0 = arith.constant 0 : i32
    %c0_i32_1 = arith.constant 0 : i32
    return %c0_i32, %c0_i32_0 : i32, i32
  }
  func.func @transform_3(%arg0: i32) -> (i32, i32) {
    %c0_i32 = arith.constant 0 : i32
    %c0_i32_0 = arith.constant 0 : i32
    return %arg0, %c0_i32 : i32, i32
  }
}

module attributes {stable_mosaic.version = 14 : i64} {
  func.func @_mm_body(%arg0: i32, %arg1: memref<512x128xf32, #tpu.memory_space<vmem>>, %arg2: memref<128x32xf32, #tpu.memory_space<vmem>>, %arg3: memref<1x32xf32, #tpu.memory_space<vmem>>, %arg4: memref<512x32xf32, #tpu.memory_space<vmem>>) attributes {dimension_semantics = [#tpu.dimension_semantics<arbitrary>], iteration_bounds = array<i64: 6>, scalar_prefetch = 0 : i64, scratch_operands = 0 : i64, tpu.core_type = #tpu.core_type<tc>, window_params = [{transform_indices = @transform_0, window_bounds = array<i64: 512, 128>}, {pipeline_mode = #tpu.pipeline_mode<synchronous>, transform_indices = @transform_1, window_bounds = array<i64: 128, 32>}, {pipeline_mode = #tpu.pipeline_mode<synchronous>, transform_indices = @transform_2, window_bounds = array<i64: 1, 32>}, {transform_indices = @transform_3, window_bounds = array<i64: 512, 32>}]} {
    %get3A = arith.constant 0 : index
    %get3A_0 = arith.constant 0 : index
    %get3A_1 = vector.load %arg1[%get3A, %get3A_0] : memref<512x128xf32, #tpu.memory_space<vmem>>, vector<512x128xf32>
    %get3A_2 = arith.constant 0 : index
    %get3A_3 = arith.constant 0 : index
    %get3A_4 = vector.load %arg2[%get3A_2, %get3A_3] : memref<128x32xf32, #tpu.memory_space<vmem>>, vector<128x32xf32>
    %dot_general3A = arith.constant dense<0.000000e+00> : vector<512x32xf32>
    %dot_general3A_5 = tpu.matmul %get3A_1, %get3A_4, %dot_general3A {dimension_numbers = #tpu.dot_dimension_numbers<[1], [0], [0], [1], [0, 0, 1, 1], [], []>, transpose_lhs_hint = false} : vector<512x128xf32>, vector<128x32xf32>, vector<512x32xf32> -> vector<512x32xf32>
    %get3A_6 = arith.constant 0 : index
    %get3A_7 = arith.constant 0 : index
    %get3A_8 = vector.load %arg3[%get3A_6, %get3A_7] : memref<1x32xf32, #tpu.memory_space<vmem>>, vector<1x32xf32>
    %add3A = vector.broadcast %get3A_8 : vector<1x32xf32> to vector<512x32xf32>
    %add3A_9 = arith.addf %dot_general3A_5, %add3A : vector<512x32xf32>
    %swap3A = arith.constant 0 : index
    %swap3A_10 = arith.constant 0 : index
    %swap3A_11 = vector.load %arg4[%swap3A, %swap3A_10] : memref<512x32xf32, #tpu.memory_space<vmem>>, vector<512x32xf32>
    tpu.vector_store %arg4[%swap3A, %swap3A_10], %add3A_9 {strides = array<i32>} : memref<512x32xf32, #tpu.memory_space<vmem>>, vector<512x32xf32>,
    return
  }
  func.func @transform_0(%arg0: i32) -> (i32, i32) {
    %c0_i32 = arith.constant 0 : i32
    %c0_i32_0 = arith.constant 0 : i32
    return %arg0, %c0_i32 : i32, i32
  }
  func.func @transform_1(%arg0: i32) -> (i32, i32) {
    %c0_i32 = arith.constant 0 : i32
    %c0_i32_0 = arith.constant 0 : i32
    %c0_i32_1 = arith.constant 0 : i32
    return %c0_i32, %c0_i32_0 : i32, i32
  }
  func.func @transform_2(%arg0: i32) -> (i32, i32) {
    %c0_i32 = arith.constant 0 : i32
    %c0_i32_0 = arith.constant 0 : i32
    %c0_i32_1 = arith.constant 0 : i32
    return %c0_i32, %c0_i32_0 : i32, i32
  }
  func.func @transform_3(%arg0: i32) -> (i32, i32) {
    %c0_i32 = arith.constant 0 : i32
    %c0_i32_0 = arith.constant 0 : i32
    return %arg0, %c0_i32 : i32, i32
  }
}

module attributes {stable_mosaic.version = 14 : i64} {
  func.func @body(%arg0: i32, %arg1: memref<512x64xf32, #tpu.memory_space<vmem>>, %arg2: memref<32x64xf32, #tpu.memory_space<vmem>>, %arg3: memref<32x64xf32, #tpu.memory_space<vmem>>, %arg4: memref<32x64xf32, #tpu.memory_space<vmem>>, %arg5: memref<32x64xf32, #tpu.memory_space<vmem>>, %arg6: memref<512x128xf32, #tpu.memory_space<vmem>>) attributes {dimension_semantics = [#tpu.dimension_semantics<arbitrary>], iteration_bounds = array<i64: 6>, scalar_prefetch = 0 : i64, scratch_operands = 0 : i64, tpu.core_type = #tpu.core_type<tc>, window_params = [{transform_indices = @transform_0, window_bounds = array<i64: 512, 64>}, {pipeline_mode = #tpu.pipeline_mode<synchronous>, transform_indices = @transform_1, window_bounds = array<i64: 32, 64>}, {pipeline_mode = #tpu.pipeline_mode<synchronous>, transform_indices = @transform_2, window_bounds = array<i64: 32, 64>}, {pipeline_mode = #tpu.pipeline_mode<synchronous>, transform_indices = @transform_3, window_bounds = array<i64: 32, 64>}, {pipeline_mode = #tpu.pipeline_mode<synchronous>, transform_indices = @transform_4, window_bounds = array<i64: 32, 64>}, {transform_indices = @transform_5, window_bounds = array<i64: 512, 128>}]} {
    %get3A = arith.constant 0 : index
    %get3A_0 = arith.constant 0 : index
    %get3A_1 = vector.load %arg1[%get3A, %get3A_0] : memref<512x64xf32, #tpu.memory_space<vmem>>, vector<512x64xf32>
    %get3A_2 = arith.constant 0 : index
    %get3A_3 = arith.constant 0 : index
    %get3A_4 = vector.load %arg2[%get3A_2, %get3A_3] : memref<32x64xf32, #tpu.memory_space<vmem>>, vector<32x64xf32>
    %transpose3A = tpu.transpose %get3A_4, [1, 0] : vector<32x64xf32> -> vector<64x32xf32>
    %dot_general3A = arith.constant dense<0.000000e+00> : vector<512x32xf32>
    %dot_general3A_5 = tpu.matmul %get3A_1, %transpose3A, %dot_general3A {dimension_numbers = #tpu.dot_dimension_numbers<[1], [0], [0], [1], [0, 0, 1, 1], [], []>, transpose_lhs_hint = false} : vector<512x64xf32>, vector<64x32xf32>, vector<512x32xf32> -> vector<512x32xf32>
    %get3A_6 = arith.constant 0 : index
    %get3A_7 = arith.constant 0 : index
    %get3A_8 = vector.load %arg3[%get3A_6, %get3A_7] : memref<32x64xf32, #tpu.memory_space<vmem>>, vector<32x64xf32>
    %transpose3A_9 = tpu.transpose %get3A_8, [1, 0] : vector<32x64xf32> -> vector<64x32xf32>
    %dot_general3A_10 = arith.constant dense<0.000000e+00> : vector<512x32xf32>
    %dot_general3A_11 = tpu.matmul %get3A_1, %transpose3A_9, %dot_general3A_10 {dimension_numbers = #tpu.dot_dimension_numbers<[1], [0], [0], [1], [0, 0, 1, 1], [], []>, transpose_lhs_hint = false} : vector<512x64xf32>, vector<64x32xf32>, vector<512x32xf32> -> vector<512x32xf32>
    %get3A_12 = arith.constant 0 : index
    %get3A_13 = arith.constant 0 : index
    %get3A_14 = vector.load %arg4[%get3A_12, %get3A_13] : memref<32x64xf32, #tpu.memory_space<vmem>>, vector<32x64xf32>
    %transpose3A_15 = tpu.transpose %get3A_14, [1, 0] : vector<32x64xf32> -> vector<64x32xf32>
    %dot_general3A_16 = arith.constant dense<0.000000e+00> : vector<512x32xf32>
    %dot_general3A_17 = tpu.matmul %get3A_1, %transpose3A_15, %dot_general3A_16 {dimension_numbers = #tpu.dot_dimension_numbers<[1], [0], [0], [1], [0, 0, 1, 1], [], []>, transpose_lhs_hint = false} : vector<512x64xf32>, vector<64x32xf32>, vector<512x32xf32> -> vector<512x32xf32>
    %get3A_18 = arith.constant 0 : index
    %get3A_19 = arith.constant 0 : index
    %get3A_20 = vector.load %arg5[%get3A_18, %get3A_19] : memref<32x64xf32, #tpu.memory_space<vmem>>, vector<32x64xf32>
    %transpose3A_21 = tpu.transpose %get3A_20, [1, 0] : vector<32x64xf32> -> vector<64x32xf32>
    %dot_general3A_22 = arith.constant dense<0.000000e+00> : vector<512x32xf32>
    %dot_general3A_23 = tpu.matmul %get3A_1, %transpose3A_21, %dot_general3A_22 {dimension_numbers = #tpu.dot_dimension_numbers<[1], [0], [0], [1], [0, 0, 1, 1], [], []>, transpose_lhs_hint = false} : vector<512x64xf32>, vector<64x32xf32>, vector<512x32xf32> -> vector<512x32xf32>
    %concatenate3A = tpu.concatenate %dot_general3A_5, %dot_general3A_11, %dot_general3A_17, %dot_general3A_23 in 1 : vector<512x32xf32>, vector<512x32xf32>, vector<512x32xf32>, vector<512x32xf32> -> vector<512x128xf32>
    %swap3A = arith.constant 0 : index
    %swap3A_24 = arith.constant 0 : index
    %swap3A_25 = vector.load %arg6[%swap3A, %swap3A_24] : memref<512x128xf32, #tpu.memory_space<vmem>>, vector<512x128xf32>
    tpu.vector_store %arg6[%swap3A, %swap3A_24], %concatenate3A {strides = array<i32>} : memref<512x128xf32, #tpu.memory_space<vmem>>, vector<512x128xf32>,
    return
  }
  func.func @transform_0(%arg0: i32) -> (i32, i32) {
    %c0_i32 = arith.constant 0 : i32
    %c0_i32_0 = arith.constant 0 : i32
    return %arg0, %c0_i32 : i32, i32
  }
  func.func @transform_1(%arg0: i32) -> (i32, i32) {
    %c0_i32 = arith.constant 0 : i32
    %c0_i32_0 = arith.constant 0 : i32
    %c0_i32_1 = arith.constant 0 : i32
    return %c0_i32, %c0_i32_0 : i32, i32
  }
  func.func @transform_2(%arg0: i32) -> (i32, i32) {
    %c0_i32 = arith.constant 0 : i32
    %c0_i32_0 = arith.constant 0 : i32
    %c0_i32_1 = arith.constant 0 : i32
    return %c0_i32, %c0_i32_0 : i32, i32
  }
  func.func @transform_3(%arg0: i32) -> (i32, i32) {
    %c0_i32 = arith.constant 0 : i32
    %c0_i32_0 = arith.constant 0 : i32
    %c0_i32_1 = arith.constant 0 : i32
    return %c0_i32, %c0_i32_0 : i32, i32
  }
  func.func @transform_4(%arg0: i32) -> (i32, i32) {
    %c0_i32 = arith.constant 0 : i32
    %c0_i32_0 = arith.constant 0 : i32
    %c0_i32_1 = arith.constant 0 : i32
    return %c0_i32, %c0_i32_0 : i32, i32
  }
  func.func @transform_5(%arg0: i32) -> (i32, i32) {
    %c0_i32 = arith.constant 0 : i32
    %c0_i32_0 = arith.constant 0 : i32
    return %arg0, %c0_i32 : i32, i32
  }
}

module attributes {stable_mosaic.version = 14 : i64} {
  func.func @_pred_body(%arg0: i32, %arg1: memref<120x32xf32, #tpu.memory_space<vmem>>, %arg2: memref<3000x32xf32, #tpu.memory_space<vmem>>, %arg3: memref<120x3000xf32, #tpu.memory_space<vmem>>, %arg4: memref<120x3000xf32, #tpu.memory_space<vmem>>, %arg5: memref<120x3000xf32, #tpu.memory_space<vmem>>) attributes {dimension_semantics = [#tpu.dimension_semantics<arbitrary>], iteration_bounds = array<i64: 25>, scalar_prefetch = 0 : i64, scratch_operands = 0 : i64, tpu.core_type = #tpu.core_type<tc>, window_params = [{transform_indices = @transform_0, window_bounds = array<i64: 120, 32>}, {pipeline_mode = #tpu.pipeline_mode<synchronous>, transform_indices = @transform_1, window_bounds = array<i64: 3000, 32>}, {transform_indices = @transform_2, window_bounds = array<i64: 120, 3000>}, {transform_indices = @transform_3, window_bounds = array<i64: 120, 3000>}, {transform_indices = @transform_4, window_bounds = array<i64: 120, 3000>}]} {
    %get3A = arith.constant 0 : index
    %get3A_0 = arith.constant 0 : index
    %get3A_1 = vector.load %arg1[%get3A, %get3A_0] : memref<120x32xf32, #tpu.memory_space<vmem>>, vector<120x32xf32>
    %get3A_2 = arith.constant 0 : index
    %get3A_3 = arith.constant 0 : index
    %get3A_4 = vector.load %arg2[%get3A_2, %get3A_3] : memref<3000x32xf32, #tpu.memory_space<vmem>>, vector<3000x32xf32>
    %dot_general3A = arith.constant dense<0.000000e+00> : vector<120x3000xf32>
    %dot_general3A_5 = tpu.matmul %get3A_1, %get3A_4, %dot_general3A {dimension_numbers = #tpu.dot_dimension_numbers<[1], [1], [0], [0], [0, 0, 1, 0], [], []>, transpose_lhs_hint = false} : vector<120x32xf32>, vector<3000x32xf32>, vector<120x3000xf32> -> vector<120x3000xf32>
    %logistic3A = arith.negf %dot_general3A_5 : vector<120x3000xf32>
    %logistic3A_6 = math.exp %logistic3A : vector<120x3000xf32>
    %logistic3A_7 = arith.constant 1.000000e+00 : f32
    %logistic3A_8 = vector.broadcast %logistic3A_7 : f32 to vector<120x3000xf32>
    %logistic3A_9 = arith.addf %logistic3A_8, %logistic3A_6 : vector<120x3000xf32>
    %logistic3A_10 = arith.divf %logistic3A_8, %logistic3A_9 : vector<120x3000xf32>
    %mul3A = arith.constant 120 : i32
    %mul3A_11 = arith.muli %arg0, %mul3A : i32
    %iota3A = tpu.iota {dimensions = array<i32: 0>} : vector<120x1xi32>
    %add3A = vector.broadcast %mul3A_11 : i32 to vector<120x1xi32>
    %add3A_12 = arith.addi %add3A, %iota3A : vector<120x1xi32>
    %iota3A_13 = tpu.iota {dimensions = array<i32: 1>} : vector<1x3000xi32>
    %ge3A = arith.constant 2250 : i32
    %ge3A_14 = vector.broadcast %ge3A : i32 to vector<120x1xi32>
    %ge3A_15 = arith.cmpi sge, %add3A_12, %ge3A_14 : vector<120x1xi32>
    %ge3A_16 = arith.constant 2250 : i32
    %ge3A_17 = vector.broadcast %ge3A_16 : i32 to vector<1x3000xi32>
    %ge3A_18 = arith.cmpi sge, %iota3A_13, %ge3A_17 : vector<1x3000xi32>
    %or3A = vector.broadcast %ge3A_15 : vector<120x1xi1> to vector<120x3000xi1>
    %or3A_19 = vector.broadcast %ge3A_18 : vector<1x3000xi1> to vector<120x3000xi1>
    %or3A_20 = arith.ori %or3A, %or3A_19 : vector<120x3000xi1>
    %swap3A = arith.constant 0 : index
    %swap3A_21 = arith.constant 0 : index
    %swap3A_22 = vector.load %arg4[%swap3A, %swap3A_21] : memref<120x3000xf32, #tpu.memory_space<vmem>>, vector<120x3000xf32>
    tpu.vector_store %arg4[%swap3A, %swap3A_21], %logistic3A_10 {strides = array<i32>} : memref<120x3000xf32, #tpu.memory_space<vmem>>, vector<120x3000xf32>,
    %get3A_23 = arith.constant 0 : index
    %get3A_24 = arith.constant 0 : index
    %get3A_25 = vector.load %arg3[%get3A_23, %get3A_24] : memref<120x3000xf32, #tpu.memory_space<vmem>>, vector<120x3000xf32>
    %select_n3A = arith.select %or3A_20, %logistic3A_10, %get3A_25 : vector<120x3000xi1>, vector<120x3000xf32>
    %swap3A_26 = arith.constant 0 : index
    %swap3A_27 = arith.constant 0 : index
    %swap3A_28 = vector.load %arg5[%swap3A_26, %swap3A_27] : memref<120x3000xf32, #tpu.memory_space<vmem>>, vector<120x3000xf32>
    tpu.vector_store %arg5[%swap3A_26, %swap3A_27], %select_n3A {strides = array<i32>} : memref<120x3000xf32, #tpu.memory_space<vmem>>, vector<120x3000xf32>,
    return
  }
  func.func @transform_0(%arg0: i32) -> (i32, i32) {
    %c0_i32 = arith.constant 0 : i32
    %c0_i32_0 = arith.constant 0 : i32
    return %arg0, %c0_i32 : i32, i32
  }
  func.func @transform_1(%arg0: i32) -> (i32, i32) {
    %c0_i32 = arith.constant 0 : i32
    %c0_i32_0 = arith.constant 0 : i32
    %c0_i32_1 = arith.constant 0 : i32
    return %c0_i32, %c0_i32_0 : i32, i32
  }
  func.func @transform_2(%arg0: i32) -> (i32, i32) {
    %c0_i32 = arith.constant 0 : i32
    %c0_i32_0 = arith.constant 0 : i32
    return %arg0, %c0_i32 : i32, i32
  }
  func.func @transform_3(%arg0: i32) -> (i32, i32) {
    %c0_i32 = arith.constant 0 : i32
    %c0_i32_0 = arith.constant 0 : i32
    return %arg0, %c0_i32 : i32, i32
  }
  func.func @transform_4(%arg0: i32) -> (i32, i32) {
    %c0_i32 = arith.constant 0 : i32
    %c0_i32_0 = arith.constant 0 : i32
    return %arg0, %c0_i32 : i32, i32
  }
}

module attributes {stable_mosaic.version = 14 : i64} {
  func.func @body(%arg0: i32, %arg1: memref<120x3000xf32, #tpu.memory_space<vmem>>, %arg2: memref<120x128xf32, #tpu.memory_space<vmem>>, %arg3: memref<3000x128xf32, #tpu.memory_space<vmem>>, %arg4: memref<1x32xf32, #tpu.memory_space<vmem>>, %arg5: memref<1x32xf32, #tpu.memory_space<vmem>>, %arg6: memref<1x32xf32, #tpu.memory_space<vmem>>, %arg7: memref<1x32xf32, #tpu.memory_space<vmem>>, %arg8: memref<1x32xf32, #tpu.memory_space<vmem>>, %arg9: memref<1x32xf32, #tpu.memory_space<vmem>>, %arg10: memref<1x32xf32, #tpu.memory_space<vmem>>, %arg11: memref<1x32xf32, #tpu.memory_space<vmem>>, %arg12: memref<1x32xf32, #tpu.memory_space<vmem>>, %arg13: memref<1x32xf32, #tpu.memory_space<vmem>>, %arg14: memref<1x32xf32, #tpu.memory_space<vmem>>, %arg15: memref<1x32xf32, #tpu.memory_space<vmem>>, %arg16: memref<120x128xf32, #tpu.memory_space<vmem>>) attributes {dimension_semantics = [#tpu.dimension_semantics<arbitrary>], iteration_bounds = array<i64: 25>, scalar_prefetch = 0 : i64, scratch_operands = 0 : i64, tpu.core_type = #tpu.core_type<tc>, window_params = [{transform_indices = @transform_0, window_bounds = array<i64: 120, 3000>}, {transform_indices = @transform_1, window_bounds = array<i64: 120, 128>}, {pipeline_mode = #tpu.pipeline_mode<synchronous>, transform_indices = @transform_2, window_bounds = array<i64: 3000, 128>}, {pipeline_mode = #tpu.pipeline_mode<synchronous>, transform_indices = @transform_3, window_bounds = array<i64: 1, 32>}, {pipeline_mode = #tpu.pipeline_mode<synchronous>, transform_indices = @transform_4, window_bounds = array<i64: 1, 32>}, {pipeline_mode = #tpu.pipeline_mode<synchronous>, transform_indices = @transform_5, window_bounds = array<i64: 1, 32>}, {pipeline_mode = #tpu.pipeline_mode<synchronous>, transform_indices = @transform_6, window_bounds = array<i64: 1, 32>}, {pipeline_mode = #tpu.pipeline_mode<synchronous>, transform_indices = @transform_7, window_bounds = array<i64: 1, 32>}, {pipeline_mode = #tpu.pipeline_mode<synchronous>, transform_indices = @transform_8, window_bounds = array<i64: 1, 32>}, {pipeline_mode = #tpu.pipeline_mode<synchronous>, transform_indices = @transform_9, window_bounds = array<i64: 1, 32>}, {pipeline_mode = #tpu.pipeline_mode<synchronous>, transform_indices = @transform_10, window_bounds = array<i64: 1, 32>}, {pipeline_mode = #tpu.pipeline_mode<synchronous>, transform_indices = @transform_11, window_bounds = array<i64: 1, 32>}, {pipeline_mode = #tpu.pipeline_mode<synchronous>, transform_indices = @transform_12, window_bounds = array<i64: 1, 32>}, {pipeline_mode = #tpu.pipeline_mode<synchronous>, transform_indices = @transform_13, window_bounds = array<i64: 1, 32>}, {pipeline_mode = #tpu.pipeline_mode<synchronous>, transform_indices = @transform_14, window_bounds = array<i64: 1, 32>}, {transform_indices = @transform_15, window_bounds = array<i64: 120, 128>}]} {
    %get3A = arith.constant 0 : index
    %get3A_0 = arith.constant 0 : index
    %get3A_1 = vector.load %arg1[%get3A, %get3A_0] : memref<120x3000xf32, #tpu.memory_space<vmem>>, vector<120x3000xf32>
    %get3A_2 = arith.constant 0 : index
    %get3A_3 = arith.constant 0 : index
    %get3A_4 = vector.load %arg2[%get3A_2, %get3A_3] : memref<120x128xf32, #tpu.memory_space<vmem>>, vector<120x128xf32>
    %get3A_5 = arith.constant 0 : index
    %get3A_6 = arith.constant 0 : index
    %get3A_7 = vector.load %arg3[%get3A_5, %get3A_6] : memref<3000x128xf32, #tpu.memory_space<vmem>>, vector<3000x128xf32>
    %slice3A = vector.extract_strided_slice %get3A_4 {offsets = [0, 0], sizes = [120, 32], strides = [1, 1]} : vector<120x128xf32> to vector<120x32xf32>
    %slice3A_8 = vector.extract_strided_slice %get3A_7 {offsets = [0, 0], sizes = [3000, 32], strides = [1, 1]} : vector<3000x128xf32> to vector<3000x32xf32>
    %get3A_9 = arith.constant 0 : index
    %get3A_10 = arith.constant 0 : index
    %get3A_11 = vector.load %arg4[%get3A_9, %get3A_10] : memref<1x32xf32, #tpu.memory_space<vmem>>, vector<1x32xf32>
    %transpose3A = tpu.transpose %get3A_11, [1, 0] : vector<1x32xf32> -> vector<32x1xf32>
    %dot_general3A = arith.constant dense<0.000000e+00> : vector<120x1xf32>
    %dot_general3A_12 = tpu.matmul %slice3A, %transpose3A, %dot_general3A {dimension_numbers = #tpu.dot_dimension_numbers<[1], [0], [0], [1], [0, 0, 1, 1], [], []>, transpose_lhs_hint = false} : vector<120x32xf32>, vector<32x1xf32>, vector<120x1xf32> -> vector<120x1xf32>
    %get3A_13 = arith.constant 0 : index
    %get3A_14 = arith.constant 0 : index
    %get3A_15 = vector.load %arg8[%get3A_13, %get3A_14] : memref<1x32xf32, #tpu.memory_space<vmem>>, vector<1x32xf32>
    %dot_general3A_16 = arith.constant dense<0.000000e+00> : vector<1x3000xf32>
    %dot_general3A_17 = tpu.matmul %get3A_15, %slice3A_8, %dot_general3A_16 {dimension_numbers = #tpu.dot_dimension_numbers<[1], [1], [0], [0], [0, 0, 1, 0], [], []>, transpose_lhs_hint = false} : vector<1x32xf32>, vector<3000x32xf32>, vector<1x3000xf32> -> vector<1x3000xf32>
    %add3A = vector.broadcast %dot_general3A_12 : vector<120x1xf32> to vector<120x3000xf32>
    %add3A_18 = vector.broadcast %dot_general3A_17 : vector<1x3000xf32> to vector<120x3000xf32>
    %add3A_19 = arith.addf %add3A, %add3A_18 : vector<120x3000xf32>
    %gt3A = arith.constant 0.000000e+00 : f32
    %gt3A_20 = vector.broadcast %gt3A : f32 to vector<120x3000xf32>
    %gt3A_21 = arith.cmpf ogt, %add3A_19, %gt3A_20 : vector<120x3000xf32>
    %mul3A = arith.constant 2.000000e-01 : f32
    %mul3A_22 = vector.broadcast %mul3A : f32 to vector<120x3000xf32>
    %mul3A_23 = arith.mulf %mul3A_22, %add3A_19 : vector<120x3000xf32>
    %select_n3A = arith.select %gt3A_21, %add3A_19, %mul3A_23 : vector<120x3000xi1>, vector<120x3000xf32>
    %reduce_max3A = arith.constant dense<0xFF800000> : vector<120xf32>
    %reduce_max3A_24 = vector.multi_reduction <maximumf>, %select_n3A, %reduce_max3A [1] : vector<120x3000xf32> to vector<120xf32>
    %broadcast_in_dim3A = vector.shape_cast %reduce_max3A_24 : vector<120xf32> to vector<120x1xf32>
    %sub3A = vector.broadcast %broadcast_in_dim3A : vector<120x1xf32> to vector<120x3000xf32>
    %sub3A_25 = arith.subf %select_n3A, %sub3A : vector<120x3000xf32>
    %exp3A = math.exp %sub3A_25 : vector<120x3000xf32>
    %reduce_sum3A = arith.constant dense<0.000000e+00> : vector<120xf32>
    %reduce_sum3A_26 = vector.multi_reduction <add>, %exp3A, %reduce_sum3A [1] : vector<120x3000xf32> to vector<120xf32>
    %broadcast_in_dim3A_27 = vector.shape_cast %reduce_sum3A_26 : vector<120xf32> to vector<120x1xf32>
    %div3A = vector.broadcast %broadcast_in_dim3A_27 : vector<120x1xf32> to vector<120x3000xf32>
    %div3A_28 = arith.divf %exp3A, %div3A : vector<120x3000xf32>
    %mul3A_29 = arith.mulf %div3A_28, %get3A_1 : vector<120x3000xf32>
    %dot_general3A_30 = arith.constant dense<0.000000e+00> : vector<120x32xf32>
    %dot_general3A_31 = tpu.matmul %mul3A_29, %slice3A_8, %dot_general3A_30 {dimension_numbers = #tpu.dot_dimension_numbers<[1], [0], [0], [1], [0, 0, 1, 1], [], []>, transpose_lhs_hint = false} : vector<120x3000xf32>, vector<3000x32xf32>, vector<120x32xf32> -> vector<120x32xf32>
    %slice3A_32 = vector.extract_strided_slice %get3A_4 {offsets = [0, 32], sizes = [120, 32], strides = [1, 1]} : vector<120x128xf32> to vector<120x32xf32>
    %slice3A_33 = vector.extract_strided_slice %get3A_7 {offsets = [0, 32], sizes = [3000, 32], strides = [1, 1]} : vector<3000x128xf32> to vector<3000x32xf32>
    %get3A_34 = arith.constant 0 : index
    %get3A_35 = arith.constant 0 : index
    %get3A_36 = vector.load %arg5[%get3A_34, %get3A_35] : memref<1x32xf32, #tpu.memory_space<vmem>>, vector<1x32xf32>
    %transpose3A_37 = tpu.transpose %get3A_36, [1, 0] : vector<1x32xf32> -> vector<32x1xf32>
    %dot_general3A_38 = arith.constant dense<0.000000e+00> : vector<120x1xf32>
    %dot_general3A_39 = tpu.matmul %slice3A_32, %transpose3A_37, %dot_general3A_38 {dimension_numbers = #tpu.dot_dimension_numbers<[1], [0], [0], [1], [0, 0, 1, 1], [], []>, transpose_lhs_hint = false} : vector<120x32xf32>, vector<32x1xf32>, vector<120x1xf32> -> vector<120x1xf32>
    %get3A_40 = arith.constant 0 : index
    %get3A_41 = arith.constant 0 : index
    %get3A_42 = vector.load %arg9[%get3A_40, %get3A_41] : memref<1x32xf32, #tpu.memory_space<vmem>>, vector<1x32xf32>
    %dot_general3A_43 = arith.constant dense<0.000000e+00> : vector<1x3000xf32>
    %dot_general3A_44 = tpu.matmul %get3A_42, %slice3A_33, %dot_general3A_43 {dimension_numbers = #tpu.dot_dimension_numbers<[1], [1], [0], [0], [0, 0, 1, 0], [], []>, transpose_lhs_hint = false} : vector<1x32xf32>, vector<3000x32xf32>, vector<1x3000xf32> -> vector<1x3000xf32>
    %add3A_45 = vector.broadcast %dot_general3A_39 : vector<120x1xf32> to vector<120x3000xf32>
    %add3A_46 = vector.broadcast %dot_general3A_44 : vector<1x3000xf32> to vector<120x3000xf32>
    %add3A_47 = arith.addf %add3A_45, %add3A_46 : vector<120x3000xf32>
    %gt3A_48 = arith.constant 0.000000e+00 : f32
    %gt3A_49 = vector.broadcast %gt3A_48 : f32 to vector<120x3000xf32>
    %gt3A_50 = arith.cmpf ogt, %add3A_47, %gt3A_49 : vector<120x3000xf32>
    %mul3A_51 = arith.constant 2.000000e-01 : f32
    %mul3A_52 = vector.broadcast %mul3A_51 : f32 to vector<120x3000xf32>
    %mul3A_53 = arith.mulf %mul3A_52, %add3A_47 : vector<120x3000xf32>
    %select_n3A_54 = arith.select %gt3A_50, %add3A_47, %mul3A_53 : vector<120x3000xi1>, vector<120x3000xf32>
    %reduce_max3A_55 = arith.constant dense<0xFF800000> : vector<120xf32>
    %reduce_max3A_56 = vector.multi_reduction <maximumf>, %select_n3A_54, %reduce_max3A_55 [1] : vector<120x3000xf32> to vector<120xf32>
    %broadcast_in_dim3A_57 = vector.shape_cast %reduce_max3A_56 : vector<120xf32> to vector<120x1xf32>
    %sub3A_58 = vector.broadcast %broadcast_in_dim3A_57 : vector<120x1xf32> to vector<120x3000xf32>
    %sub3A_59 = arith.subf %select_n3A_54, %sub3A_58 : vector<120x3000xf32>
    %exp3A_60 = math.exp %sub3A_59 : vector<120x3000xf32>
    %reduce_sum3A_61 = arith.constant dense<0.000000e+00> : vector<120xf32>
    %reduce_sum3A_62 = vector.multi_reduction <add>, %exp3A_60, %reduce_sum3A_61 [1] : vector<120x3000xf32> to vector<120xf32>
    %broadcast_in_dim3A_63 = vector.shape_cast %reduce_sum3A_62 : vector<120xf32> to vector<120x1xf32>
    %div3A_64 = vector.broadcast %broadcast_in_dim3A_63 : vector<120x1xf32> to vector<120x3000xf32>
    %div3A_65 = arith.divf %exp3A_60, %div3A_64 : vector<120x3000xf32>
    %mul3A_66 = arith.mulf %div3A_65, %get3A_1 : vector<120x3000xf32>
    %dot_general3A_67 = arith.constant dense<0.000000e+00> : vector<120x32xf32>
    %dot_general3A_68 = tpu.matmul %mul3A_66, %slice3A_33, %dot_general3A_67 {dimension_numbers = #tpu.dot_dimension_numbers<[1], [0], [0], [1], [0, 0, 1, 1], [], []>, transpose_lhs_hint = false} : vector<120x3000xf32>, vector<3000x32xf32>, vector<120x32xf32> -> vector<120x32xf32>
    %slice3A_69 = vector.extract_strided_slice %get3A_4 {offsets = [0, 64], sizes = [120, 32], strides = [1, 1]} : vector<120x128xf32> to vector<120x32xf32>
    %slice3A_70 = vector.extract_strided_slice %get3A_7 {offsets = [0, 64], sizes = [3000, 32], strides = [1, 1]} : vector<3000x128xf32> to vector<3000x32xf32>
    %get3A_71 = arith.constant 0 : index
    %get3A_72 = arith.constant 0 : index
    %get3A_73 = vector.load %arg6[%get3A_71, %get3A_72] : memref<1x32xf32, #tpu.memory_space<vmem>>, vector<1x32xf32>
    %transpose3A_74 = tpu.transpose %get3A_73, [1, 0] : vector<1x32xf32> -> vector<32x1xf32>
    %dot_general3A_75 = arith.constant dense<0.000000e+00> : vector<120x1xf32>
    %dot_general3A_76 = tpu.matmul %slice3A_69, %transpose3A_74, %dot_general3A_75 {dimension_numbers = #tpu.dot_dimension_numbers<[1], [0], [0], [1], [0, 0, 1, 1], [], []>, transpose_lhs_hint = false} : vector<120x32xf32>, vector<32x1xf32>, vector<120x1xf32> -> vector<120x1xf32>
    %get3A_77 = arith.constant 0 : index
    %get3A_78 = arith.constant 0 : index
    %get3A_79 = vector.load %arg10[%get3A_77, %get3A_78] : memref<1x32xf32, #tpu.memory_space<vmem>>, vector<1x32xf32>
    %dot_general3A_80 = arith.constant dense<0.000000e+00> : vector<1x3000xf32>
    %dot_general3A_81 = tpu.matmul %get3A_79, %slice3A_70, %dot_general3A_80 {dimension_numbers = #tpu.dot_dimension_numbers<[1], [1], [0], [0], [0, 0, 1, 0], [], []>, transpose_lhs_hint = false} : vector<1x32xf32>, vector<3000x32xf32>, vector<1x3000xf32> -> vector<1x3000xf32>
    %add3A_82 = vector.broadcast %dot_general3A_76 : vector<120x1xf32> to vector<120x3000xf32>
    %add3A_83 = vector.broadcast %dot_general3A_81 : vector<1x3000xf32> to vector<120x3000xf32>
    %add3A_84 = arith.addf %add3A_82, %add3A_83 : vector<120x3000xf32>
    %gt3A_85 = arith.constant 0.000000e+00 : f32
    %gt3A_86 = vector.broadcast %gt3A_85 : f32 to vector<120x3000xf32>
    %gt3A_87 = arith.cmpf ogt, %add3A_84, %gt3A_86 : vector<120x3000xf32>
    %mul3A_88 = arith.constant 2.000000e-01 : f32
    %mul3A_89 = vector.broadcast %mul3A_88 : f32 to vector<120x3000xf32>
    %mul3A_90 = arith.mulf %mul3A_89, %add3A_84 : vector<120x3000xf32>
    %select_n3A_91 = arith.select %gt3A_87, %add3A_84, %mul3A_90 : vector<120x3000xi1>, vector<120x3000xf32>
    %reduce_max3A_92 = arith.constant dense<0xFF800000> : vector<120xf32>
    %reduce_max3A_93 = vector.multi_reduction <maximumf>, %select_n3A_91, %reduce_max3A_92 [1] : vector<120x3000xf32> to vector<120xf32>
    %broadcast_in_dim3A_94 = vector.shape_cast %reduce_max3A_93 : vector<120xf32> to vector<120x1xf32>
    %sub3A_95 = vector.broadcast %broadcast_in_dim3A_94 : vector<120x1xf32> to vector<120x3000xf32>
    %sub3A_96 = arith.subf %select_n3A_91, %sub3A_95 : vector<120x3000xf32>
    %exp3A_97 = math.exp %sub3A_96 : vector<120x3000xf32>
    %reduce_sum3A_98 = arith.constant dense<0.000000e+00> : vector<120xf32>
    %reduce_sum3A_99 = vector.multi_reduction <add>, %exp3A_97, %reduce_sum3A_98 [1] : vector<120x3000xf32> to vector<120xf32>
    %broadcast_in_dim3A_100 = vector.shape_cast %reduce_sum3A_99 : vector<120xf32> to vector<120x1xf32>
    %div3A_101 = vector.broadcast %broadcast_in_dim3A_100 : vector<120x1xf32> to vector<120x3000xf32>
    %div3A_102 = arith.divf %exp3A_97, %div3A_101 : vector<120x3000xf32>
    %mul3A_103 = arith.mulf %div3A_102, %get3A_1 : vector<120x3000xf32>
    %dot_general3A_104 = arith.constant dense<0.000000e+00> : vector<120x32xf32>
    %dot_general3A_105 = tpu.matmul %mul3A_103, %slice3A_70, %dot_general3A_104 {dimension_numbers = #tpu.dot_dimension_numbers<[1], [0], [0], [1], [0, 0, 1, 1], [], []>, transpose_lhs_hint = false} : vector<120x3000xf32>, vector<3000x32xf32>, vector<120x32xf32> -> vector<120x32xf32>
    %slice3A_106 = vector.extract_strided_slice %get3A_4 {offsets = [0, 96], sizes = [120, 32], strides = [1, 1]} : vector<120x128xf32> to vector<120x32xf32>
    %slice3A_107 = vector.extract_strided_slice %get3A_7 {offsets = [0, 96], sizes = [3000, 32], strides = [1, 1]} : vector<3000x128xf32> to vector<3000x32xf32>
    %get3A_108 = arith.constant 0 : index
    %get3A_109 = arith.constant 0 : index
    %get3A_110 = vector.load %arg7[%get3A_108, %get3A_109] : memref<1x32xf32, #tpu.memory_space<vmem>>, vector<1x32xf32>
    %transpose3A_111 = tpu.transpose %get3A_110, [1, 0] : vector<1x32xf32> -> vector<32x1xf32>
    %dot_general3A_112 = arith.constant dense<0.000000e+00> : vector<120x1xf32>
    %dot_general3A_113 = tpu.matmul %slice3A_106, %transpose3A_111, %dot_general3A_112 {dimension_numbers = #tpu.dot_dimension_numbers<[1], [0], [0], [1], [0, 0, 1, 1], [], []>, transpose_lhs_hint = false} : vector<120x32xf32>, vector<32x1xf32>, vector<120x1xf32> -> vector<120x1xf32>
    %get3A_114 = arith.constant 0 : index
    %get3A_115 = arith.constant 0 : index
    %get3A_116 = vector.load %arg11[%get3A_114, %get3A_115] : memref<1x32xf32, #tpu.memory_space<vmem>>, vector<1x32xf32>
    %dot_general3A_117 = arith.constant dense<0.000000e+00> : vector<1x3000xf32>
    %dot_general3A_118 = tpu.matmul %get3A_116, %slice3A_107, %dot_general3A_117 {dimension_numbers = #tpu.dot_dimension_numbers<[1], [1], [0], [0], [0, 0, 1, 0], [], []>, transpose_lhs_hint = false} : vector<1x32xf32>, vector<3000x32xf32>, vector<1x3000xf32> -> vector<1x3000xf32>
    %add3A_119 = vector.broadcast %dot_general3A_113 : vector<120x1xf32> to vector<120x3000xf32>
    %add3A_120 = vector.broadcast %dot_general3A_118 : vector<1x3000xf32> to vector<120x3000xf32>
    %add3A_121 = arith.addf %add3A_119, %add3A_120 : vector<120x3000xf32>
    %gt3A_122 = arith.constant 0.000000e+00 : f32
    %gt3A_123 = vector.broadcast %gt3A_122 : f32 to vector<120x3000xf32>
    %gt3A_124 = arith.cmpf ogt, %add3A_121, %gt3A_123 : vector<120x3000xf32>
    %mul3A_125 = arith.constant 2.000000e-01 : f32
    %mul3A_126 = vector.broadcast %mul3A_125 : f32 to vector<120x3000xf32>
    %mul3A_127 = arith.mulf %mul3A_126, %add3A_121 : vector<120x3000xf32>
    %select_n3A_128 = arith.select %gt3A_124, %add3A_121, %mul3A_127 : vector<120x3000xi1>, vector<120x3000xf32>
    %reduce_max3A_129 = arith.constant dense<0xFF800000> : vector<120xf32>
    %reduce_max3A_130 = vector.multi_reduction <maximumf>, %select_n3A_128, %reduce_max3A_129 [1] : vector<120x3000xf32> to vector<120xf32>
    %broadcast_in_dim3A_131 = vector.shape_cast %reduce_max3A_130 : vector<120xf32> to vector<120x1xf32>
    %sub3A_132 = vector.broadcast %broadcast_in_dim3A_131 : vector<120x1xf32> to vector<120x3000xf32>
    %sub3A_133 = arith.subf %select_n3A_128, %sub3A_132 : vector<120x3000xf32>
    %exp3A_134 = math.exp %sub3A_133 : vector<120x3000xf32>
    %reduce_sum3A_135 = arith.constant dense<0.000000e+00> : vector<120xf32>
    %reduce_sum3A_136 = vector.multi_reduction <add>, %exp3A_134, %reduce_sum3A_135 [1] : vector<120x3000xf32> to vector<120xf32>
    %broadcast_in_dim3A_137 = vector.shape_cast %reduce_sum3A_136 : vector<120xf32> to vector<120x1xf32>
    %div3A_138 = vector.broadcast %broadcast_in_dim3A_137 : vector<120x1xf32> to vector<120x3000xf32>
    %div3A_139 = arith.divf %exp3A_134, %div3A_138 : vector<120x3000xf32>
    %mul3A_140 = arith.mulf %div3A_139, %get3A_1 : vector<120x3000xf32>
    %dot_general3A_141 = arith.constant dense<0.000000e+00> : vector<120x32xf32>
    %dot_general3A_142 = tpu.matmul %mul3A_140, %slice3A_107, %dot_general3A_141 {dimension_numbers = #tpu.dot_dimension_numbers<[1], [0], [0], [1], [0, 0, 1, 1], [], []>, transpose_lhs_hint = false} : vector<120x3000xf32>, vector<3000x32xf32>, vector<120x32xf32> -> vector<120x32xf32>
    %concatenate3A = tpu.concatenate %dot_general3A_31, %dot_general3A_68, %dot_general3A_105, %dot_general3A_142 in 1 : vector<120x32xf32>, vector<120x32xf32>, vector<120x32xf32>, vector<120x32xf32> -> vector<120x128xf32>
    %get3A_143 = arith.constant 0 : index
    %get3A_144 = arith.constant 0 : index
    %get3A_145 = vector.load %arg12[%get3A_143, %get3A_144] : memref<1x32xf32, #tpu.memory_space<vmem>>, vector<1x32xf32>
    %get3A_146 = arith.constant 0 : index
    %get3A_147 = arith.constant 0 : index
    %get3A_148 = vector.load %arg13[%get3A_146, %get3A_147] : memref<1x32xf32, #tpu.memory_space<vmem>>, vector<1x32xf32>
    %get3A_149 = arith.constant 0 : index
    %get3A_150 = arith.constant 0 : index
    %get3A_151 = vector.load %arg14[%get3A_149, %get3A_150] : memref<1x32xf32, #tpu.memory_space<vmem>>, vector<1x32xf32>
    %get3A_152 = arith.constant 0 : index
    %get3A_153 = arith.constant 0 : index
    %get3A_154 = vector.load %arg15[%get3A_152, %get3A_153] : memref<1x32xf32, #tpu.memory_space<vmem>>, vector<1x32xf32>
    %concatenate3A_155 = tpu.concatenate %get3A_145, %get3A_148, %get3A_151, %get3A_154 in 1 : vector<1x32xf32>, vector<1x32xf32>, vector<1x32xf32>, vector<1x32xf32> -> vector<1x128xf32>
    %add3A_156 = vector.broadcast %concatenate3A_155 : vector<1x128xf32> to vector<120x128xf32>
    %add3A_157 = arith.addf %concatenate3A, %add3A_156 : vector<120x128xf32>
    %gt3A_158 = arith.constant 0.000000e+00 : f32
    %gt3A_159 = vector.broadcast %gt3A_158 : f32 to vector<120x128xf32>
    %gt3A_160 = arith.cmpf ogt, %add3A_157, %gt3A_159 : vector<120x128xf32>
    %min3A = arith.constant 0.000000e+00 : f32
    %min3A_161 = vector.broadcast %min3A : f32 to vector<120x128xf32>
    %min3A_162 = arith.minimumf %add3A_157, %min3A_161 : vector<120x128xf32>
    %exp3A_163 = math.exp %min3A_162 : vector<120x128xf32>
    %sub3A_164 = arith.constant 1.000000e+00 : f32
    %sub3A_165 = vector.broadcast %sub3A_164 : f32 to vector<120x128xf32>
    %sub3A_166 = arith.subf %exp3A_163, %sub3A_165 : vector<120x128xf32>
    %select_n3A_167 = arith.select %gt3A_160, %add3A_157, %sub3A_166 : vector<120x128xi1>, vector<120x128xf32>
    %swap3A = arith.constant 0 : index
    %swap3A_168 = arith.constant 0 : index
    %swap3A_169 = vector.load %arg16[%swap3A, %swap3A_168] : memref<120x128xf32, #tpu.memory_space<vmem>>, vector<120x128xf32>
    tpu.vector_store %arg16[%swap3A, %swap3A_168], %select_n3A_167 {strides = array<i32>} : memref<120x128xf32, #tpu.memory_space<vmem>>, vector<120x128xf32>,
    return
  }
  func.func @transform_0(%arg0: i32) -> (i32, i32) {
    %c0_i32 = arith.constant 0 : i32
    %c0_i32_0 = arith.constant 0 : i32
    return %arg0, %c0_i32 : i32, i32
  }
  func.func @transform_1(%arg0: i32) -> (i32, i32) {
    %c0_i32 = arith.constant 0 : i32
    %c0_i32_0 = arith.constant 0 : i32
    return %arg0, %c0_i32 : i32, i32
  }
  func.func @transform_2(%arg0: i32) -> (i32, i32) {
    %c0_i32 = arith.constant 0 : i32
    %c0_i32_0 = arith.constant 0 : i32
    %c0_i32_1 = arith.constant 0 : i32
    return %c0_i32, %c0_i32_0 : i32, i32
  }
  func.func @transform_3(%arg0: i32) -> (i32, i32) {
    %c0_i32 = arith.constant 0 : i32
    %c0_i32_0 = arith.constant 0 : i32
    %c0_i32_1 = arith.constant 0 : i32
    return %c0_i32, %c0_i32_0 : i32, i32
  }
  func.func @transform_4(%arg0: i32) -> (i32, i32) {
    %c0_i32 = arith.constant 0 : i32
    %c0_i32_0 = arith.constant 0 : i32
    %c0_i32_1 = arith.constant 0 : i32
    return %c0_i32, %c0_i32_0 : i32, i32
  }
  func.func @transform_5(%arg0: i32) -> (i32, i32) {
    %c0_i32 = arith.constant 0 : i32
    %c0_i32_0 = arith.constant 0 : i32
    %c0_i32_1 = arith.constant 0 : i32
    return %c0_i32, %c0_i32_0 : i32, i32
  }
  func.func @transform_6(%arg0: i32) -> (i32, i32) {
    %c0_i32 = arith.constant 0 : i32
    %c0_i32_0 = arith.constant 0 : i32
    %c0_i32_1 = arith.constant 0 : i32
    return %c0_i32, %c0_i32_0 : i32, i32
  }
  func.func @transform_7(%arg0: i32) -> (i32, i32) {
    %c0_i32 = arith.constant 0 : i32
    %c0_i32_0 = arith.constant 0 : i32
    %c0_i32_1 = arith.constant 0 : i32
    return %c0_i32, %c0_i32_0 : i32, i32
  }
  func.func @transform_8(%arg0: i32) -> (i32, i32) {
    %c0_i32 = arith.constant 0 : i32
    %c0_i32_0 = arith.constant 0 : i32
    %c0_i32_1 = arith.constant 0 : i32
    return %c0_i32, %c0_i32_0 : i32, i32
  }
  func.func @transform_9(%arg0: i32) -> (i32, i32) {
    %c0_i32 = arith.constant 0 : i32
    %c0_i32_0 = arith.constant 0 : i32
    %c0_i32_1 = arith.constant 0 : i32
    return %c0_i32, %c0_i32_0 : i32, i32
  }
  func.func @transform_10(%arg0: i32) -> (i32, i32) {
    %c0_i32 = arith.constant 0 : i32
    %c0_i32_0 = arith.constant 0 : i32
    %c0_i32_1 = arith.constant 0 : i32
    return %c0_i32, %c0_i32_0 : i32, i32
  }
  func.func @transform_11(%arg0: i32) -> (i32, i32) {
    %c0_i32 = arith.constant 0 : i32
    %c0_i32_0 = arith.constant 0 : i32
    %c0_i32_1 = arith.constant 0 : i32
    return %c0_i32, %c0_i32_0 : i32, i32
  }
  func.func @transform_12(%arg0: i32) -> (i32, i32) {
    %c0_i32 = arith.constant 0 : i32
    %c0_i32_0 = arith.constant 0 : i32
    %c0_i32_1 = arith.constant 0 : i32
    return %c0_i32, %c0_i32_0 : i32, i32
  }
  func.func @transform_13(%arg0: i32) -> (i32, i32) {
    %c0_i32 = arith.constant 0 : i32
    %c0_i32_0 = arith.constant 0 : i32
    %c0_i32_1 = arith.constant 0 : i32
    return %c0_i32, %c0_i32_0 : i32, i32
  }
  func.func @transform_14(%arg0: i32) -> (i32, i32) {
    %c0_i32 = arith.constant 0 : i32
    %c0_i32_0 = arith.constant 0 : i32
    %c0_i32_1 = arith.constant 0 : i32
    return %c0_i32, %c0_i32_0 : i32, i32
  }
  func.func @transform_15(%arg0: i32) -> (i32, i32) {
    %c0_i32 = arith.constant 0 : i32
    %c0_i32_0 = arith.constant 0 : i32
    return %arg0, %c0_i32 : i32, i32
  }
}

module attributes {stable_mosaic.version = 14 : i64} {
  func.func @_mm_nb_body(%arg0: i32, %arg1: memref<512x128xf32, #tpu.memory_space<vmem>>, %arg2: memref<128x32xf32, #tpu.memory_space<vmem>>, %arg3: memref<512x32xf32, #tpu.memory_space<vmem>>) attributes {dimension_semantics = [#tpu.dimension_semantics<arbitrary>], iteration_bounds = array<i64: 6>, scalar_prefetch = 0 : i64, scratch_operands = 0 : i64, tpu.core_type = #tpu.core_type<tc>, window_params = [{transform_indices = @transform_0, window_bounds = array<i64: 512, 128>}, {pipeline_mode = #tpu.pipeline_mode<synchronous>, transform_indices = @transform_1, window_bounds = array<i64: 128, 32>}, {transform_indices = @transform_2, window_bounds = array<i64: 512, 32>}]} {
    %get3A = arith.constant 0 : index
    %get3A_0 = arith.constant 0 : index
    %get3A_1 = vector.load %arg1[%get3A, %get3A_0] : memref<512x128xf32, #tpu.memory_space<vmem>>, vector<512x128xf32>
    %get3A_2 = arith.constant 0 : index
    %get3A_3 = arith.constant 0 : index
    %get3A_4 = vector.load %arg2[%get3A_2, %get3A_3] : memref<128x32xf32, #tpu.memory_space<vmem>>, vector<128x32xf32>
    %dot_general3A = arith.constant dense<0.000000e+00> : vector<512x32xf32>
    %dot_general3A_5 = tpu.matmul %get3A_1, %get3A_4, %dot_general3A {dimension_numbers = #tpu.dot_dimension_numbers<[1], [0], [0], [1], [0, 0, 1, 1], [], []>, transpose_lhs_hint = false} : vector<512x128xf32>, vector<128x32xf32>, vector<512x32xf32> -> vector<512x32xf32>
    %swap3A = arith.constant 0 : index
    %swap3A_6 = arith.constant 0 : index
    %swap3A_7 = vector.load %arg3[%swap3A, %swap3A_6] : memref<512x32xf32, #tpu.memory_space<vmem>>, vector<512x32xf32>
    tpu.vector_store %arg3[%swap3A, %swap3A_6], %dot_general3A_5 {strides = array<i32>} : memref<512x32xf32, #tpu.memory_space<vmem>>, vector<512x32xf32>,
    return
  }
  func.func @transform_0(%arg0: i32) -> (i32, i32) {
    %c0_i32 = arith.constant 0 : i32
    %c0_i32_0 = arith.constant 0 : i32
    return %arg0, %c0_i32 : i32, i32
  }
  func.func @transform_1(%arg0: i32) -> (i32, i32) {
    %c0_i32 = arith.constant 0 : i32
    %c0_i32_0 = arith.constant 0 : i32
    %c0_i32_1 = arith.constant 0 : i32
    return %c0_i32, %c0_i32_0 : i32, i32
  }
  func.func @transform_2(%arg0: i32) -> (i32, i32) {
    %c0_i32 = arith.constant 0 : i32
    %c0_i32_0 = arith.constant 0 : i32
    return %arg0, %c0_i32 : i32, i32
  }
}

module attributes {stable_mosaic.version = 14 : i64} {
  func.func @body(%arg0: i32, %arg1: memref<120x3000xf32, #tpu.memory_space<vmem>>, %arg2: memref<120x32xf32, #tpu.memory_space<vmem>>, %arg3: memref<3000x32xf32, #tpu.memory_space<vmem>>, %arg4: memref<1x32xf32, #tpu.memory_space<vmem>>, %arg5: memref<1x32xf32, #tpu.memory_space<vmem>>, %arg6: memref<1x32xf32, #tpu.memory_space<vmem>>, %arg7: memref<120x32xf32, #tpu.memory_space<vmem>>) attributes {dimension_semantics = [#tpu.dimension_semantics<arbitrary>], iteration_bounds = array<i64: 25>, scalar_prefetch = 0 : i64, scratch_operands = 0 : i64, tpu.core_type = #tpu.core_type<tc>, window_params = [{transform_indices = @transform_0, window_bounds = array<i64: 120, 3000>}, {transform_indices = @transform_1, window_bounds = array<i64: 120, 32>}, {pipeline_mode = #tpu.pipeline_mode<synchronous>, transform_indices = @transform_2, window_bounds = array<i64: 3000, 32>}, {pipeline_mode = #tpu.pipeline_mode<synchronous>, transform_indices = @transform_3, window_bounds = array<i64: 1, 32>}, {pipeline_mode = #tpu.pipeline_mode<synchronous>, transform_indices = @transform_4, window_bounds = array<i64: 1, 32>}, {pipeline_mode = #tpu.pipeline_mode<synchronous>, transform_indices = @transform_5, window_bounds = array<i64: 1, 32>}, {transform_indices = @transform_6, window_bounds = array<i64: 120, 32>}]} {
    %get3A = arith.constant 0 : index
    %get3A_0 = arith.constant 0 : index
    %get3A_1 = vector.load %arg1[%get3A, %get3A_0] : memref<120x3000xf32, #tpu.memory_space<vmem>>, vector<120x3000xf32>
    %get3A_2 = arith.constant 0 : index
    %get3A_3 = arith.constant 0 : index
    %get3A_4 = vector.load %arg2[%get3A_2, %get3A_3] : memref<120x32xf32, #tpu.memory_space<vmem>>, vector<120x32xf32>
    %get3A_5 = arith.constant 0 : index
    %get3A_6 = arith.constant 0 : index
    %get3A_7 = vector.load %arg3[%get3A_5, %get3A_6] : memref<3000x32xf32, #tpu.memory_space<vmem>>, vector<3000x32xf32>
    %get3A_8 = arith.constant 0 : index
    %get3A_9 = arith.constant 0 : index
    %get3A_10 = vector.load %arg4[%get3A_8, %get3A_9] : memref<1x32xf32, #tpu.memory_space<vmem>>, vector<1x32xf32>
    %transpose3A = tpu.transpose %get3A_10, [1, 0] : vector<1x32xf32> -> vector<32x1xf32>
    %dot_general3A = arith.constant dense<0.000000e+00> : vector<120x1xf32>
    %dot_general3A_11 = tpu.matmul %get3A_4, %transpose3A, %dot_general3A {dimension_numbers = #tpu.dot_dimension_numbers<[1], [0], [0], [1], [0, 0, 1, 1], [], []>, transpose_lhs_hint = false} : vector<120x32xf32>, vector<32x1xf32>, vector<120x1xf32> -> vector<120x1xf32>
    %get3A_12 = arith.constant 0 : index
    %get3A_13 = arith.constant 0 : index
    %get3A_14 = vector.load %arg5[%get3A_12, %get3A_13] : memref<1x32xf32, #tpu.memory_space<vmem>>, vector<1x32xf32>
    %dot_general3A_15 = arith.constant dense<0.000000e+00> : vector<1x3000xf32>
    %dot_general3A_16 = tpu.matmul %get3A_14, %get3A_7, %dot_general3A_15 {dimension_numbers = #tpu.dot_dimension_numbers<[1], [1], [0], [0], [0, 0, 1, 0], [], []>, transpose_lhs_hint = false} : vector<1x32xf32>, vector<3000x32xf32>, vector<1x3000xf32> -> vector<1x3000xf32>
    %add3A = vector.broadcast %dot_general3A_11 : vector<120x1xf32> to vector<120x3000xf32>
    %add3A_17 = vector.broadcast %dot_general3A_16 : vector<1x3000xf32> to vector<120x3000xf32>
    %add3A_18 = arith.addf %add3A, %add3A_17 : vector<120x3000xf32>
    %gt3A = arith.constant 0.000000e+00 : f32
    %gt3A_19 = vector.broadcast %gt3A : f32 to vector<120x3000xf32>
    %gt3A_20 = arith.cmpf ogt, %add3A_18, %gt3A_19 : vector<120x3000xf32>
    %mul3A = arith.constant 2.000000e-01 : f32
    %mul3A_21 = vector.broadcast %mul3A : f32 to vector<120x3000xf32>
    %mul3A_22 = arith.mulf %mul3A_21, %add3A_18 : vector<120x3000xf32>
    %select_n3A = arith.select %gt3A_20, %add3A_18, %mul3A_22 : vector<120x3000xi1>, vector<120x3000xf32>
    %reduce_max3A = arith.constant dense<0xFF800000> : vector<120xf32>
    %reduce_max3A_23 = vector.multi_reduction <maximumf>, %select_n3A, %reduce_max3A [1] : vector<120x3000xf32> to vector<120xf32>
    %broadcast_in_dim3A = vector.shape_cast %reduce_max3A_23 : vector<120xf32> to vector<120x1xf32>
    %sub3A = vector.broadcast %broadcast_in_dim3A : vector<120x1xf32> to vector<120x3000xf32>
    %sub3A_24 = arith.subf %select_n3A, %sub3A : vector<120x3000xf32>
    %exp3A = math.exp %sub3A_24 : vector<120x3000xf32>
    %reduce_sum3A = arith.constant dense<0.000000e+00> : vector<120xf32>
    %reduce_sum3A_25 = vector.multi_reduction <add>, %exp3A, %reduce_sum3A [1] : vector<120x3000xf32> to vector<120xf32>
    %broadcast_in_dim3A_26 = vector.shape_cast %reduce_sum3A_25 : vector<120xf32> to vector<120x1xf32>
    %div3A = vector.broadcast %broadcast_in_dim3A_26 : vector<120x1xf32> to vector<120x3000xf32>
    %div3A_27 = arith.divf %exp3A, %div3A : vector<120x3000xf32>
    %mul3A_28 = arith.mulf %div3A_27, %get3A_1 : vector<120x3000xf32>
    %dot_general3A_29 = arith.constant dense<0.000000e+00> : vector<120x32xf32>
    %dot_general3A_30 = tpu.matmul %mul3A_28, %get3A_7, %dot_general3A_29 {dimension_numbers = #tpu.dot_dimension_numbers<[1], [0], [0], [1], [0, 0, 1, 1], [], []>, transpose_lhs_hint = false} : vector<120x3000xf32>, vector<3000x32xf32>, vector<120x32xf32> -> vector<120x32xf32>
    %get3A_31 = arith.constant 0 : index
    %get3A_32 = arith.constant 0 : index
    %get3A_33 = vector.load %arg6[%get3A_31, %get3A_32] : memref<1x32xf32, #tpu.memory_space<vmem>>, vector<1x32xf32>
    %add3A_34 = vector.broadcast %get3A_33 : vector<1x32xf32> to vector<120x32xf32>
    %add3A_35 = arith.addf %dot_general3A_30, %add3A_34 : vector<120x32xf32>
    %gt3A_36 = arith.constant 0.000000e+00 : f32
    %gt3A_37 = vector.broadcast %gt3A_36 : f32 to vector<120x32xf32>
    %gt3A_38 = arith.cmpf ogt, %add3A_35, %gt3A_37 : vector<120x32xf32>
    %min3A = arith.constant 0.000000e+00 : f32
    %min3A_39 = vector.broadcast %min3A : f32 to vector<120x32xf32>
    %min3A_40 = arith.minimumf %add3A_35, %min3A_39 : vector<120x32xf32>
    %exp3A_41 = math.exp %min3A_40 : vector<120x32xf32>
    %sub3A_42 = arith.constant 1.000000e+00 : f32
    %sub3A_43 = vector.broadcast %sub3A_42 : f32 to vector<120x32xf32>
    %sub3A_44 = arith.subf %exp3A_41, %sub3A_43 : vector<120x32xf32>
    %select_n3A_45 = arith.select %gt3A_38, %add3A_35, %sub3A_44 : vector<120x32xi1>, vector<120x32xf32>
    %swap3A = arith.constant 0 : index
    %swap3A_46 = arith.constant 0 : index
    %swap3A_47 = vector.load %arg7[%swap3A, %swap3A_46] : memref<120x32xf32, #tpu.memory_space<vmem>>, vector<120x32xf32>
    tpu.vector_store %arg7[%swap3A, %swap3A_46], %select_n3A_45 {strides = array<i32>} : memref<120x32xf32, #tpu.memory_space<vmem>>, vector<120x32xf32>,
    return
  }
  func.func @transform_0(%arg0: i32) -> (i32, i32) {
    %c0_i32 = arith.constant 0 : i32
    %c0_i32_0 = arith.constant 0 : i32
    return %arg0, %c0_i32 : i32, i32
  }
  func.func @transform_1(%arg0: i32) -> (i32, i32) {
    %c0_i32 = arith.constant 0 : i32
    %c0_i32_0 = arith.constant 0 : i32
    return %arg0, %c0_i32 : i32, i32
  }
  func.func @transform_2(%arg0: i32) -> (i32, i32) {
    %c0_i32 = arith.constant 0 : i32
    %c0_i32_0 = arith.constant 0 : i32
    %c0_i32_1 = arith.constant 0 : i32
    return %c0_i32, %c0_i32_0 : i32, i32
  }
  func.func @transform_3(%arg0: i32) -> (i32, i32) {
    %c0_i32 = arith.constant 0 : i32
    %c0_i32_0 = arith.constant 0 : i32
    %c0_i32_1 = arith.constant 0 : i32
    return %c0_i32, %c0_i32_0 : i32, i32
  }
  func.func @transform_4(%arg0: i32) -> (i32, i32) {
    %c0_i32 = arith.constant 0 : i32
    %c0_i32_0 = arith.constant 0 : i32
    %c0_i32_1 = arith.constant 0 : i32
    return %c0_i32, %c0_i32_0 : i32, i32
  }
  func.func @transform_5(%arg0: i32) -> (i32, i32) {
    %c0_i32 = arith.constant 0 : i32
    %c0_i32_0 = arith.constant 0 : i32
    %c0_i32_1 = arith.constant 0 : i32
    return %c0_i32, %c0_i32_0 : i32, i32
  }
  func.func @transform_6(%arg0: i32) -> (i32, i32) {
    %c0_i32 = arith.constant 0 : i32
    %c0_i32_0 = arith.constant 0 : i32
    return %arg0, %c0_i32 : i32, i32
  }
}

</mosaic_0001>

<sc_bundles>
// kernel: scatter_offload_async_start.1
scs
__scs_entry_jumppad:
0x0: {  	(pc) =	sbr.rel $0x88, $3  }
0x1: {  	(tag) =	ssettag $0x0;
	lr =	simm.s32 $0x1  }
0x2: {  	[smem:$0x3F4C] =	sst lr;
	_ =	strace $0xD0000000  }
0x3: {  	_ = 	snop  }
0x4: {  	_ = 	snop  }
0x5: {  	_ = 	snop  }
0x6: {  	_ = 	snop  }
0x7: {  	_ = 	snop  }
__scs_overlays_trampoline_lowered:
0x8: {  	[smem:$0x3F5B] =	sst s0  }
0x9: {  	[smem:$0x3F5C] =	sst s1  }
0xa: {  	[smem:$0x3F5D] =	sst s2  }
0xb: {  	[smem:$0x3F5E] =	sst s3  }
0xc: {  	[smem:$0x3F5F] =	sst s4  }
0xd: {  	[smem:$0x3F60] =	sst s5  }
0xe: {  	[smem:$0x3F61] =	sst s6  }
0xf: {  	[smem:$0x3F62] =	sst s7  }
0x10: {  	[smem:$0x3F63] =	sst s8  }
0x11: {  	[smem:$0x3F64] =	sst s9;
	s0 =	simm.s32 @!p0 $0x0  }
0x12: {  	s1 =	sld [smem:$0x3F4A];
	s0 =	simm.s32 @p0 $0x1  }
0x13: {  	[smem:$0x3F65] =	sst s0;
	s0 =	simm.s32 @!p1 $0x0  }
0x14: {  	s2 =	sld [smem:$0x3F49];
	s0 =	simm.s32 @p1 $0x1  }
0x15: {  	[smem:$0x3F66] =	sst s0;
	s0 =	simm.s32 @!p2 $0x0  }
0x16: {  	s3 =	sld [smem:$0x3FDB];
	s0 =	simm.s32 @p2 $0x1  }
0x17: {  	s4 =	simm.s32 $0x1BF5;
	[smem:$0x3F68] =	sst s0  }
0x18: {  	s0 =	sld [smem:$0x3F4B];
	_ =	swait.ge [sflag:s4], $0x0  }
0x19: {  	s7 =	sld [smem:$0x3F4C]  }
0x1a: {  	s8 =	sadd.s32 $0xFFFFE003, lr  }
0x1b: {  	s9 =	sadd.s32 $0xFFFFFEF7, lr;
	s5 =	simm.s32 $0xFFFFFFFF;
	p2 =	slt.u32 s8, $0xFFFFF086  }
0x1c: {  	p1 =	slt.u32 s9, $0xF7A;
	s5 =	simm.s32 @!p2 $0x0  }
0x1d: {  	s5 =	simm.s32 @p1 $0x1;
	p0 =	seq.s32 s7, s2  }
0x1e: {  	s7 =	smul.u32 @!p0 $0xF7A, s2;
	p2 =	seq.s32 @!p0 s5, $0x0  }
0x1f: {  	s9 =	smul.u32 $0xF7A, s1;
	s8 =	simm.s32 @!p0 $0x1BF5;
	p2 =	por !p2, p0  }
0x20: {  	[sflag:s8] =	ssyncset.s32 @!p0 $0xFFFFF086;
	s6 =	sadd.s32 @!p0 s3, s7;
	s7 =	simm.s32 @!p0 $0x108  }
0x21: {  	s3 =	sadd.s32 s3, s9;
	s6 =	sadd.s32 @!p0 $0x88, s6;
	s7 =	simm.s32 @p2 $0x1082  }
0x22: {  	[simem:s7], [sflag:s8] =	dma.local @!p0 [hbm:s6], $0xF7A  }
0x23: {  	s9 =	sor.u32 $0xD0000000, s2;
	s6 =	simm.s32 $0x108;
	_ =	swait.ge @!p0 [sflag:s8], $0x0  }
0x24: {  	s3 =	sadd.s32 $0x88, s3;
	s6 =	simm.s32 @!p1 $0x1082;
	[sflag:s4] =	ssyncset.s32 $0xFFFFF086  }
0x25: {  	[simem:s6], [sflag:s4] =	dma.local [hbm:s3], $0xF7A  }
0x26: {  	[smem:$0x3F4C] =	sst s1;
	(tag) =	ssettag s2;
	_ =	strace s9  }
0x27: {  	s1 =	sld [smem:$0x3F5C]  }
0x28: {  	s2 =	sld [smem:$0x3F5D]  }
0x29: {  	s4 =	sld [smem:$0x3F5F]  }
0x2a: {  	p0 =	seq.s32 s5, $0x0;
	s5 =	sld [smem:$0x3F60]  }
0x2b: {  	s6 =	sld [smem:$0x3F61]  }
0x2c: {  	s7 =	sld [smem:$0x3F62]  }
0x2d: {  	s3 =	simm.s32 $0x108;
	s8 =	sld [smem:$0x3F63]  }
0x2e: {  	s3 =	simm.s32 @!p0 $0x1082;
	s9 =	sld [smem:$0x3F64]  }
0x2f: {  	lr =	sadd.s32 s0, s3;
	s0 =	sld [smem:$0x3F5B]  }
0x30: {  	s3 =	sld [smem:$0x3F5E]  }
0x31: {  	[smem:$0x3F67] =	sst s10  }
0x32: {  	s10 =	sld [smem:$0x3F65];
	_ =	sdelay $0x3  }
0x33: {  	p0 =	seq.s32 s10, $0x1;
	s10 =	sld [smem:$0x3F67];
	_ =	sdelay $0x3  }
0x34: {  	[smem:$0x3F67] =	sst s10  }
0x35: {  	s10 =	sld [smem:$0x3F66];
	_ =	sdelay $0x3  }
0x36: {  	p1 =	seq.s32 s10, $0x1;
	s10 =	sld [smem:$0x3F67];
	_ =	sdelay $0x3  }
0x37: {  	[smem:$0x3F67] =	sst s10  }
0x38: {  	s10 =	sld [smem:$0x3F68]  }
0x39: {  	_ = 	snop;
	(pc) =	sbr.ind lr, $3  }
0x3a: {  	_ = 	snop  }
0x3b: {  	_ = 	snop  }
0x3c: {  	p2 =	seq.s32 s10, $0x1;
	s10 =	sld [smem:$0x3F67]  }
0x3d: {  	_ =	shalt  }
0x3e: {  	_ =	shalt  }
0x3f: {  	_ =	shalt  }
0x40: {  	_ =	shalt  }
0x41: {  	_ =	shalt  }
0x42: {  	_ =	shalt  }
0x43: {  	_ =	shalt  }
0x44: {  	_ =	shalt  }
0x45: {  	_ =	shalt  }
0x46: {  	_ =	shalt  }
0x47: {  	_ =	shalt  }
0x48: {  	_ =	shalt  }
0x49: {  	_ =	shalt  }
0x4a: {  	_ =	shalt  }
0x4b: {  	_ =	shalt  }
0x4c: {  	_ =	shalt  }
0x4d: {  	_ =	shalt  }
0x4e: {  	_ =	shalt  }
0x4f: {  	_ =	shalt  }
0x50: {  	_ =	shalt  }
0x51: {  	_ =	shalt  }
0x52: {  	_ =	shalt  }
0x53: {  	_ =	shalt  }
0x54: {  	_ =	shalt  }
0x55: {  	_ =	shalt  }
0x56: {  	_ =	shalt  }
0x57: {  	_ =	shalt  }
0x58: {  	_ =	shalt  }
0x59: {  	_ =	shalt  }
0x5a: {  	_ =	shalt  }
0x5b: {  	_ =	shalt  }
0x5c: {  	_ =	shalt  }
0x5d: {  	_ =	shalt  }
0x5e: {  	_ =	shalt  }
0x5f: {  	_ =	shalt  }
0x60: {  	_ =	shalt  }
0x61: {  	_ =	shalt  }
0x62: {  	_ =	shalt  }
0x63: {  	_ =	shalt  }
0x64: {  	_ =	shalt  }
0x65: {  	_ =	shalt  }
0x66: {  	_ =	shalt  }
0x67: {  	_ =	shalt  }
0x68: {  	_ =	shalt  }
0x69: {  	_ =	shalt  }
0x6a: {  	_ =	shalt  }
0x6b: {  	_ =	shalt  }
0x6c: {  	_ =	shalt  }
0x6d: {  	_ =	shalt  }
0x6e: {  	_ =	shalt  }
0x6f: {  	_ =	shalt  }
0x70: {  	_ =	shalt  }
0x71: {  	_ =	shalt  }
0x72: {  	_ =	shalt  }
0x73: {  	_ =	shalt  }
0x74: {  	_ =	shalt  }
0x75: {  	_ =	shalt  }
0x76: {  	_ =	shalt  }
0x77: {  	_ =	shalt  }
0x78: {  	_ =	shalt  }
0x79: {  	_ =	shalt  }
0x7a: {  	_ =	shalt  }
0x7b: {  	_ =	shalt  }
0x7c: {  	_ =	shalt  }
0x7d: {  	_ =	shalt  }
0x7e: {  	_ =	shalt  }
0x7f: {  	_ =	shalt  }
0x80: {  	_ =	shalt  }
0x81: {  	_ =	shalt  }
0x82: {  	_ =	shalt  }
0x83: {  	_ =	shalt  }
0x84: {  	_ =	shalt  }
0x85: {  	_ =	shalt  }
0x86: {  	_ =	shalt  }
0x87: {  	_ =	shalt  }
.Lfunc_end0:
.L_simem_size_0:
called_computation.1_lowered:
.L_overlay_start_0:
0x88: {  	s0 =	sld [smem:$0x3FD9]  }
0x89: {  	s1 =	sld [smem:$0x3FFE];
	_ =	sdelay $0x3  }
0x8a: {  	s0 =	sadd.s32 s1, s0  }
0x8b: {  	[smem:$0x3F73] =	sst s0  }
0x8c: {  	_ = 	snop  }
0x8d: {  	s0 =	sld [smem:$0x3FD0];
	_ =	sdelay $0x2  }
0x8e: {  	s13 =	simm.s32 $0xA;
	s2 =	simm.s32 $0x10  }
0x8f: {  	[smem:s2], [sflag:s13] =	dma.local [hbm:s0], $0x1  }
0x90: {  	_ =	swait.eq [sflag:s13], $0x1  }
0x91: {  	[sflag:s13] =	ssyncset.done $0x0  }
0x92: {  	s14 =	sld [smem:$0x10];
	[sflag:s13] =	ssyncadd.s32 $0xFFFFFFFF  }
0x93: {  	s15 =	sld [smem:$0x12];
	(tm) =	ssettm $0x1  }
0x94: {  	s16 =	sld [smem:$0x3FFB];
	_ =	sdelay $0x3  }
0x95: {  	_ =	strace s16  }
0x96: {  	s2 =	sld [smem:$0x3FFC];
	_ =	sdelay $0x3  }
0x97: {  	_ =	strace s2  }
0x98: {  	s2 =	sld [smem:$0x3FFD];
	_ =	sdelay $0x3  }
0x99: {  	_ =	strace s2  }
0x9a: {  	_ =	strace $0x8FFFFFFF  }
0x9b: {  	s17 =	sld [smem:$0x3FDB];
	_ =	sdelay $0x1  }
0x9c: {  	s3 =	simm.s32 $_scs_section_size  }
0x9d: {  	s4 =	simm.s32 $_size__tile_overlayer_lowered;
	s5 =	simm.s32 $_tile_overlayer_lowered  }
0x9e: {  	s20 =	simm.s32 $0x1BFF;
	s19 =	sshll.u32 s5, $0x1;
	s2 =	sadd.s32 s3, s17  }
0x9f: {  	s6 =	simm.s32 $0x0;
	s18 =	sshll.u32 s4, $0x1;
	s4 =	sadd.s32 s19, s2  }
0xa0: {  	[timem:s6], [sflag:s20] =	dma.local [hbm:s4], s18  }
0xa1: {  	_ =	swait.ge [sflag:s20], s18  }
0xa2: {  	s3 =	ssub.s32 $0x0, s18;
	[sflag:s20] =	ssyncset.done $0x0  }
0xa3: {  	[sflag:s20] =	ssyncadd.s32 s3;
	_ =	sdelay $0x1  }
0xa4: {  	s21 =	simm.s32 $0x1B8B  }
0xa5: {  	_ =	swait.ge [sflag:s21], $0x1  }
0xa6: {  	[sflag:s21] =	ssyncset.done $0x0  }
0xa7: {  	s23 =	simm.s32 $0x1B8E;
	s22 =	sld [smem:$0x3FFE];
	[sflag:s21] =	ssyncadd.s32 $0xFFFFFFFF  }
0xa8: {  	s24 =	simm.s32 $execute0_lowered;
	[smem:$0x3FD2] =	sst s23  }
0xa9: {  	s4 =	sshll.u32 s24, $0x1;
	_ =	strace $0x80000049;
	[dreg:$0x1] =	wrdreg $0xFFFFFFFF  }
0xaa: {  	s25 =	simm.s32 $_size_execute0_lowered;
	s2 =	sadd.s32 s2, s4;
	[dreg:$0x0] =	wrdreg $0x0  }
0xab: {  	s4 =	sshll.u32 s25, $0x1;
	[dreg:$0x2] =	wrdreg s2  }
0xac: {  	[dreg:$0x3] =	wrdreg s4  }
0xad: {  	[dreg:$0x4] =	wrdreg $0xC0  }
0xae: {  	_ =	task [dreg:s6], $0x5FFFF  }
0xaf: {  	[dreg:$0x1] =	wrdreg $0xFFFFFFFF  }
0xb0: {  	[dreg:$0x0] =	wrdreg $0x60  }
0xb1: {  	[dreg:$0x2] =	wrdreg s15  }
0xb2: {  	[dreg:$0x3] =	wrdreg s14  }
0xb3: {  	[dreg:$0x4] =	wrdreg s22  }
0xb4: {  	[dreg:$0x5] =	wrdreg $0x9  }
0xb5: {  	_ =	task.clear_ibuf [dreg:s6], $0x6FFFF;
	_ =	strace $0x90000049  }
0xb6: {  	s26 =	simm.s32 $0x9;
	_ =	strace $0x8000004B  }
0xb7: {  	_ =	swait.ge [sflag:s26], $0x1  }
0xb8: {  	[sflag:s26] =	ssyncadd.s32 $0xFFFFFFFF  }
0xb9: {  	_ =	strace $0x9000004B  }
0xba: {  	_ =	sfence  }
0xbb: {  	s28 =	sld [smem:$0x0];
	_ =	sdelay $0x1  }
0xbc: {  	s29 =	srdreg.scid  }
0xbd: {  	s30 =	sshll.u32 s29, $0xD;
	s31 =	sshrl.u32 s29, $0x2  }
0xbe: {  	s1 =	sand.u32 $0x1, s29;
	s2 =	sand.u32 $0x4000, s30;
	s0 =	sadd.s32 s31, s28  }
0xbf: {  	s1 =	sor.u32 s2, s1;
	s0 =	sshll.u32 s0, $0x11  }
0xc0: {  	s0 =	sor.u32 s0, s1  }
0xc1: {  	s0 =	sadd.s32 $0x8F2B, s0  }
0xc2: {  	[sflag:s0] =	ssyncadd.remote.s32 $0x1  }
0xc3: {  	_ =	sfence.sel $0xFFFF  }
0xc4: {  	[dreg:$0x0] =	wrdreg $0xFFFFFFFF;
	(pc) =	sbr.abs _section_cstart, $3  }
0xc5: {  	[dreg:$0x1] =	wrdreg $0xFFFFFFFF  }
0xc6: {  	_ =	task.clear_ibuf [dreg:s6], $0x2FFFF;
	_ =	strace $0x9FFFFFFF  }
0xc7: {  	(tm) =	ssettm $0x7FFFFFFF  }
tec
execute0_lowered:
.L_overlay_start_1:
0x0: {  	(tag) =	ssettag $0x1  }
0x1: {  	s1 =	rddreg [dreg:$0x0]  }
0x2: {  	s3 =	rddreg [dreg:$0x1]  }
0x3: {  	s0 =	rddreg [dreg:$0x2];
	s15 =	stileid.u32  }
0x4: {  	_ =	strace $0x8000004A;
	s5 =	smin.u32 s15, $0x8;
	s4 =	sshll.u32 s15, $0x1  }
0x5: {  	s2 =	simm.s32 $0x1;
	s6 =	simm.s32 $0x5DC0;
	s5 =	sadd.s32 s5, s4  }
0x6: {  	v1 =	vimm.s32 $0xFFFFFFFF;
	[sflag:s2] =	ssyncpa.u1 $0x0;
	p0 =	slt.u32 s15, $0x8;
	s5 =	smul.u32 $0x1F40, s5  }
0x7: {  	[tilespmem:$0x10] =	vst v1;
	s6 =	simm.s32 @!p0 $0x3E80  }
0x8: {  	v0 =	vimm.f32 $0.0e+00;
	[tilespmem:$0x20] =	vst v1;
	s6 =	sadd.s32 s6, s5  }
0x9: {  	[tilespmem:$0x30] =	vst v0;
	s6 =	smin.u32 s6, $0x4E200  }
0xa: {  	[tilespmem:$0x40] =	vst v0;
	s9 =	ssub.s32 s6, s5  }
0xb: {  	s30 =	simm.s32 $0x2;
	s8 =	simm.s32 $0x8;
	[tilespmem:$0x50] =	vst v0;
	p0 =	sgt.s32 s9, $0x0  }
0xc: {  	s31 =	simm.s32 $0x9;
	s16 =	simm.s32 $0x0;
	[tilespmem:$0x60] =	vst v1;
	s9 =	simm.s32 @!p0 $0x0  }
0xd: {  	s17 =	simm.s32 $0xF0;
	s18 =	simm.s32 $0xFFFFFFFF;
	[tilespmem:$0x70] =	vst v1;
	s7 =	smulhi.u32 $0x10624DD3, s9  }
0xe: {  	s19 =	simm.s32 $0xFFFFC280;
	s20 =	simm.s32 $0xFFFFFFFE;
	s21 =	simm.s32 $0xF;
	[tilespmem:$0x80] =	vst v1  }
0xf: {  	s25 =	simm.s32 $0x0;
	s24 =	simm.s32 $0x0;
	v1 =	vimm.s32 $0x0;
	[tilespmem:$0xB0] =	vst v0;
	s10 =	sshrl.u32 s7, $0x9  }
0x10: {  	s15 =	sshllo.u32 s15, $0x1;
	s13 =	sor.u32 $0x80, s4;
	[tilespmem:$0x90] =	vst v1;
	s11 =	smul.u32 $0x1F40, s10  }
.Ltmp0:
0x11: {  	[tilespmem:$0xA0] =	vst v1;
	[sflag:s30] =	ssyncpa.u1 $0x0;
	s7 =	simm.s32 $0x7;
	(pc) =	sbr.rel .LBB2_1-.Ltmp0, $4  }
0x12: {  	s14 =	sor.u32 $0x81, s4;
	[sflag:s7] =	ssyncpa.u1 $0x0;
	p0 =	sne.s32 s9, s11  }
0x13: {  	s23 =	smov.u32 s5;
	[sflag:s8] =	ssyncpa.u1 $0x0;
	s2 =	simm.s32 @!p0 $0x0  }
0x14: {  	vm0 =	vmmov $0xffff;
	v2 =	vlaneseq.u32;
	s9 =	sadd.s32 $0x7A00, s0;
	[sflag:s31] =	ssyncpa.u1 $0x0;
	s10 =	sadd.s32 s2, s10  }
0x15: {  	vm1 =	vmxor vm1, vm1;
	vm2 =	vmmov $0x1;
	vm3 =	vcmask $0x3F3C;
	p0 =	por $0x0, $0x0;
	s11 =	sadd.s32 $0x1, s10;
	s12 =	sadd.s32 $0x2, s10  }
.LBB2_9:
0x16: {  	p1 =	slt.u32 s24, $0x3  }
0x17: {  	s0 =	simm.s32 @!p1 $0x2  }
0x18: {  	_ =	swait.ge @!p1 [sflag:s0], $0x1F40  }
0x19: {  	[sflag:s0] =	ssyncset.done @!p1 $0x0  }
0x1a: {  	[sflag:s0] =	ssyncadd.s32 @!p1 $0xFFFFE0C0;
	s0 =	simm.s32 @!p1 $0x9  }
0x1b: {  	_ =	swait.ge @!p1 [sflag:s0], $0x10  }
0x1c: {  	[sflag:s0] =	ssyncset.done @!p1 $0x0  }
0x1d: {  	[sflag:s0] =	ssyncadd.s32 @!p1 $0xFFFFFFF0;
	p1 =	sne.s32 s24, s12  }
.Ltmp1:
0x1e: {  	s2 =	sadd.s32 $0x1F40, s23;
	(pc) =	sbr.rel @!p1 .LBB2_10-.Ltmp1, $4  }
0x1f: {  	s22 =	smov.u32 s5;
	s31 =	sadd.s32 $0x1, s24;
	s17 =	sadd.s32 $0x1F40, s17  }
0x20: {  	s18 =	sadd.s32 $0x1, s18;
	s25 =	smov.u32 s23;
	p2 =	slt.s32 s2, s6  }
0x21: {  	p0 =	por !p0, !p0;
	s19 =	sadd.s32 $0x1F40, s19;
	s22 =	smov.u32 @p2 s2  }
0x22: {  	s20 =	sadd.s32 $0x1, s20;
	s23 =	smov.u32 s22;
	s24 =	smov.u32 s31  }
.LBB2_1:
0x23: {  	p1 =	sge.u32 s24, s10  }
0x24: {  	s0 =	smulhi.u32 @!p1 $0xAAAAAAAB, s24;
	_ =	sdelay $0x1  }
0x25: {  	s0 =	sshrl.u32 @!p1 s0, $0x1  }
0x26: {  	s0 =	smul.u32 @!p1 $0x3, s0;
	_ =	sdelay $0x1  }
0x27: {  	s0 =	ssub.s32 @!p1 s24, s0  }
0x28: {  	s0 =	smul.u32 @!p1 $0x7D00, s0;
	_ =	sdelay $0x1  }
0x29: {  	s2 =	sshrl.u32 @!p1 s23, $0x3;
	s0 =	sshrl.u32 @!p1 s0, $0x2  }
0x2a: {  	s22 =	sand.u32 @!p1 $0x7, s23;
	s2 =	sadd.s32 @!p1 s3, s2;
	s0 =	sadd.s32 @!p1 $0x100, s0  }
0x2b: {  	[tilespmem:s0], [sflag:$0x7] =	stream.linear.gather @!p1 [hbm4b:s2+s22], $0x1F40, $0x38;
	[tilespmem:$0x11A60] =	vst v63  }
0x2c: {  	s0 =	sadd.s32 $0xFFFFFFFF, s24  }
0x2d: {  	p1 =	sge.u32 s0, s10  }
.Ltmp2:
0x2e: {  	_ = 	snop;
	(pc) =	sbr.rel @p1 .LBB2_5-.Ltmp2, $1  }
0x2f: {  	_ =	sdelay $0x3  }
0x30: {  	s2 =	smulhi.u32 $0xAAAAAAAB, s0;
	_ =	sdelay $0x1  }
0x31: {  	s2 =	sshrl.u32 s2, $0x1  }
0x32: {  	s2 =	smul.u32 $0x3, s2;
	_ =	sdelay $0x1  }
0x33: {  	s2 =	ssub.s32 s0, s2  }
0x34: {  	s2 =	smul.u32 $0x7D00, s2  }
0x35: {  	_ =	swait.ge [sflag:s7], $0x1F40  }
0x36: {  	[sflag:s7] =	ssyncset.done $0x0;
	s2 =	sshrl.u32 s2, $0x2  }
0x37: {  	[sflag:s7] =	ssyncadd.s32 $0xFFFFE0C0;
	(ifvalue) =	ssetifvalue $0xFFFFFFFF;
	v3 =	vld.msk [tilespmem:s2+$0x100 ss:$0x1], $0xffff;
	_ =	sdelay $0x2  }
0x38: {  	s30 =	smulhi.u32 $0xAAAAAAAB, s18;
	p1 =	sne.s32 s24, $0x1  }
0x39: {  	v4 =	vimm.s32 @!p1 $0x0  }
0x3a: {  	s2 =	sshrl.u32 s30, $0x1;
	v4 =	vperm.xlane @!p1 v3, v4  }
0x3b: {  	s22 =	sshll.u32 s24, $0x4;
	s2 =	smul.u32 $0xFFFE8900, s2;
	vm4 =	vlt.u32 v3, $0x2800  }
0x3c: {  	s22 =	sand.u32 $0x10, s22;
	v3 =	vnsel vm4, $0xFFFFFFFE, v3;
	vm4 =	vlt.u32 @!p1 v4, $0x2800  }
0x3d: {  	s2 =	sshra.s32 s2, $0x2;
	[tilespmem:s22+$0x60] =	vst v3;
	v3 =	vnsel @!p1 vm4, $0xFFFFFFFE, v4  }
0x3e: {  	s28 =	sadd.s32 s2, s17;
	[tilespmem:$0x80] =	vst @!p1 v3  }
0x3f: {  	v3 =	vld.msk [tilespmem:s28+$0x0 ss:$0x1], $0xffff;
	_ =	sdelay $0x4  }
0x40: {  	(xrf1) =	vunique.msk.u32 $0xffff, v3;
	_ =	sdelay $0xd  }
0x41: {  	v4 =	vimm.s32 $0xFFFFFFFF;
	v5, _, _ =	vpop (xrf1)  }
0x42: {  	vm5 =	vne.s32 v3, v4;
	vm4 =	veq.s32 v5, v2  }
0x43: {  	vm6 =	vlt.u32 v3, $0x2800;
	vm4 =	vmand vm5, vm4  }
0x44: {  	vm4 =	vmand vm6, vm4  }
0x45: {  	v4 =	vnsel vm4, $0xFFFFFFFF, v3  }
0x46: {  	s31 =	sand.u32 $0x1, s0  }
0x47: {  	s0 =	simm.s32 $0x1F40;
	p1 =	seq.s32 s31, $0x1  }
0x48: {  	s0 =	simm.s32 @!p1 $0x0  }
0x49: {  	s26 =	sadd.s32 $0x7DF0, s0;
	(ifvalue) =	ssetifvalue $0xFFFFFFFF  }
0x4a: {  	v3 =	vperm.xlane v3, v1;
	[tilespmem:s26], [sflag:$0x8] =	stream.indirect_vreg.gather [hbm4b:s1+s16], $0x1, v4, vm0, $0x4038;
	v4 =	vnsel vm6, $0xFFFFFFFE, v4;
	[tilespmem:$0x11A60] =	vst v63  }
0x4b: {  	s2 =	simm.s32 $0x0;
	s22 =	sadd.s32 $0xFFFFFFF0, s28;
	[tilespmem:s28+$0x0] =	vst v4  }
.LBB2_3:
0x4c: {  	v4 =	vld.msk [tilespmem:s22+$0x0 ss:$0x1], $0xffff;
	s2 =	sadd.s32 $0x10, s2;
	v5 =	vmov v3;
	s28 =	smov.u32 s22  }
0x4d: {  	p1 =	slt.u32 s2, $0x1F30;
	_ =	sdelay $0x4  }
0x4e: {  	v3 =	vperm.xlane v4, v1;
	(xrf1) =	vunique.msk.u32 $0xffff, v4;
	_ =	sdelay $0xd  }
0x4f: {  	v6, _, _ =	vpop (xrf1)  }
0x50: {  	vm5 =	vne.s32 v4, v5;
	vm4 =	veq.s32 v6, v2  }
0x51: {  	vm6 =	vlt.u32 v4, $0x2800;
	vm4 =	vmand vm5, vm4  }
0x52: {  	vm4 =	vmand vm6, vm4  }
0x53: {  	v4 =	vnsel vm4, $0xFFFFFFFF, v4  }
.Ltmp3:
0x54: {  	v5 =	vnsel vm6, $0xFFFFFFFE, v4;
	(pc) =	sbr.rel @p1 .LBB2_3-.Ltmp3, $3  }
0x55: {  	_ =	sdelay $0x1  }
0x56: {  	s22 =	sadd.s32 $0xFFFFFFF0, s22;
	s26 =	sadd.s32 $0xFFFFFFF0, s26;
	(ifvalue) =	ssetifvalue $0xFFFFFFFF  }
0x57: {  	[tilespmem:s26], [sflag:$0x8] =	stream.indirect_vreg.gather [hbm4b:s1+s16], $0x1, v4, vm0, $0x4038;
	[tilespmem:s28+$0x0] =	vst v5  }
0x58: {  	s2 =	sshrl.u32 s25, $0x3  }
0x59: {  	s0 =	sadd.s32 $0x9D40, s0;
	s2 =	sadd.s32 s9, s2  }
0x5a: {  	[tilespmem:s0], [sflag:$0x8] =	stream.linear.gather [hbm:s2], $0x1F40, $0x38;
	[tilespmem:$0x11A60] =	vst v63  }
.LBB2_5:
0x5b: {  	p1 =	slt.u32 s24, $0x2  }
0x5c: {  	p2 =	sge.u32 @!p1 s24, s12  }
0x5d: {  	p1 =	por p1, p2  }
.Ltmp4:
0x5e: {  	_ = 	snop;
	(pc) =	sbr.rel @p1 .LBB2_9-.Ltmp4, $1  }
0x5f: {  	_ =	sdelay $0x3  }
0x60: {  	s0 =	sadd.s32 $0xFFFFFFFE, s24  }
0x61: {  	s2 =	smulhi.u32 $0xAAAAAAAB, s0;
	_ =	sdelay $0x1  }
0x62: {  	s2 =	sshrl.u32 s2, $0x1  }
0x63: {  	s2 =	smul.u32 $0x3, s2;
	_ =	sdelay $0x1  }
0x64: {  	s0 =	ssub.s32 s0, s2  }
0x65: {  	_ =	swait.ge [sflag:s8], $0x3E80;
	s0 =	smul.u32 $0x1F40, s0  }
0x66: {  	p1 =	sne.s32 s24, s11;
	[sflag:s8] =	ssyncset.done $0x0  }
0x67: {  	[sflag:s8] =	ssyncadd.s32 $0xFFFFC180;
	s2 =	sadd.s32 @!p1 $0x203F, s0  }
0x68: {  	[spmem:s14] =	stream.linear.scatter @!p1 [tilespmem:s2], [sflag:$0x1], $0x1, $0x38;
	[tilespmem:$0x11A60] =	vst v63  }
0x69: {  	s2 =	simm.s32 @!p1 $0x1  }
0x6a: {  	_ =	swait.ge @!p1 [sflag:s2], $0x1  }
0x6b: {  	s22 =	sshll.u32 s24, $0x4;
	[sflag:s2] =	ssyncset.done @!p1 $0x0  }
0x6c: {  	s25 =	sand.u32 $0x10, s22;
	[sflag:s2] =	ssyncadd.s32 @!p1 $0xFFFFFFFF  }
0x6d: {  	s2 =	sxor.u32 $0x10, s25;
	v4 =	vld [tilespmem:s25+$0x10]  }
0x6e: {  	v5 =	vld [tilespmem:s2+$0x60]  }
0x6f: {  	v3 =	vld [tilespmem:$0x80];
	_ =	sdelay $0x2  }
0x70: {  	(v2sf) =	vpush v4, $0x0  }
0x71: {  	(v2sf) =	vpush v5, $0x0  }
0x72: {  	(v2sf) =	vpush v3, $0x0;
	_ =	sdelay $0xc  }
0x73: {  	s22 =	spop (v2sf)  }
0x74: {  	s26 =	spop (v2sf)  }
0x75: {  	s28 =	spop (v2sf)  }
0x76: {  	p2 =	seq.s32 s22, s26;
	p3 =	seq.s32 s28, s22  }
0x77: {  	p3 =	por p2, p3  }
0x78: {  	s26 =	sand.u32 $0x1, s24;
	v4 =	vpsel p3, $0xFFFFFFFF, v4  }
0x79: {  	s29 =	smul.u32 $0x1F40, s26;
	[tilespmem:s25+$0x10] =	vst.msk $0x1, v4  }
0x7a: {  	v4 =	vld [tilespmem:$0x30]  }
0x7b: {  	v5 =	vld [tilespmem:s29+$0x9D40]  }
0x7c: {  	v6 =	vld [tilespmem:s25+$0x40];
	_ =	sdelay $0x3  }
0x7d: {  	vm4 =	vmmov vm1;
	v5 =	vadd.f32 v5, v4  }
0x7e: {  	vm5 =	vmmov vm2;
	vm4 =	vmmov @p2 vm2;
	s22 =	sshll.u32 s26, $0x4;
	v4 =	vadd.f32 v6, v4  }
0x7f: {  	s26 =	sor.u32 $0x11A40, s22;
	vm5 =	vmmov @p3 vm1;
	[tilespmem:s29+$0x9D40] =	vst.msk vm4, v5  }
0x80: {  	[tilespmem:s26+$0x0] =	vst.msk vm5, v4  }
0x81: {  	v4 =	vld [tilespmem:s29+$0x7DF0];
	_ =	sdelay $0x3  }
0x82: {  	v5 =	vimm.f32 $0.0e+00  }
0x83: {  	v4 =	vshift.insert v4, v5, s21  }
0x84: {  	s22 =	sor.u32 $0x40, s2  }
0x85: {  	[tilespmem:s22+$0x0] =	vst.msk $0x1, v4  }
0x86: {  	[tilespmem:s29+$0x7DFF] =	vst.msk $0x1, v5  }
0x87: {  	v4 =	vld [tilespmem:s0+$0x2030];
	_ =	sdelay $0x1  }
0x88: {  	s22 =	smulhi.u32 $0xAAAAAAAB, s20;
	s0 =	simm.s32 $0x1  }
0x89: {  	s0 =	simm.s32 @!p0 $0x0  }
0x8a: {  	s22 =	sshrl.u32 s22, $0x1;
	s0 =	smul.u32 $0x7D00, s0  }
0x8b: {  	s22 =	smul.u32 $0xFFFE8900, s22;
	v4 =	vshift.insert v4, v1, s21  }
0x8c: {  	s0 =	sshrl.u32 s0, $0x2  }
0x8d: {  	s22 =	sshra.s32 s22, $0x2;
	s30 =	sadd.s32 $0x9D40, s0;
	[tilespmem:s2+$0x10] =	vst.msk $0x1, v4  }
0x8e: {  	s22 =	sadd.s32 s22, s19;
	v6 =	vld [tilespmem:s30+$0x0]  }
0x8f: {  	v7 =	vld [tilespmem:s22+$0x0];
	_ =	sdelay $0x3  }
0x90: {  	v5 =	vadd.f32 v6, v5  }
0x91: {  	vm4 =	vne.s32 v7, $0xFFFFFFFF  }
0x92: {  	(xrf2) =	vadd.seg.scan.f32 vm4, v5;
	_ =	sdelay $0x3  }
0x93: {  	s31 =	sadd.s32 $0x5EC0, s0;
	v5 =	vperm.xlane v4, v1  }
0x94: {  	v6 =	vld [tilespmem:s31+$0x0]  }
0x95: {  	vm5 =	veq.s32 v7, v3;
	vm6 =	veq.s32 v7, v5  }
0x96: {  	vm7 =	vgt.u32 v7, $0xFFFFFFFD;
	vm6 =	vmor vm6, vm5  }
0x97: {  	vm6 =	vmor vm6, vm7  }
0x98: {  	v9 =	vld [tilespmem:$0xA0];
	v7 =	vsel vm6, $0xFFFFFFFF, v7  }
0x99: {  	v10 =	vld [tilespmem:$0x90];
	v6 =	vsel vm5, $0x0, v6;
	v8, _, _ =	vpop (xrf2)  }
0x9a: {  	v6 =	vadd.f32 v8, v6  }
0x9b: {  	s0 =	sadd.s32 $0xDBC0, s0  }
0x9c: {  	vm4 =	vmand vm4, vm3;
	[tilespmem:s0+$0x0] =	vst v6;
	(ifvalue) =	ssetifvalue $0xFFFFFFFF  }
0x9d: {  	vm6 =	veq.s32 v9, $0x1;
	[hbm4b:s1+s16] =	stream.indirect_vreg.scatter [tilespmem:s0], [sflag:$0x2], $0x1, v7, vm0, $0x4038;
	v7 =	vsel vm4, $0x0, v8;
	[tilespmem:$0x11A60] =	vst v63  }
0x9e: {  	s2 =	simm.s32 $0x0;
	s22 =	sadd.s32 $0x10, s22;
	vm4 =	vmor vm6, vm5;
	v6 =	vsel vm5, v8, v10;
	v7 =	vshift.insert v7, v0, s21  }
.LBB2_7:
0x9f: {  	v8 =	vld [tilespmem:s22+$0x0];
	s30 =	sadd.s32 $0x10, s30  }
0xa0: {  	s31 =	sadd.s32 $0x10, s31;
	v9 =	vld [tilespmem:s30+$0x0]  }
0xa1: {  	s2 =	sadd.s32 $0x10, s2;
	v10 =	vld [tilespmem:s31+$0x0]  }
0xa2: {  	p2 =	slt.u32 s2, $0x1F30;
	_ =	sdelay $0x2  }
0xa3: {  	v7 =	vadd.f32 v9, v7  }
0xa4: {  	vm5 =	vne.s32 v8, $0xFFFFFFFF  }
0xa5: {  	vm6 =	vmand vm5, vm3;
	(xrf2) =	vadd.seg.scan.f32 vm5, v7;
	_ =	sdelay $0x5  }
0xa6: {  	vm7 =	veq.s32 v8, v5;
	vm5 =	veq.s32 v8, v3  }
0xa7: {  	vm8 =	vgt.u32 v8, $0xFFFFFFFD;
	vm4 =	vmor vm4, vm5;
	vm7 =	vmor vm7, vm5  }
0xa8: {  	vm7 =	vmor vm7, vm8  }
0xa9: {  	v8 =	vsel vm7, $0xFFFFFFFF, v8  }
.Ltmp5:
0xaa: {  	v7 =	vsel vm5, $0x0, v10;
	v9, _, _ =	vpop (xrf2);
	(pc) =	sbr.rel @p2 .LBB2_7-.Ltmp5, $4  }
0xab: {  	v6 =	vsel vm5, v9, v6;
	v10 =	vadd.f32 v9, v7;
	v7 =	vsel vm6, $0x0, v9  }
0xac: {  	s0 =	sadd.s32 $0x10, s0;
	v7 =	vshift.insert v7, v0, s21  }
0xad: {  	s22 =	sadd.s32 $0x10, s22;
	[tilespmem:s0+$0x0] =	vst v10;
	(ifvalue) =	ssetifvalue $0xFFFFFFFF  }
0xae: {  	[hbm4b:s1+s16] =	stream.indirect_vreg.scatter [tilespmem:s0], [sflag:$0x2], $0x1, v8, vm0, $0x4038;
	[tilespmem:$0x11A60] =	vst v63  }
0xaf: {  	v3 =	vld [tilespmem:s29+$0xFAF0];
	_ =	sdelay $0x4  }
0xb0: {  	v3 =	vshift.insert v3, v0, s21  }
0xb1: {  	s0 =	simm.s32 $0x30  }
0xb2: {  	[tilespmem:s0+$0x0] =	vst.msk $0x1, v3  }
0xb3: {  	v3 =	vsel vm4, $0x1, v1;
	[tilespmem:$0x90] =	vst v6  }
0xb4: {  	s0 =	sadd.s32 @!p1 $0xFAFF, s29;
	[tilespmem:$0xA0] =	vst v3  }
0xb5: {  	[spmem:s15] =	stream.linear.scatter @!p1 [tilespmem:s0], [sflag:$0x1], $0x1, $0x38;
	[tilespmem:$0x11A60] =	vst v63  }
0xb6: {  	s0 =	simm.s32 @!p1 $0x1  }
0xb7: {  	v3 =	vmctz.xlane @!p1 vm4;
	_ =	swait.ge @!p1 [sflag:s0], $0x1  }
0xb8: {  	(v2sf) =	vpush @!p1 v4, $0x0  }
0xb9: {  	(v2sf) =	vpush @!p1 v3, $0x0;
	_ =	sdelay $0xd  }
0xba: {  	s2 =	spop @!p1 (v2sf)  }
0xbb: {  	s22 =	spop @!p1 (v2sf)  }
0xbc: {  	p2 =	sne.s32 @!p1 s28, s2;
	p3 =	slt.s32 @!p1 s22, $0xF  }
0xbd: {  	[sflag:s0] =	ssyncset.done @!p1 $0x0;
	p2 =	por p2, p1;
	p3 =	por !p3, p1  }
0xbe: {  	[sflag:s0] =	ssyncadd.s32 @!p1 $0xFFFFFFFF;
	v3 =	vimm.s32 @!p2 $0xFFFFFFFF;
	s22 =	simm.s32 @p3 $0xF  }
0xbf: {  	[tilespmem:$0x80] =	vst @!p2 v3;
	s2 =	sadd.s32 @!p1 $0x90, s22  }
0xc0: {  	[spmem:s4] =	stream.linear.scatter @!p1 [tilespmem:s2], [sflag:$0x1], $0x1, $0x38;
	[tilespmem:$0x11A60] =	vst v63  }
0xc1: {  	_ =	swait.ge @!p1 [sflag:s0], $0x1  }
0xc2: {  	[sflag:s0] =	ssyncset.done @!p1 $0x0  }
0xc3: {  	s2 =	simm.s32 @!p1 $0x80;
	[sflag:s0] =	ssyncadd.s32 @!p1 $0xFFFFFFFF  }
0xc4: {  	[spmem:s13] =	stream.linear.scatter @!p1 [tilespmem:s2], [sflag:$0x1], $0x1, $0x38;
	[tilespmem:$0x11A60] =	vst v63  }
0xc5: {  	_ =	swait.ge @!p1 [sflag:s0], $0x1  }
0xc6: {  	[sflag:s0] =	ssyncset.done @!p1 $0x0  }
0xc7: {  	[sflag:s0] =	ssyncadd.s32 @!p1 $0xFFFFFFFF;
	(ifvalue) =	ssetifvalue $0xFFFFFFFF;
	v3 =	vld [tilespmem:s25+$0x10];
	_ =	sdelay $0x3  }
.Ltmp6:
0xc8: {  	_ = 	snop;
	(pc) =	sbr.rel .LBB2_9-.Ltmp6, $3  }
0xc9: {  	_ =	sdelay $0x1  }
0xca: {  	(ifvalue) =	ssetifvalue $0xFFFFFFFF  }
0xcb: {  	[hbm4b:s1+s16] =	stream.indirect_vreg.scatter [tilespmem:s26], [sflag:$0x9], $0x1, v3, vm0, $0x4038;
	[tilespmem:$0x11A60] =	vst v63  }
.LBB2_10:
0xcc: {  	_ =	sfence.sel $0x180000  }
0xcd: {  	s0 =	simm.s32 $0x7;
	[bflag:$0x0] =	sbarrier.arrive $0xFFFF  }
0xce: {  	s26 =	simm.s32 $0x8;
	[sflag:s0] =	ssyncpa.u1 $0x1  }
0xcf: {  	s28 =	simm.s32 $0x9;
	[sflag:s26] =	ssyncpa.u1 $0x1  }
0xd0: {  	[sflag:s28] =	ssyncpa.u1 $0x1  }
0xd1: {  	_ =	sfence.stream.spmem  }
0xd2: {  	s29 =	simm.s32 $0x3;
	[bflag:$0x0] =	sbarrier.arrive $0xFFFF  }
0xd3: {  	s30 =	simm.s32 $0x4;
	[sflag:s29] =	ssyncpa.u1 $0x1  }
0xd4: {  	s31 =	simm.s32 $0x3C;
	s2 =	stileid.u32;
	[sflag:s30] =	ssyncpa.u1 $0x1  }
0xd5: {  	p0 =	sne.s32 s2, $0x0;
	[sflag:s31] =	ssyncpa.u1 $0x1  }
0xd6: {  	s0 =	simm.s32 @p0 $0x1;
	_ =	sfence @p0  }
0xd7: {  	[sflag:s0] =	ssyncpa.u1 @p0 $0x1;
	s0 =	simm.s32 @p0 $0x2  }
0xd8: {  	[sflag:s0] =	ssyncpa.u1 @p0 $0x1  }
0xd9: {  	_ =	strace @p0 $0x9000004A  }
0xda: {  	[bflag:$0x2] =	sbarrier.arrive @p0 $0xFFFF  }
0xdb: {  	_ =	shalt @p0  }
.LBB2_11:
0xdc: {  	_ =	sfence.stream.spmem;
	s0 =	simm.s32 $0x5  }
0xdd: {  	s2 =	simm.s32 $0x80;
	s3 =	simm.s32 $0xC0;
	[sflag:s0] =	ssyncpa.u1 $0x0  }
0xde: {  	[tilespmem:s3], [sflag:$0x5] =	stream.linear.gather [spmem:s2], $0x20, $0x38;
	[tilespmem:$0x11A60] =	vst v63  }
0xdf: {  	s2 =	simm.s32 $0x0;
	s3 =	simm.s32 $0xE0  }
0xe0: {  	[tilespmem:s3], [sflag:$0x5] =	stream.linear.gather [spmem:s2], $0x20, $0x38;
	[tilespmem:$0x11A60] =	vst v63  }
.Ltmp7:
0xe1: {  	_ = 	snop;
	(pc) =	sbr.rel .LBB2_12-.Ltmp7, $4  }
0xe2: {  	_ =	swait.ge [sflag:s0], $0x40  }
0xe3: {  	[sflag:s0] =	ssyncset.done $0x0  }
0xe4: {  	s31 =	simm.s32 $0x6;
	[sflag:s0] =	ssyncadd.s32 $0xFFFFFFC0  }
0xe5: {  	s4 =	simm.s32 $0x0;
	[sflag:s31] =	ssyncpa.u1 $0x0  }
.LBB2_17:
0xe6: {  	p0 =	sgt.u32 s5, $0x27FF  }
0xe7: {  	s0 =	sshrl.u32 @!p0 s5, $0x3  }
0xe8: {  	s5 =	sand.u32 @!p0 $0x7, s5;
	s6 =	simm.s32 @!p0 $0xB0;
	s0 =	sadd.s32 @!p0 s1, s0  }
0xe9: {  	[tilespmem:s6], [sflag:$0x6] =	stream.linear.gather @!p0 [hbm4b:s0+s5], $0x1, $0x38;
	[tilespmem:$0x11A60] =	vst v63  }
0xea: {  	s0 =	simm.s32 @!p0 $0x6  }
0xeb: {  	_ =	swait.ge @!p0 [sflag:s0], $0x1  }
0xec: {  	[sflag:s0] =	ssyncset.done @!p0 $0x0  }
0xed: {  	[sflag:s0] =	ssyncadd.s32 @!p0 $0xFFFFFFFF  }
0xee: {  	v2 =	vmov @!p0 s4;
	v1 =	vld.msk @!p0 [tilespmem:$0xB0], $0x1;
	_ =	sdelay $0x3  }
0xef: {  	s0 =	simm.s32 @!p0 $0xE0  }
0xf0: {  	[tilespmem:v2+s0+$0x0], v1 =	vst.idx.ret.add.f32.msk @!p0 $0x1, v1  }
0xf1: {  	[tilespmem:s2+$0xC0] =	vst.msk $0x1, v0  }
0xf2: {  	v0 =	vld.msk [tilespmem:s4+$0xE0], $0x1;
	_ =	sdelay $0x4  }
0xf3: {  	[tilespmem:s2+$0xE0] =	vst.msk $0x1, v0;
	s2 =	sadd.s32 $0x1, s2  }
.LBB2_19:
0xf4: {  	s4 =	sadd.s32 $0x1, s4  }
0xf5: {  	p0 =	sne.s32 s4, $0x20  }
.Ltmp8:
0xf6: {  	_ = 	snop;
	(pc) =	sbr.rel @!p0 .LBB2_20-.Ltmp8, $1  }
0xf7: {  	_ =	sdelay $0x3  }
.LBB2_12:
0xf8: {  	v0 =	vld.msk [tilespmem:s4+$0xC0], $0x1;
	_ =	sdelay $0x4  }
0xf9: {  	(v2sf) =	vpush v0, $0x0;
	_ =	sdelay $0xe  }
0xfa: {  	s5 =	spop (v2sf)  }
0xfb: {  	p0 =	seq.s32 s5, $0xFFFFFFFF  }
.Ltmp9:
0xfc: {  	_ = 	snop;
	(pc) =	sbr.rel @p0 .LBB2_19-.Ltmp9, $1  }
0xfd: {  	_ =	sdelay $0x3  }
0xfe: {  	p0 =	slt.s32 s2, $0x1  }
.Ltmp10:
0xff: {  	_ = 	snop;
	(pc) =	sbr.rel @p0 .LBB2_17-.Ltmp10, $1  }
0x100: {  	_ =	sdelay $0x3  }
0x101: {  	s0 =	simm.s32 $0xC0;
	p0 =	por $0x0, $0x0  }
0x102: {  	v1 =	vld.msk @!p0 [tilespmem:s0+$0x0], $0x1;
	_ =	sdelay $0x4  }
0x103: {  	(v2sf) =	vpush @!p0 v1, $0x0;
	_ =	sdelay $0xd  }
0x104: {  	p2 =	sne.s32 s2, $0x1  }
.Ltmp11:
0x105: {  	s6 =	spop @!p0 (v2sf);
	(pc) =	sbr.rel @!p2 .LBB2_16-.Ltmp11, $4  }
0x106: {  	p1 =	seq.s32 @!p0 s5, s6  }
0x107: {  	s6 =	simm.s32 $0x0;
	p1 =	por !p1, p0  }
0x108: {  	s8 =	simm.s32 $0xFFFFFFFF;
	s6 =	simm.s32 @p1 $0xFFFFFFFF  }
0x109: {  	s7 =	simm.s32 $0x1;
	s6 =	smov.u32 @p0 s8  }
.LBB2_15:
0x10a: {  	s8 =	smov.u32 s6;
	p0 =	sne.s32 s6, $0xFFFFFFFF  }
0x10b: {  	s0 =	sadd.s32 $0x1, s0;
	s6 =	smov.u32 s7;
	s7 =	sadd.s32 $0x1, s7  }
0x10c: {  	p1 =	sne.s32 s2, s7;
	v1 =	vld.msk @!p0 [tilespmem:s0+$0x0], $0x1;
	_ =	sdelay $0x4  }
0x10d: {  	(v2sf) =	vpush @!p0 v1, $0x0;
	_ =	sdelay $0xe  }
.Ltmp12:
0x10e: {  	s9 =	spop @!p0 (v2sf);
	(pc) =	sbr.rel @p1 .LBB2_15-.Ltmp12, $4  }
0x10f: {  	p2 =	seq.s32 @!p0 s5, s9  }
0x110: {  	p2 =	por !p2, p0  }
0x111: {  	s6 =	simm.s32 @p2 $0xFFFFFFFF  }
0x112: {  	s6 =	smov.u32 @p0 s8  }
.LBB2_16:
0x113: {  	p0 =	sne.s32 s6, $0xFFFFFFFF  }
.Ltmp13:
0x114: {  	_ = 	snop;
	(pc) =	sbr.rel @!p0 .LBB2_17-.Ltmp13, $1  }
0x115: {  	_ =	sdelay $0x3  }
0x116: {  	v0 =	vld.msk [tilespmem:s4+$0xE0], $0x1;
	v1 =	vmov s6  }
.Ltmp14:
0x117: {  	_ = 	snop;
	(pc) =	sbr.rel .LBB2_19-.Ltmp14, $2  }
0x118: {  	_ =	sdelay $0x2  }
0x119: {  	[tilespmem:v1+s3+$0x0], v0 =	vst.idx.ret.add.f32.msk $0x1, v0  }
.LBB2_20:
0x11a: {  	p0 =	slt.s32 s2, $0x1  }
.Ltmp15:
0x11b: {  	_ = 	snop;
	(pc) =	sbr.rel @p0 .LBB2_24-.Ltmp15, $3  }
0x11c: {  	_ =	sdelay $0x1  }
0x11d: {  	s0 =	simm.s32 $0x6  }
0x11e: {  	s3 =	simm.s32 $0x0;
	[sflag:s0] =	ssyncpa.u1 $0x1  }
0x11f: {  	s0 =	simm.s32 $0xC0  }
0x120: {  	v0 =	vld.msk [tilespmem:s0+$0x0], $0x1;
	_ =	sdelay $0x4  }
0x121: {  	(v2sf) =	vpush v0, $0x0;
	_ =	sdelay $0xe  }
0x122: {  	s2 =	sadd.s32 $0xFFFFFFFF, s2;
	s4 =	spop (v2sf)  }
0x123: {  	p1 =	sne.s32 s2, $0x0;
	p0 =	sgt.u32 s4, $0x27FF  }
.Ltmp16:
0x124: {  	s5 =	sshrl.u32 @!p0 s4, $0x3;
	(pc) =	sbr.rel @!p1 .LBB2_23-.Ltmp16, $4  }
0x125: {  	s0 =	simm.s32 $0xE0;
	s4 =	sand.u32 @!p0 $0x7, s4;
	s5 =	sadd.s32 @!p0 s1, s5  }
0x126: {  	[hbm4b:s5+s4] =	stream.linear.scatter @!p0 [tilespmem:s0], [sflag:$0x5], $0x1, $0x38;
	[tilespmem:$0x11A60] =	vst v63  }
0x127: {  	s5 =	simm.s32 $0x0  }
0x128: {  	s4 =	simm.s32 $0xC1;
	s5 =	simm.s32 @!p0 $0x4  }
.LBB2_22:
0x129: {  	v0 =	vld.msk [tilespmem:s4+$0x0], $0x1;
	s2 =	sadd.s32 $0xFFFFFFFF, s2;
	s3 =	sadd.s32 s3, s5  }
0x12a: {  	p0 =	sne.s32 s2, $0x0;
	_ =	sdelay $0x3  }
0x12b: {  	(v2sf) =	vpush v0, $0x0;
	_ =	sdelay $0xe  }
.Ltmp17:
0x12c: {  	s6 =	spop (v2sf);
	(pc) =	sbr.rel @p0 .LBB2_22-.Ltmp17, $4  }
0x12d: {  	s5 =	simm.s32 $0x0;
	p1 =	sgt.u32 s6, $0x27FF  }
0x12e: {  	s0 =	sadd.s32 $0x1, s0;
	s5 =	simm.s32 @!p1 $0x4;
	s7 =	sshrl.u32 @!p1 s6, $0x3  }
0x12f: {  	s4 =	sadd.s32 $0x1, s4;
	s6 =	sand.u32 @!p1 $0x7, s6;
	s7 =	sadd.s32 @!p1 s1, s7  }
0x130: {  	[hbm4b:s7+s6] =	stream.linear.scatter @!p1 [tilespmem:s0], [sflag:$0x5], $0x1, $0x38;
	[tilespmem:$0x11A60] =	vst v63  }
.LBB2_23:
0x131: {  	s0 =	sadd.s32 s3, s5  }
0x132: {  	s3 =	sshrl.u32 s0, $0x2  }
.LBB2_24:
0x133: {  	s0 =	simm.s32 $0x5  }
0x134: {  	_ =	swait.ge [sflag:s0], s3  }
0x135: {  	s1 =	ssub.s32 $0x0, s3;
	[sflag:s0] =	ssyncset.done $0x0  }
0x136: {  	[sflag:s0] =	ssyncadd.s32 s1  }
0x137: {  	[sflag:s0] =	ssyncpa.u1 $0x1  }
0x138: {  	s29 =	simm.s32 $0x1;
	_ =	sfence  }
0x139: {  	s30 =	simm.s32 $0x2;
	[sflag:s29] =	ssyncpa.u1 $0x1  }
0x13a: {  	[sflag:s30] =	ssyncpa.u1 $0x1  }
0x13b: {  	_ =	strace $0x9000004A  }
0x13c: {  	[bflag:$0x2] =	sbarrier.arrive $0xFFFF  }
0x13d: {  	s31 =	rddreg [dreg:$0x3]  }
0x13e: {  	s0 =	sadd.s32 $0x100000, s31  }
0x13f: {  	[sflag:s0] =	ssyncadd.tile.s32 $0x1;
	_ =	shalt  }
.Lfunc_end2:
_tile_overlayer_lowered:
.L_overlay_start_2:
0x140: {  	(tag) =	ssettag $0x2  }
0x141: {  	s0 =	rddreg [dreg:$0x0];
	s2 =	stileid.u32  }
0x142: {  	s1 =	rddreg [dreg:$0x1];
	p0 =	sne.s32 s2, $0x0  }
0x143: {  	s3 =	rddreg [dreg:$0x2];
	[bflag:$0x3] =	sbarrier.arrive $0xFFFF;
	s2 =	simm.s32 @!p0 $0x1C01  }
0x144: {  	[timem:s3], [sflag:s2] =	dma.local @!p0 [hbm:s0], s1  }
0x145: {  	s0 =	simm.s32 @!p0 $0x1  }
0x146: {  	_ =	swait.ge @!p0 [sflag:s0], s1  }
0x147: {  	s1 =	ssub.s32 @!p0 $0x0, s1;
	[sflag:s0] =	ssyncset.done @!p0 $0x0  }
0x148: {  	[sflag:s0] =	ssyncadd.s32 @!p0 s1  }
0x149: {  	[bflag:$0x3] =	sbarrier.arrive $0xFFFF  }
0x14a: {  	_ =	shalt  }

// kernel: scatter_offload_async_start.2
scs
__scs_entry_jumppad:
0x0: {  	(pc) =	sbr.rel $0x88, $3  }
0x1: {  	(tag) =	ssettag $0x0;
	lr =	simm.s32 $0x1  }
0x2: {  	[smem:$0x3F4C] =	sst lr;
	_ =	strace $0xD0000000  }
0x3: {  	_ = 	snop  }
0x4: {  	_ = 	snop  }
0x5: {  	_ = 	snop  }
0x6: {  	_ = 	snop  }
0x7: {  	_ = 	snop  }
__scs_overlays_trampoline_lowered:
0x8: {  	[smem:$0x3F5B] =	sst s0  }
0x9: {  	[smem:$0x3F5C] =	sst s1  }
0xa: {  	[smem:$0x3F5D] =	sst s2  }
0xb: {  	[smem:$0x3F5E] =	sst s3  }
0xc: {  	[smem:$0x3F5F] =	sst s4  }
0xd: {  	[smem:$0x3F60] =	sst s5  }
0xe: {  	[smem:$0x3F61] =	sst s6  }
0xf: {  	[smem:$0x3F62] =	sst s7  }
0x10: {  	[smem:$0x3F63] =	sst s8  }
0x11: {  	[smem:$0x3F64] =	sst s9;
	s0 =	simm.s32 @!p0 $0x0  }
0x12: {  	s1 =	sld [smem:$0x3F4A];
	s0 =	simm.s32 @p0 $0x1  }
0x13: {  	[smem:$0x3F65] =	sst s0;
	s0 =	simm.s32 @!p1 $0x0  }
0x14: {  	s2 =	sld [smem:$0x3F49];
	s0 =	simm.s32 @p1 $0x1  }
0x15: {  	[smem:$0x3F66] =	sst s0;
	s0 =	simm.s32 @!p2 $0x0  }
0x16: {  	s3 =	sld [smem:$0x3FDB];
	s0 =	simm.s32 @p2 $0x1  }
0x17: {  	s4 =	simm.s32 $0x1BF5;
	[smem:$0x3F68] =	sst s0  }
0x18: {  	s0 =	sld [smem:$0x3F4B];
	_ =	swait.ge [sflag:s4], $0x0  }
0x19: {  	s7 =	sld [smem:$0x3F4C]  }
0x1a: {  	s8 =	sadd.s32 $0xFFFFE003, lr  }
0x1b: {  	s9 =	sadd.s32 $0xFFFFFEF7, lr;
	s5 =	simm.s32 $0xFFFFFFFF;
	p2 =	slt.u32 s8, $0xFFFFF086  }
0x1c: {  	p1 =	slt.u32 s9, $0xF7A;
	s5 =	simm.s32 @!p2 $0x0  }
0x1d: {  	s5 =	simm.s32 @p1 $0x1;
	p0 =	seq.s32 s7, s2  }
0x1e: {  	s7 =	smul.u32 @!p0 $0xF7A, s2;
	p2 =	seq.s32 @!p0 s5, $0x0  }
0x1f: {  	s9 =	smul.u32 $0xF7A, s1;
	s8 =	simm.s32 @!p0 $0x1BF5;
	p2 =	por !p2, p0  }
0x20: {  	[sflag:s8] =	ssyncset.s32 @!p0 $0xFFFFF086;
	s6 =	sadd.s32 @!p0 s3, s7;
	s7 =	simm.s32 @!p0 $0x108  }
0x21: {  	s3 =	sadd.s32 s3, s9;
	s6 =	sadd.s32 @!p0 $0x88, s6;
	s7 =	simm.s32 @p2 $0x1082  }
0x22: {  	[simem:s7], [sflag:s8] =	dma.local @!p0 [hbm:s6], $0xF7A  }
0x23: {  	s9 =	sor.u32 $0xD0000000, s2;
	s6 =	simm.s32 $0x108;
	_ =	swait.ge @!p0 [sflag:s8], $0x0  }
0x24: {  	s3 =	sadd.s32 $0x88, s3;
	s6 =	simm.s32 @!p1 $0x1082;
	[sflag:s4] =	ssyncset.s32 $0xFFFFF086  }
0x25: {  	[simem:s6], [sflag:s4] =	dma.local [hbm:s3], $0xF7A  }
0x26: {  	[smem:$0x3F4C] =	sst s1;
	(tag) =	ssettag s2;
	_ =	strace s9  }
0x27: {  	s1 =	sld [smem:$0x3F5C]  }
0x28: {  	s2 =	sld [smem:$0x3F5D]  }
0x29: {  	s4 =	sld [smem:$0x3F5F]  }
0x2a: {  	p0 =	seq.s32 s5, $0x0;
	s5 =	sld [smem:$0x3F60]  }
0x2b: {  	s6 =	sld [smem:$0x3F61]  }
0x2c: {  	s7 =	sld [smem:$0x3F62]  }
0x2d: {  	s3 =	simm.s32 $0x108;
	s8 =	sld [smem:$0x3F63]  }
0x2e: {  	s3 =	simm.s32 @!p0 $0x1082;
	s9 =	sld [smem:$0x3F64]  }
0x2f: {  	lr =	sadd.s32 s0, s3;
	s0 =	sld [smem:$0x3F5B]  }
0x30: {  	s3 =	sld [smem:$0x3F5E]  }
0x31: {  	[smem:$0x3F67] =	sst s10  }
0x32: {  	s10 =	sld [smem:$0x3F65];
	_ =	sdelay $0x3  }
0x33: {  	p0 =	seq.s32 s10, $0x1;
	s10 =	sld [smem:$0x3F67];
	_ =	sdelay $0x3  }
0x34: {  	[smem:$0x3F67] =	sst s10  }
0x35: {  	s10 =	sld [smem:$0x3F66];
	_ =	sdelay $0x3  }
0x36: {  	p1 =	seq.s32 s10, $0x1;
	s10 =	sld [smem:$0x3F67];
	_ =	sdelay $0x3  }
0x37: {  	[smem:$0x3F67] =	sst s10  }
0x38: {  	s10 =	sld [smem:$0x3F68]  }
0x39: {  	_ = 	snop;
	(pc) =	sbr.ind lr, $3  }
0x3a: {  	_ = 	snop  }
0x3b: {  	_ = 	snop  }
0x3c: {  	p2 =	seq.s32 s10, $0x1;
	s10 =	sld [smem:$0x3F67]  }
0x3d: {  	_ =	shalt  }
0x3e: {  	_ =	shalt  }
0x3f: {  	_ =	shalt  }
0x40: {  	_ =	shalt  }
0x41: {  	_ =	shalt  }
0x42: {  	_ =	shalt  }
0x43: {  	_ =	shalt  }
0x44: {  	_ =	shalt  }
0x45: {  	_ =	shalt  }
0x46: {  	_ =	shalt  }
0x47: {  	_ =	shalt  }
0x48: {  	_ =	shalt  }
0x49: {  	_ =	shalt  }
0x4a: {  	_ =	shalt  }
0x4b: {  	_ =	shalt  }
0x4c: {  	_ =	shalt  }
0x4d: {  	_ =	shalt  }
0x4e: {  	_ =	shalt  }
0x4f: {  	_ =	shalt  }
0x50: {  	_ =	shalt  }
0x51: {  	_ =	shalt  }
0x52: {  	_ =	shalt  }
0x53: {  	_ =	shalt  }
0x54: {  	_ =	shalt  }
0x55: {  	_ =	shalt  }
0x56: {  	_ =	shalt  }
0x57: {  	_ =	shalt  }
0x58: {  	_ =	shalt  }
0x59: {  	_ =	shalt  }
0x5a: {  	_ =	shalt  }
0x5b: {  	_ =	shalt  }
0x5c: {  	_ =	shalt  }
0x5d: {  	_ =	shalt  }
0x5e: {  	_ =	shalt  }
0x5f: {  	_ =	shalt  }
0x60: {  	_ =	shalt  }
0x61: {  	_ =	shalt  }
0x62: {  	_ =	shalt  }
0x63: {  	_ =	shalt  }
0x64: {  	_ =	shalt  }
0x65: {  	_ =	shalt  }
0x66: {  	_ =	shalt  }
0x67: {  	_ =	shalt  }
0x68: {  	_ =	shalt  }
0x69: {  	_ =	shalt  }
0x6a: {  	_ =	shalt  }
0x6b: {  	_ =	shalt  }
0x6c: {  	_ =	shalt  }
0x6d: {  	_ =	shalt  }
0x6e: {  	_ =	shalt  }
0x6f: {  	_ =	shalt  }
0x70: {  	_ =	shalt  }
0x71: {  	_ =	shalt  }
0x72: {  	_ =	shalt  }
0x73: {  	_ =	shalt  }
0x74: {  	_ =	shalt  }
0x75: {  	_ =	shalt  }
0x76: {  	_ =	shalt  }
0x77: {  	_ =	shalt  }
0x78: {  	_ =	shalt  }
0x79: {  	_ =	shalt  }
0x7a: {  	_ =	shalt  }
0x7b: {  	_ =	shalt  }
0x7c: {  	_ =	shalt  }
0x7d: {  	_ =	shalt  }
0x7e: {  	_ =	shalt  }
0x7f: {  	_ =	shalt  }
0x80: {  	_ =	shalt  }
0x81: {  	_ =	shalt  }
0x82: {  	_ =	shalt  }
0x83: {  	_ =	shalt  }
0x84: {  	_ =	shalt  }
0x85: {  	_ =	shalt  }
0x86: {  	_ =	shalt  }
0x87: {  	_ =	shalt  }
.Lfunc_end0:
.L_simem_size_0:
called_computation.2_lowered:
.L_overlay_start_0:
0x88: {  	s2 =	sld [smem:$0x3FD9]  }
0x89: {  	s3 =	sld [smem:$0x3FFE];
	_ =	sdelay $0x1  }
0x8a: {  	s1 =	srdreg.scid  }
0x8b: {  	s0 =	sand.u32 $0x1, s1  }
0x8c: {  	s15 =	sshll.u32 s0, $0xA;
	s2 =	sadd.s32 s3, s2  }
0x8d: {  	s2 =	sadd.s32 s2, s15  }
0x8e: {  	[smem:$0x3F73] =	sst s2  }
0x8f: {  	_ = 	snop  }
0x90: {  	(tm) =	ssettm $0x1  }
0x91: {  	s16 =	sld [smem:$0x3FFB];
	_ =	sdelay $0x3  }
0x92: {  	_ =	strace s16  }
0x93: {  	s2 =	sld [smem:$0x3FFC];
	_ =	sdelay $0x3  }
0x94: {  	_ =	strace s2  }
0x95: {  	s2 =	sld [smem:$0x3FFD];
	_ =	sdelay $0x3  }
0x96: {  	_ =	strace s2  }
0x97: {  	_ =	strace $0x8FFFFFFF  }
0x98: {  	s17 =	sld [smem:$0x3FDB];
	_ =	sdelay $0x1  }
0x99: {  	s18 =	simm.s32 $_scs_section_size  }
0x9a: {  	s4 =	simm.s32 $_size__tile_overlayer_lowered;
	s5 =	simm.s32 $_tile_overlayer_lowered  }
0x9b: {  	s21 =	simm.s32 $0x1BFF;
	s20 =	sshll.u32 s5, $0x1;
	s2 =	sadd.s32 s18, s17  }
0x9c: {  	s6 =	simm.s32 $0x0;
	s19 =	sshll.u32 s4, $0x1;
	s4 =	sadd.s32 s20, s2  }
0x9d: {  	[timem:s6], [sflag:s21] =	dma.local [hbm:s4], s19  }
0x9e: {  	_ =	swait.ge [sflag:s21], s19  }
0x9f: {  	s3 =	ssub.s32 $0x0, s19;
	[sflag:s21] =	ssyncset.done $0x0  }
0xa0: {  	[sflag:s21] =	ssyncadd.s32 s3;
	_ =	sdelay $0x1  }
0xa1: {  	s22 =	simm.s32 $0x1B8B  }
0xa2: {  	_ =	swait.ge [sflag:s22], $0x1  }
0xa3: {  	[sflag:s22] =	ssyncset.done $0x0  }
0xa4: {  	s23 =	sld [smem:$0x3FFE];
	[sflag:s22] =	ssyncadd.s32 $0xFFFFFFFF  }
0xa5: {  	s25 =	simm.s32 $0x1B8E;
	s24 =	sld [smem:$0x0]  }
0xa6: {  	s26 =	simm.s32 $execute0_lowered;
	[smem:$0x3FD2] =	sst s25  }
0xa7: {  	s5 =	sshll.u32 s26, $0x1;
	_ =	strace $0x8000004C;
	[dreg:$0x1] =	wrdreg $0xFFFFFFFF  }
0xa8: {  	s28 =	simm.s32 $_size_execute0_lowered;
	s2 =	sadd.s32 s2, s5;
	[dreg:$0x0] =	wrdreg $0x0  }
0xa9: {  	s5 =	sshll.u32 s28, $0x1;
	[dreg:$0x2] =	wrdreg s2  }
0xaa: {  	[dreg:$0x3] =	wrdreg s5  }
0xab: {  	[dreg:$0x4] =	wrdreg $0xC0  }
0xac: {  	_ =	task [dreg:s6], $0x5FFFF  }
0xad: {  	[dreg:$0x1] =	wrdreg $0xFFFFFFFF  }
0xae: {  	[dreg:$0x0] =	wrdreg $0x60  }
0xaf: {  	[dreg:$0x2] =	wrdreg s23  }
0xb0: {  	[dreg:$0x3] =	wrdreg s1  }
0xb1: {  	[dreg:$0x4] =	wrdreg s24  }
0xb2: {  	[dreg:$0x5] =	wrdreg $0x9  }
0xb3: {  	_ =	task.clear_ibuf [dreg:s6], $0x6FFFF;
	_ =	strace $0x9000004C  }
0xb4: {  	s29 =	simm.s32 $0x9;
	_ =	strace $0x8000004E  }
0xb5: {  	_ =	swait.ge [sflag:s29], $0x1  }
0xb6: {  	[sflag:s29] =	ssyncadd.s32 $0xFFFFFFFF  }
0xb7: {  	_ =	strace $0x9000004E  }
0xb8: {  	_ =	sfence  }
0xb9: {  	s30 =	sld [smem:$0x0];
	_ =	sdelay $0x2  }
0xba: {  	s31 =	sshll.u32 s1, $0xD;
	s1 =	sshrl.u32 s1, $0x2  }
0xbb: {  	s3 =	sand.u32 $0x4000, s31;
	s1 =	sadd.s32 s1, s30  }
0xbc: {  	s0 =	sor.u32 s3, s0;
	s1 =	sshll.u32 s1, $0x11  }
0xbd: {  	s0 =	sor.u32 s1, s0  }
0xbe: {  	s0 =	sadd.s32 $0x8F2B, s0  }
0xbf: {  	[sflag:s0] =	ssyncadd.remote.s32 $0x1  }
0xc0: {  	_ =	sfence.sel $0xFFFF  }
0xc1: {  	[dreg:$0x0] =	wrdreg $0xFFFFFFFF;
	(pc) =	sbr.abs _section_cstart, $3  }
0xc2: {  	[dreg:$0x1] =	wrdreg $0xFFFFFFFF  }
0xc3: {  	_ =	task.clear_ibuf [dreg:s6], $0x2FFFF;
	_ =	strace $0x9FFFFFFF  }
0xc4: {  	(tm) =	ssettm $0x7FFFFFFF  }
0xc5: {  	_ =	shalt  }
tec
execute0_lowered:
.L_overlay_start_1:
0x0: {  	(tag) =	ssettag $0x1  }
0x1: {  	s7 =	rddreg [dreg:$0x0]  }
0x2: {  	s2 =	rddreg [dreg:$0x1];
	_ =	strace $0x8000004D;
	s3 =	simm.s32 $0x1  }
0x3: {  	v0 =	vimm.s32 $0x0;
	[sflag:s3] =	ssyncpa.u1 $0x0  }
0x4: {  	[tilespmem:$0x48] =	vst v0  }
0x5: {  	[tilespmem:$0x58] =	vst v0  }
0x6: {  	[tilespmem:$0x68] =	vst v0  }
0x7: {  	[tilespmem:$0x78] =	vst v0  }
0x8: {  	[tilespmem:$0x88] =	vst v0  }
0x9: {  	[tilespmem:$0x98] =	vst v0  }
0xa: {  	[tilespmem:$0xA8] =	vst v0  }
0xb: {  	[tilespmem:$0xB8] =	vst v0  }
0xc: {  	[tilespmem:$0xC8] =	vst v0  }
0xd: {  	[tilespmem:$0xD8] =	vst v0  }
0xe: {  	[tilespmem:$0xE8] =	vst v0  }
0xf: {  	[tilespmem:$0xF8] =	vst v0  }
0x10: {  	[tilespmem:$0x108] =	vst v0  }
0x11: {  	[tilespmem:$0x118] =	vst v0  }
0x12: {  	[tilespmem:$0x128] =	vst v0  }
0x13: {  	[tilespmem:$0x138] =	vst v0  }
0x14: {  	[tilespmem:$0x148] =	vst v0  }
0x15: {  	[tilespmem:$0x158] =	vst v0  }
0x16: {  	[tilespmem:$0x168] =	vst v0  }
0x17: {  	[tilespmem:$0x178] =	vst v0  }
0x18: {  	[tilespmem:$0x188] =	vst v0  }
0x19: {  	[tilespmem:$0x198] =	vst v0  }
0x1a: {  	[tilespmem:$0x1A8] =	vst v0  }
0x1b: {  	[tilespmem:$0x1B8] =	vst v0  }
0x1c: {  	[tilespmem:$0x1C8] =	vst v0  }
0x1d: {  	[tilespmem:$0x1D8] =	vst v0  }
0x1e: {  	[tilespmem:$0x1E8] =	vst v0  }
0x1f: {  	[tilespmem:$0x1F8] =	vst v0  }
0x20: {  	[tilespmem:$0x208] =	vst v0  }
0x21: {  	[tilespmem:$0x218] =	vst v0  }
0x22: {  	[tilespmem:$0x228] =	vst v0  }
0x23: {  	[tilespmem:$0x238] =	vst v0  }
0x24: {  	[tilespmem:$0x248] =	vst v0  }
0x25: {  	[tilespmem:$0x258] =	vst v0  }
0x26: {  	[tilespmem:$0x268] =	vst v0  }
0x27: {  	[tilespmem:$0x278] =	vst v0  }
0x28: {  	[tilespmem:$0x288] =	vst v0  }
0x29: {  	[tilespmem:$0x298] =	vst v0  }
0x2a: {  	[tilespmem:$0x2A8] =	vst v0  }
0x2b: {  	[tilespmem:$0x2B8] =	vst v0  }
0x2c: {  	[tilespmem:$0x2C8] =	vst v0  }
0x2d: {  	[tilespmem:$0x2D8] =	vst v0  }
0x2e: {  	[tilespmem:$0x2E8] =	vst v0  }
0x2f: {  	[tilespmem:$0x2F8] =	vst v0  }
0x30: {  	[tilespmem:$0x308] =	vst v0  }
0x31: {  	[tilespmem:$0x318] =	vst v0  }
0x32: {  	[tilespmem:$0x328] =	vst v0  }
0x33: {  	[tilespmem:$0x338] =	vst v0  }
0x34: {  	[tilespmem:$0x348] =	vst v0  }
0x35: {  	[tilespmem:$0x358] =	vst v0  }
0x36: {  	[tilespmem:$0x368] =	vst v0  }
0x37: {  	[tilespmem:$0x378] =	vst v0  }
0x38: {  	[tilespmem:$0x388] =	vst v0  }
0x39: {  	[tilespmem:$0x398] =	vst v0  }
0x3a: {  	[tilespmem:$0x3A8] =	vst v0  }
0x3b: {  	[tilespmem:$0x3B8] =	vst v0  }
0x3c: {  	[tilespmem:$0x3C8] =	vst v0  }
0x3d: {  	[tilespmem:$0x3D8] =	vst v0  }
0x3e: {  	[tilespmem:$0x3E8] =	vst v0  }
0x3f: {  	[tilespmem:$0x3F8] =	vst v0  }
0x40: {  	[tilespmem:$0x408] =	vst v0  }
0x41: {  	[tilespmem:$0x418] =	vst v0  }
0x42: {  	[tilespmem:$0x428] =	vst v0  }
0x43: {  	[tilespmem:$0x438] =	vst v0  }
0x44: {  	[tilespmem:$0x448] =	vst v0  }
0x45: {  	[tilespmem:$0x458] =	vst v0  }
0x46: {  	[tilespmem:$0x468] =	vst v0  }
0x47: {  	[tilespmem:$0x478] =	vst v0  }
0x48: {  	[tilespmem:$0x488] =	vst v0  }
0x49: {  	[tilespmem:$0x498] =	vst v0  }
0x4a: {  	[tilespmem:$0x4A8] =	vst v0  }
0x4b: {  	[tilespmem:$0x4B8] =	vst v0  }
0x4c: {  	[tilespmem:$0x4C8] =	vst v0  }
0x4d: {  	[tilespmem:$0x4D8] =	vst v0  }
0x4e: {  	[tilespmem:$0x4E8] =	vst v0  }
0x4f: {  	[tilespmem:$0x4F8] =	vst v0  }
0x50: {  	[tilespmem:$0x508] =	vst v0  }
0x51: {  	[tilespmem:$0x518] =	vst v0  }
0x52: {  	[tilespmem:$0x528] =	vst v0  }
0x53: {  	[tilespmem:$0x538] =	vst v0  }
0x54: {  	[tilespmem:$0x548] =	vst v0  }
0x55: {  	[tilespmem:$0x558] =	vst v0  }
0x56: {  	[tilespmem:$0x568] =	vst v0  }
0x57: {  	[tilespmem:$0x578] =	vst v0  }
0x58: {  	[tilespmem:$0x588] =	vst v0  }
0x59: {  	[tilespmem:$0x598] =	vst v0  }
0x5a: {  	[tilespmem:$0x5A8] =	vst v0  }
0x5b: {  	[tilespmem:$0x5B8] =	vst v0  }
0x5c: {  	[tilespmem:$0x5C8] =	vst v0  }
0x5d: {  	[tilespmem:$0x5D8] =	vst v0  }
0x5e: {  	[tilespmem:$0x5E8] =	vst v0  }
0x5f: {  	[tilespmem:$0x5F8] =	vst v0  }
0x60: {  	[tilespmem:$0x608] =	vst v0  }
0x61: {  	[tilespmem:$0x618] =	vst v0  }
0x62: {  	[tilespmem:$0x628] =	vst v0  }
0x63: {  	[tilespmem:$0x638] =	vst v0  }
0x64: {  	[tilespmem:$0x648] =	vst v0  }
0x65: {  	[tilespmem:$0x658] =	vst v0  }
0x66: {  	[tilespmem:$0x668] =	vst v0  }
0x67: {  	[tilespmem:$0x678] =	vst v0  }
0x68: {  	[tilespmem:$0x688] =	vst v0  }
0x69: {  	[tilespmem:$0x698] =	vst v0  }
0x6a: {  	[tilespmem:$0x6A8] =	vst v0  }
0x6b: {  	[tilespmem:$0x6B8] =	vst v0  }
0x6c: {  	[tilespmem:$0x6C8] =	vst v0  }
0x6d: {  	[tilespmem:$0x6D8] =	vst v0  }
0x6e: {  	[tilespmem:$0x6E8] =	vst v0  }
0x6f: {  	[tilespmem:$0x6F8] =	vst v0  }
0x70: {  	[tilespmem:$0x708] =	vst v0  }
0x71: {  	[tilespmem:$0x718] =	vst v0  }
0x72: {  	[tilespmem:$0x728] =	vst v0  }
0x73: {  	[tilespmem:$0x738] =	vst v0  }
0x74: {  	[tilespmem:$0x748] =	vst v0  }
0x75: {  	[tilespmem:$0x758] =	vst v0  }
0x76: {  	[tilespmem:$0x768] =	vst v0  }
0x77: {  	[tilespmem:$0x778] =	vst v0  }
0x78: {  	[tilespmem:$0x788] =	vst v0  }
0x79: {  	[tilespmem:$0x798] =	vst v0  }
0x7a: {  	[tilespmem:$0x7A8] =	vst v0  }
0x7b: {  	[tilespmem:$0x7B8] =	vst v0  }
0x7c: {  	[tilespmem:$0x7C8] =	vst v0  }
0x7d: {  	[tilespmem:$0x7D8] =	vst v0  }
0x7e: {  	[tilespmem:$0x7E8] =	vst v0  }
0x7f: {  	[tilespmem:$0x7F8] =	vst v0  }
0x80: {  	[tilespmem:$0x808] =	vst v0  }
0x81: {  	[tilespmem:$0x818] =	vst v0  }
0x82: {  	[tilespmem:$0x828] =	vst v0  }
0x83: {  	[tilespmem:$0x838] =	vst v0  }
0x84: {  	[tilespmem:$0x848] =	vst v0  }
0x85: {  	[tilespmem:$0x858] =	vst v0  }
0x86: {  	[tilespmem:$0x868] =	vst v0  }
0x87: {  	[tilespmem:$0x878] =	vst v0  }
0x88: {  	[tilespmem:$0x888] =	vst v0  }
0x89: {  	[tilespmem:$0x898] =	vst v0  }
0x8a: {  	[tilespmem:$0x8A8] =	vst v0  }
0x8b: {  	[tilespmem:$0x8B8] =	vst v0  }
0x8c: {  	[tilespmem:$0x8C8] =	vst v0  }
0x8d: {  	[tilespmem:$0x8D8] =	vst v0  }
0x8e: {  	[tilespmem:$0x8E8] =	vst v0  }
0x8f: {  	[tilespmem:$0x8F8] =	vst v0  }
0x90: {  	[tilespmem:$0x908] =	vst v0  }
0x91: {  	[tilespmem:$0x918] =	vst v0  }
0x92: {  	[tilespmem:$0x928] =	vst v0  }
0x93: {  	[tilespmem:$0x938] =	vst v0  }
0x94: {  	[tilespmem:$0x948] =	vst v0  }
0x95: {  	[tilespmem:$0x958] =	vst v0  }
0x96: {  	[tilespmem:$0x968] =	vst v0  }
0x97: {  	[tilespmem:$0x978] =	vst v0  }
0x98: {  	[tilespmem:$0x988] =	vst v0  }
0x99: {  	[tilespmem:$0x998] =	vst v0  }
0x9a: {  	[tilespmem:$0x9A8] =	vst v0  }
0x9b: {  	[tilespmem:$0x9B8] =	vst v0  }
0x9c: {  	[tilespmem:$0x9C8] =	vst v0  }
0x9d: {  	[tilespmem:$0x9D8] =	vst v0  }
0x9e: {  	[tilespmem:$0x9E8] =	vst v0  }
0x9f: {  	[tilespmem:$0x9F8] =	vst v0  }
0xa0: {  	[tilespmem:$0xA08] =	vst v0  }
0xa1: {  	[tilespmem:$0xA18] =	vst v0  }
0xa2: {  	[tilespmem:$0xA28] =	vst v0  }
0xa3: {  	[tilespmem:$0xA38] =	vst v0  }
0xa4: {  	[tilespmem:$0xA48] =	vst v0  }
0xa5: {  	[tilespmem:$0xA58] =	vst v0  }
0xa6: {  	[tilespmem:$0xA68] =	vst v0  }
0xa7: {  	[tilespmem:$0xA78] =	vst v0  }
0xa8: {  	[tilespmem:$0xA88] =	vst v0  }
0xa9: {  	[tilespmem:$0xA98] =	vst v0  }
0xaa: {  	[tilespmem:$0xAA8] =	vst v0  }
0xab: {  	[tilespmem:$0xAB8] =	vst v0  }
0xac: {  	[tilespmem:$0xAC8] =	vst v0  }
0xad: {  	[tilespmem:$0xAD8] =	vst v0  }
0xae: {  	[tilespmem:$0xAE8] =	vst v0  }
0xaf: {  	[tilespmem:$0xAF8] =	vst v0  }
0xb0: {  	[tilespmem:$0xB08] =	vst v0  }
0xb1: {  	[tilespmem:$0xB18] =	vst v0  }
0xb2: {  	[tilespmem:$0xB28] =	vst v0  }
0xb3: {  	[tilespmem:$0xB38] =	vst v0  }
0xb4: {  	[tilespmem:$0xB48] =	vst v0  }
0xb5: {  	[tilespmem:$0xB58] =	vst v0  }
0xb6: {  	[tilespmem:$0xB68] =	vst v0  }
0xb7: {  	[tilespmem:$0xB78] =	vst v0  }
0xb8: {  	[tilespmem:$0xB88] =	vst v0  }
0xb9: {  	[tilespmem:$0xB98] =	vst v0  }
0xba: {  	[tilespmem:$0xBA8] =	vst v0  }
0xbb: {  	[tilespmem:$0xBB8] =	vst v0  }
0xbc: {  	[tilespmem:$0xBC8] =	vst v0  }
0xbd: {  	[tilespmem:$0xBD8] =	vst v0  }
0xbe: {  	[tilespmem:$0xBE8] =	vst v0  }
0xbf: {  	[tilespmem:$0xBF8] =	vst v0  }
0xc0: {  	[tilespmem:$0xC08] =	vst v0  }
0xc1: {  	[tilespmem:$0xC18] =	vst v0  }
0xc2: {  	[tilespmem:$0xC28] =	vst v0  }
0xc3: {  	[tilespmem:$0xC38] =	vst v0  }
0xc4: {  	[tilespmem:$0xC48] =	vst v0  }
0xc5: {  	[tilespmem:$0xC58] =	vst v0  }
0xc6: {  	[tilespmem:$0xC68] =	vst v0  }
0xc7: {  	[tilespmem:$0xC78] =	vst v0  }
0xc8: {  	[tilespmem:$0xC88] =	vst v0  }
0xc9: {  	[tilespmem:$0xC98] =	vst v0  }
0xca: {  	[tilespmem:$0xCA8] =	vst v0  }
0xcb: {  	[tilespmem:$0xCB8] =	vst v0  }
0xcc: {  	[tilespmem:$0xCC8] =	vst v0  }
0xcd: {  	[tilespmem:$0xCD8] =	vst v0  }
0xce: {  	[tilespmem:$0xCE8] =	vst v0  }
0xcf: {  	[tilespmem:$0xCF8] =	vst v0  }
0xd0: {  	[tilespmem:$0xD08] =	vst v0  }
0xd1: {  	[tilespmem:$0xD18] =	vst v0  }
0xd2: {  	[tilespmem:$0xD28] =	vst v0  }
0xd3: {  	[tilespmem:$0xD38] =	vst v0  }
0xd4: {  	[tilespmem:$0xD48] =	vst v0  }
0xd5: {  	[tilespmem:$0xD58] =	vst v0  }
0xd6: {  	[tilespmem:$0xD68] =	vst v0  }
0xd7: {  	[tilespmem:$0xD78] =	vst v0  }
0xd8: {  	[tilespmem:$0xD88] =	vst v0  }
0xd9: {  	[tilespmem:$0xD98] =	vst v0  }
0xda: {  	[tilespmem:$0xDA8] =	vst v0  }
0xdb: {  	[tilespmem:$0xDB8] =	vst v0  }
0xdc: {  	[tilespmem:$0xDC8] =	vst v0  }
0xdd: {  	[tilespmem:$0xDD8] =	vst v0  }
0xde: {  	[tilespmem:$0xDE8] =	vst v0  }
0xdf: {  	[tilespmem:$0xDF8] =	vst v0  }
0xe0: {  	[tilespmem:$0xE08] =	vst v0  }
0xe1: {  	[tilespmem:$0xE18] =	vst v0  }
0xe2: {  	[tilespmem:$0xE28] =	vst v0  }
0xe3: {  	[tilespmem:$0xE38] =	vst v0  }
0xe4: {  	[tilespmem:$0xE48] =	vst v0  }
0xe5: {  	[tilespmem:$0xE58] =	vst v0  }
0xe6: {  	[tilespmem:$0xE68] =	vst v0  }
0xe7: {  	[tilespmem:$0xE78] =	vst v0  }
0xe8: {  	[tilespmem:$0xE88] =	vst v0  }
0xe9: {  	[tilespmem:$0xE98] =	vst v0  }
0xea: {  	[tilespmem:$0xEA8] =	vst v0  }
0xeb: {  	[tilespmem:$0xEB8] =	vst v0  }
0xec: {  	[tilespmem:$0xEC8] =	vst v0  }
0xed: {  	[tilespmem:$0xED8] =	vst v0  }
0xee: {  	[tilespmem:$0xEE8] =	vst v0  }
0xef: {  	[tilespmem:$0xEF8] =	vst v0  }
0xf0: {  	[tilespmem:$0xF08] =	vst v0  }
0xf1: {  	[tilespmem:$0xF18] =	vst v0  }
0xf2: {  	[tilespmem:$0xF28] =	vst v0  }
0xf3: {  	[tilespmem:$0xF38] =	vst v0  }
0xf4: {  	[tilespmem:$0xF48] =	vst v0  }
0xf5: {  	[tilespmem:$0xF58] =	vst v0  }
0xf6: {  	[tilespmem:$0xF68] =	vst v0  }
0xf7: {  	[tilespmem:$0xF78] =	vst v0  }
0xf8: {  	[tilespmem:$0xF88] =	vst v0  }
0xf9: {  	[tilespmem:$0xF98] =	vst v0  }
0xfa: {  	[tilespmem:$0xFA8] =	vst v0  }
0xfb: {  	[tilespmem:$0xFB8] =	vst v0  }
0xfc: {  	[tilespmem:$0xFC8] =	vst v0  }
0xfd: {  	[tilespmem:$0xFD8] =	vst v0  }
0xfe: {  	[tilespmem:$0xFE8] =	vst v0  }
0xff: {  	[tilespmem:$0xFF8] =	vst v0  }
0x100: {  	[tilespmem:$0x1008] =	vst v0  }
0x101: {  	[tilespmem:$0x1018] =	vst v0  }
0x102: {  	[tilespmem:$0x1028] =	vst v0  }
0x103: {  	[tilespmem:$0x1168] =	vst v0  }
0x104: {  	[tilespmem:$0x1038] =	vst v0  }
0x105: {  	[tilespmem:$0x1048] =	vst v0  }
0x106: {  	[tilespmem:$0x1058] =	vst v0  }
0x107: {  	[tilespmem:$0x1068] =	vst v0  }
0x108: {  	[tilespmem:$0x1078] =	vst v0  }
0x109: {  	[tilespmem:$0x1088] =	vst v0  }
0x10a: {  	[tilespmem:$0x1098] =	vst v0  }
0x10b: {  	[tilespmem:$0x10A8] =	vst v0  }
0x10c: {  	[tilespmem:$0x10B8] =	vst v0  }
0x10d: {  	[tilespmem:$0x10C8] =	vst v0  }
0x10e: {  	[tilespmem:$0x10D8] =	vst v0  }
0x10f: {  	[tilespmem:$0x10E8] =	vst v0  }
0x110: {  	[tilespmem:$0x10F8] =	vst v0  }
0x111: {  	[tilespmem:$0x1108] =	vst v0  }
0x112: {  	[tilespmem:$0x1118] =	vst v0  }
0x113: {  	[tilespmem:$0x1128] =	vst v0  }
0x114: {  	[tilespmem:$0x1138] =	vst v0  }
0x115: {  	[tilespmem:$0x1148] =	vst v0  }
0x116: {  	[tilespmem:$0x1158] =	vst v0  }
0x117: {  	[tilespmem:$0x1178] =	vst v0  }
0x118: {  	[tilespmem:$0x1188] =	vst v0  }
0x119: {  	[tilespmem:$0x1198] =	vst v0  }
0x11a: {  	[tilespmem:$0x11A8] =	vst v0  }
0x11b: {  	[tilespmem:$0x11B8] =	vst v0  }
0x11c: {  	[tilespmem:$0x11C8] =	vst v0  }
0x11d: {  	[tilespmem:$0x11D8] =	vst v0  }
0x11e: {  	[tilespmem:$0x11E8] =	vst v0  }
0x11f: {  	[tilespmem:$0x11F8] =	vst v0  }
0x120: {  	[tilespmem:$0x1208] =	vst v0  }
0x121: {  	[tilespmem:$0x1218] =	vst v0  }
0x122: {  	[tilespmem:$0x1228] =	vst v0  }
0x123: {  	[tilespmem:$0x1238] =	vst v0  }
0x124: {  	[tilespmem:$0x1248] =	vst v0  }
0x125: {  	[tilespmem:$0x1258] =	vst v0  }
0x126: {  	[tilespmem:$0x1268] =	vst v0  }
0x127: {  	[tilespmem:$0x1278] =	vst v0  }
0x128: {  	[tilespmem:$0x1288] =	vst v0  }
0x129: {  	[tilespmem:$0x1298] =	vst v0  }
0x12a: {  	[tilespmem:$0x12A8] =	vst v0  }
0x12b: {  	[tilespmem:$0x12B8] =	vst v0  }
0x12c: {  	[tilespmem:$0x12C8] =	vst v0  }
0x12d: {  	[tilespmem:$0x12D8] =	vst v0  }
0x12e: {  	[tilespmem:$0x12E8] =	vst v0  }
0x12f: {  	[tilespmem:$0x12F8] =	vst v0  }
0x130: {  	[tilespmem:$0x1308] =	vst v0  }
0x131: {  	[tilespmem:$0x1318] =	vst v0  }
0x132: {  	[tilespmem:$0x1328] =	vst v0  }
0x133: {  	[tilespmem:$0x1338] =	vst v0  }
0x134: {  	[tilespmem:$0x1348] =	vst v0  }
0x135: {  	[tilespmem:$0x1358] =	vst v0  }
0x136: {  	[tilespmem:$0x1368] =	vst v0  }
0x137: {  	[tilespmem:$0x1378] =	vst v0  }
0x138: {  	[tilespmem:$0x1388] =	vst v0  }
0x139: {  	[tilespmem:$0x1398] =	vst v0  }
0x13a: {  	[tilespmem:$0x13A8] =	vst v0  }
0x13b: {  	[tilespmem:$0x13B8] =	vst v0  }
0x13c: {  	[tilespmem:$0x13C8] =	vst v0  }
0x13d: {  	[tilespmem:$0x13D8] =	vst v0  }
0x13e: {  	[tilespmem:$0x13E8] =	vst v0  }
0x13f: {  	[tilespmem:$0x13F8] =	vst v0  }
0x140: {  	[tilespmem:$0x1408] =	vst v0  }
0x141: {  	[tilespmem:$0x1418] =	vst v0  }
0x142: {  	[tilespmem:$0x1428] =	vst v0  }
0x143: {  	[tilespmem:$0x1438] =	vst v0  }
0x144: {  	[tilespmem:$0x1448] =	vst v0  }
0x145: {  	[tilespmem:$0x1458] =	vst v0  }
0x146: {  	[tilespmem:$0x1468] =	vst v0  }
0x147: {  	[tilespmem:$0x1478] =	vst v0  }
0x148: {  	[tilespmem:$0x1488] =	vst v0  }
0x149: {  	[tilespmem:$0x1498] =	vst v0  }
0x14a: {  	[tilespmem:$0x14A8] =	vst v0  }
0x14b: {  	[tilespmem:$0x14B8] =	vst v0  }
0x14c: {  	[tilespmem:$0x14C8] =	vst v0  }
0x14d: {  	[tilespmem:$0x14D8] =	vst v0  }
0x14e: {  	[tilespmem:$0x14E8] =	vst v0  }
0x14f: {  	[tilespmem:$0x14F8] =	vst v0  }
0x150: {  	[tilespmem:$0x1508] =	vst v0  }
0x151: {  	[tilespmem:$0x1518] =	vst v0  }
0x152: {  	[tilespmem:$0x1528] =	vst v0  }
0x153: {  	[tilespmem:$0x1538] =	vst v0  }
0x154: {  	[tilespmem:$0x1548] =	vst v0  }
0x155: {  	[tilespmem:$0x1558] =	vst v0  }
0x156: {  	[tilespmem:$0x1568] =	vst v0  }
0x157: {  	[tilespmem:$0x1578] =	vst v0  }
0x158: {  	[tilespmem:$0x1588] =	vst v0  }
0x159: {  	[tilespmem:$0x1598] =	vst v0  }
0x15a: {  	[tilespmem:$0x15A8] =	vst v0  }
0x15b: {  	[tilespmem:$0x15B8] =	vst v0  }
0x15c: {  	[tilespmem:$0x15C8] =	vst v0  }
0x15d: {  	[tilespmem:$0x15D8] =	vst v0  }
0x15e: {  	[tilespmem:$0x15E8] =	vst v0  }
0x15f: {  	[tilespmem:$0x15F8] =	vst v0  }
0x160: {  	[tilespmem:$0x1608] =	vst v0  }
0x161: {  	[tilespmem:$0x1618] =	vst v0  }
0x162: {  	[tilespmem:$0x1628] =	vst v0  }
0x163: {  	[tilespmem:$0x1638] =	vst v0  }
0x164: {  	[tilespmem:$0x1648] =	vst v0  }
0x165: {  	[tilespmem:$0x1658] =	vst v0  }
0x166: {  	[tilespmem:$0x1668] =	vst v0  }
0x167: {  	[tilespmem:$0x1678] =	vst v0  }
0x168: {  	[tilespmem:$0x1688] =	vst v0  }
0x169: {  	[tilespmem:$0x1698] =	vst v0  }
0x16a: {  	[tilespmem:$0x16A8] =	vst v0  }
0x16b: {  	[tilespmem:$0x16B8] =	vst v0  }
0x16c: {  	[tilespmem:$0x16C8] =	vst v0  }
0x16d: {  	[tilespmem:$0x16D8] =	vst v0  }
0x16e: {  	[tilespmem:$0x16E8] =	vst v0  }
0x16f: {  	[tilespmem:$0x16F8] =	vst v0  }
0x170: {  	[tilespmem:$0x1708] =	vst v0  }
0x171: {  	[tilespmem:$0x1718] =	vst v0  }
0x172: {  	[tilespmem:$0x1728] =	vst v0  }
0x173: {  	[tilespmem:$0x1738] =	vst v0  }
0x174: {  	[tilespmem:$0x1748] =	vst v0  }
0x175: {  	[tilespmem:$0x1758] =	vst v0  }
0x176: {  	[tilespmem:$0x1768] =	vst v0  }
0x177: {  	[tilespmem:$0x1778] =	vst v0  }
0x178: {  	[tilespmem:$0x1788] =	vst v0  }
0x179: {  	[tilespmem:$0x1798] =	vst v0  }
0x17a: {  	[tilespmem:$0x17A8] =	vst v0  }
0x17b: {  	[tilespmem:$0x17B8] =	vst v0  }
0x17c: {  	[tilespmem:$0x17C8] =	vst v0  }
0x17d: {  	[tilespmem:$0x17D8] =	vst v0  }
0x17e: {  	[tilespmem:$0x17E8] =	vst v0  }
0x17f: {  	[tilespmem:$0x17F8] =	vst v0  }
0x180: {  	[tilespmem:$0x1808] =	vst v0  }
0x181: {  	[tilespmem:$0x1818] =	vst v0  }
0x182: {  	[tilespmem:$0x1828] =	vst v0  }
0x183: {  	[tilespmem:$0x1838] =	vst v0  }
0x184: {  	[tilespmem:$0x1848] =	vst v0  }
0x185: {  	[tilespmem:$0x1858] =	vst v0  }
0x186: {  	[tilespmem:$0x1868] =	vst v0  }
0x187: {  	[tilespmem:$0x1878] =	vst v0  }
0x188: {  	[tilespmem:$0x1888] =	vst v0  }
0x189: {  	[tilespmem:$0x1898] =	vst v0  }
0x18a: {  	[tilespmem:$0x18A8] =	vst v0  }
0x18b: {  	[tilespmem:$0x18B8] =	vst v0  }
0x18c: {  	[tilespmem:$0x18C8] =	vst v0  }
0x18d: {  	[tilespmem:$0x18D8] =	vst v0  }
0x18e: {  	[tilespmem:$0x18E8] =	vst v0  }
0x18f: {  	[tilespmem:$0x18F8] =	vst v0  }
0x190: {  	[tilespmem:$0x1908] =	vst v0  }
0x191: {  	[tilespmem:$0x1918] =	vst v0  }
0x192: {  	[tilespmem:$0x1928] =	vst v0  }
0x193: {  	[tilespmem:$0x1938] =	vst v0  }
0x194: {  	[tilespmem:$0x1948] =	vst v0  }
0x195: {  	[tilespmem:$0x1958] =	vst v0  }
0x196: {  	[tilespmem:$0x1968] =	vst v0  }
0x197: {  	[tilespmem:$0x1978] =	vst v0  }
0x198: {  	[tilespmem:$0x1988] =	vst v0  }
0x199: {  	[tilespmem:$0x1998] =	vst v0  }
0x19a: {  	[tilespmem:$0x19A8] =	vst v0  }
0x19b: {  	[tilespmem:$0x19B8] =	vst v0  }
0x19c: {  	[tilespmem:$0x19C8] =	vst v0  }
0x19d: {  	[tilespmem:$0x19D8] =	vst v0  }
0x19e: {  	[tilespmem:$0x19E8] =	vst v0  }
0x19f: {  	[tilespmem:$0x19F8] =	vst v0  }
0x1a0: {  	[tilespmem:$0x1A08] =	vst v0  }
0x1a1: {  	[tilespmem:$0x1A18] =	vst v0  }
0x1a2: {  	[tilespmem:$0x1A28] =	vst v0  }
0x1a3: {  	[tilespmem:$0x1A38] =	vst v0  }
0x1a4: {  	[tilespmem:$0x1A48] =	vst v0  }
0x1a5: {  	[tilespmem:$0x1A58] =	vst v0  }
0x1a6: {  	[tilespmem:$0x1A68] =	vst v0  }
0x1a7: {  	[tilespmem:$0x1A78] =	vst v0  }
0x1a8: {  	[tilespmem:$0x1A88] =	vst v0  }
0x1a9: {  	[tilespmem:$0x1A98] =	vst v0  }
0x1aa: {  	[tilespmem:$0x1AA8] =	vst v0  }
0x1ab: {  	[tilespmem:$0x1AB8] =	vst v0  }
0x1ac: {  	[tilespmem:$0x1AC8] =	vst v0  }
0x1ad: {  	[tilespmem:$0x1AD8] =	vst v0  }
0x1ae: {  	[tilespmem:$0x1AE8] =	vst v0  }
0x1af: {  	[tilespmem:$0x1AF8] =	vst v0  }
0x1b0: {  	[tilespmem:$0x1B08] =	vst v0  }
0x1b1: {  	[tilespmem:$0x1B18] =	vst v0  }
0x1b2: {  	[tilespmem:$0x1B28] =	vst v0  }
0x1b3: {  	[tilespmem:$0x1B38] =	vst v0  }
0x1b4: {  	[tilespmem:$0x1B48] =	vst v0  }
0x1b5: {  	[tilespmem:$0x1B58] =	vst v0  }
0x1b6: {  	[tilespmem:$0x1B68] =	vst v0  }
0x1b7: {  	[tilespmem:$0x1B78] =	vst v0  }
0x1b8: {  	[tilespmem:$0x1B88] =	vst v0  }
0x1b9: {  	[tilespmem:$0x1B98] =	vst v0  }
0x1ba: {  	[tilespmem:$0x1BA8] =	vst v0  }
0x1bb: {  	[tilespmem:$0x1BB8] =	vst v0  }
0x1bc: {  	[tilespmem:$0x1BC8] =	vst v0  }
0x1bd: {  	[tilespmem:$0x1BD8] =	vst v0  }
0x1be: {  	[tilespmem:$0x1BE8] =	vst v0  }
0x1bf: {  	[tilespmem:$0x1BF8] =	vst v0  }
0x1c0: {  	[tilespmem:$0x1C08] =	vst v0  }
0x1c1: {  	[tilespmem:$0x1C18] =	vst v0  }
0x1c2: {  	[tilespmem:$0x1C28] =	vst v0  }
0x1c3: {  	[tilespmem:$0x1C38] =	vst v0  }
0x1c4: {  	[tilespmem:$0x1C48] =	vst v0  }
0x1c5: {  	[tilespmem:$0x1C58] =	vst v0  }
0x1c6: {  	[tilespmem:$0x1C68] =	vst v0  }
0x1c7: {  	[tilespmem:$0x1C78] =	vst v0  }
0x1c8: {  	[tilespmem:$0x1C88] =	vst v0  }
0x1c9: {  	[tilespmem:$0x1C98] =	vst v0  }
0x1ca: {  	[tilespmem:$0x1CA8] =	vst v0  }
0x1cb: {  	[tilespmem:$0x1CB8] =	vst v0  }
0x1cc: {  	[tilespmem:$0x1CC8] =	vst v0  }
0x1cd: {  	[tilespmem:$0x1CD8] =	vst v0  }
0x1ce: {  	[tilespmem:$0x1CE8] =	vst v0  }
0x1cf: {  	[tilespmem:$0x1CF8] =	vst v0  }
0x1d0: {  	[tilespmem:$0x1D08] =	vst v0  }
0x1d1: {  	[tilespmem:$0x1D18] =	vst v0  }
0x1d2: {  	[tilespmem:$0x1D28] =	vst v0  }
0x1d3: {  	[tilespmem:$0x1D38] =	vst v0  }
0x1d4: {  	[tilespmem:$0x1D48] =	vst v0  }
0x1d5: {  	[tilespmem:$0x1D58] =	vst v0  }
0x1d6: {  	[tilespmem:$0x1D68] =	vst v0  }
0x1d7: {  	[tilespmem:$0x1D78] =	vst v0  }
0x1d8: {  	[tilespmem:$0x1D88] =	vst v0  }
0x1d9: {  	[tilespmem:$0x1D98] =	vst v0  }
0x1da: {  	[tilespmem:$0x1DA8] =	vst v0  }
0x1db: {  	[tilespmem:$0x1DB8] =	vst v0  }
0x1dc: {  	[tilespmem:$0x1DC8] =	vst v0  }
0x1dd: {  	[tilespmem:$0x1DD8] =	vst v0  }
0x1de: {  	[tilespmem:$0x1DE8] =	vst v0  }
0x1df: {  	[tilespmem:$0x1DF8] =	vst v0  }
0x1e0: {  	[tilespmem:$0x1E08] =	vst v0  }
0x1e1: {  	[tilespmem:$0x1E18] =	vst v0  }
0x1e2: {  	[tilespmem:$0x1E28] =	vst v0  }
0x1e3: {  	[tilespmem:$0x1E38] =	vst v0  }
0x1e4: {  	[tilespmem:$0x1E48] =	vst v0  }
0x1e5: {  	[tilespmem:$0x1E58] =	vst v0  }
0x1e6: {  	[tilespmem:$0x1E68] =	vst v0  }
0x1e7: {  	[tilespmem:$0x1E78] =	vst v0  }
0x1e8: {  	[tilespmem:$0x1E88] =	vst v0  }
0x1e9: {  	[tilespmem:$0x1E98] =	vst v0  }
0x1ea: {  	[tilespmem:$0x1EA8] =	vst v0  }
0x1eb: {  	[tilespmem:$0x1EB8] =	vst v0  }
0x1ec: {  	[tilespmem:$0x1EC8] =	vst v0  }
0x1ed: {  	[tilespmem:$0x1ED8] =	vst v0  }
0x1ee: {  	[tilespmem:$0x1EE8] =	vst v0  }
0x1ef: {  	[tilespmem:$0x1EF8] =	vst v0  }
0x1f0: {  	[tilespmem:$0x1F08] =	vst v0  }
0x1f1: {  	[tilespmem:$0x1F18] =	vst v0  }
0x1f2: {  	[tilespmem:$0x1F28] =	vst v0  }
0x1f3: {  	[tilespmem:$0x1F38] =	vst v0  }
0x1f4: {  	[tilespmem:$0x1F48] =	vst v0  }
0x1f5: {  	[tilespmem:$0x1F58] =	vst v0  }
0x1f6: {  	[tilespmem:$0x1F68] =	vst v0  }
0x1f7: {  	[tilespmem:$0x1F78] =	vst v0  }
0x1f8: {  	[tilespmem:$0x1F88] =	vst v0  }
0x1f9: {  	[tilespmem:$0x1F98] =	vst v0  }
0x1fa: {  	[tilespmem:$0x1FA8] =	vst v0  }
0x1fb: {  	[tilespmem:$0x1FB8] =	vst v0  }
0x1fc: {  	[tilespmem:$0x1FC8] =	vst v0  }
0x1fd: {  	[tilespmem:$0x1FD8] =	vst v0  }
0x1fe: {  	[tilespmem:$0x1FE8] =	vst v0  }
0x1ff: {  	[tilespmem:$0x1FF8] =	vst v0  }
0x200: {  	[tilespmem:$0x2008] =	vst v0  }
0x201: {  	[tilespmem:$0x2018] =	vst v0  }
0x202: {  	[tilespmem:$0x2028] =	vst v0  }
0x203: {  	[tilespmem:$0x2038] =	vst v0  }
0x204: {  	[tilespmem:$0x2048] =	vst v0  }
0x205: {  	[tilespmem:$0x2058] =	vst v0  }
0x206: {  	[tilespmem:$0x2068] =	vst v0  }
0x207: {  	[tilespmem:$0x2078] =	vst v0  }
0x208: {  	[tilespmem:$0x2088] =	vst v0  }
0x209: {  	[tilespmem:$0x2098] =	vst v0  }
0x20a: {  	[tilespmem:$0x20A8] =	vst v0  }
0x20b: {  	[tilespmem:$0x20B8] =	vst v0  }
0x20c: {  	[tilespmem:$0x20C8] =	vst v0  }
0x20d: {  	[tilespmem:$0x20D8] =	vst v0  }
0x20e: {  	[tilespmem:$0x20E8] =	vst v0  }
0x20f: {  	[tilespmem:$0x20F8] =	vst v0  }
0x210: {  	[tilespmem:$0x2108] =	vst v0  }
0x211: {  	[tilespmem:$0x2118] =	vst v0  }
0x212: {  	[tilespmem:$0x2128] =	vst v0  }
0x213: {  	[tilespmem:$0x2138] =	vst v0  }
0x214: {  	[tilespmem:$0x2148] =	vst v0  }
0x215: {  	[tilespmem:$0x2158] =	vst v0  }
0x216: {  	[tilespmem:$0x2168] =	vst v0  }
0x217: {  	[tilespmem:$0x2218] =	vst v0  }
0x218: {  	[tilespmem:$0x3058] =	vst v0  }
0x219: {  	[tilespmem:$0x3048] =	vst v0  }
0x21a: {  	[tilespmem:$0x3038] =	vst v0  }
0x21b: {  	[tilespmem:$0x3028] =	vst v0  }
0x21c: {  	[tilespmem:$0x3018] =	vst v0  }
0x21d: {  	[tilespmem:$0x3008] =	vst v0  }
0x21e: {  	[tilespmem:$0x2FF8] =	vst v0  }
0x21f: {  	[tilespmem:$0x2FE8] =	vst v0  }
0x220: {  	[tilespmem:$0x2FD8] =	vst v0  }
0x221: {  	[tilespmem:$0x2FC8] =	vst v0  }
0x222: {  	[tilespmem:$0x2FB8] =	vst v0  }
0x223: {  	[tilespmem:$0x2FA8] =	vst v0  }
0x224: {  	[tilespmem:$0x2F98] =	vst v0  }
0x225: {  	[tilespmem:$0x2F88] =	vst v0  }
0x226: {  	[tilespmem:$0x2F78] =	vst v0  }
0x227: {  	[tilespmem:$0x2F68] =	vst v0  }
0x228: {  	[tilespmem:$0x2F58] =	vst v0  }
0x229: {  	[tilespmem:$0x2F48] =	vst v0  }
0x22a: {  	[tilespmem:$0x2F38] =	vst v0  }
0x22b: {  	[tilespmem:$0x2F28] =	vst v0  }
0x22c: {  	[tilespmem:$0x2F18] =	vst v0  }
0x22d: {  	[tilespmem:$0x2F08] =	vst v0  }
0x22e: {  	[tilespmem:$0x2EF8] =	vst v0  }
0x22f: {  	[tilespmem:$0x2EE8] =	vst v0  }
0x230: {  	[tilespmem:$0x2ED8] =	vst v0  }
0x231: {  	[tilespmem:$0x2EC8] =	vst v0  }
0x232: {  	[tilespmem:$0x2EB8] =	vst v0  }
0x233: {  	[tilespmem:$0x2EA8] =	vst v0  }
0x234: {  	[tilespmem:$0x2E98] =	vst v0  }
0x235: {  	[tilespmem:$0x2E88] =	vst v0  }
0x236: {  	[tilespmem:$0x2E78] =	vst v0  }
0x237: {  	[tilespmem:$0x2E68] =	vst v0  }
0x238: {  	[tilespmem:$0x2E58] =	vst v0  }
0x239: {  	[tilespmem:$0x2E48] =	vst v0  }
0x23a: {  	[tilespmem:$0x2E38] =	vst v0  }
0x23b: {  	[tilespmem:$0x2E28] =	vst v0  }
0x23c: {  	[tilespmem:$0x2E18] =	vst v0  }
0x23d: {  	[tilespmem:$0x2E08] =	vst v0  }
0x23e: {  	[tilespmem:$0x2DF8] =	vst v0  }
0x23f: {  	[tilespmem:$0x2DE8] =	vst v0  }
0x240: {  	[tilespmem:$0x2DD8] =	vst v0  }
0x241: {  	[tilespmem:$0x2DC8] =	vst v0  }
0x242: {  	[tilespmem:$0x2DB8] =	vst v0  }
0x243: {  	[tilespmem:$0x2DA8] =	vst v0  }
0x244: {  	[tilespmem:$0x2D98] =	vst v0  }
0x245: {  	[tilespmem:$0x2D88] =	vst v0  }
0x246: {  	[tilespmem:$0x2D78] =	vst v0  }
0x247: {  	[tilespmem:$0x2D68] =	vst v0  }
0x248: {  	[tilespmem:$0x2D58] =	vst v0  }
0x249: {  	[tilespmem:$0x2D48] =	vst v0  }
0x24a: {  	[tilespmem:$0x2D38] =	vst v0  }
0x24b: {  	[tilespmem:$0x2D28] =	vst v0  }
0x24c: {  	[tilespmem:$0x2D18] =	vst v0  }
0x24d: {  	[tilespmem:$0x2D08] =	vst v0  }
0x24e: {  	[tilespmem:$0x2CF8] =	vst v0  }
0x24f: {  	[tilespmem:$0x2CE8] =	vst v0  }
0x250: {  	[tilespmem:$0x2CD8] =	vst v0  }
0x251: {  	[tilespmem:$0x2CC8] =	vst v0  }
0x252: {  	[tilespmem:$0x2CB8] =	vst v0  }
0x253: {  	[tilespmem:$0x2CA8] =	vst v0  }
0x254: {  	[tilespmem:$0x2C98] =	vst v0  }
0x255: {  	[tilespmem:$0x2C88] =	vst v0  }
0x256: {  	[tilespmem:$0x2C78] =	vst v0  }
0x257: {  	[tilespmem:$0x2C68] =	vst v0  }
0x258: {  	[tilespmem:$0x2C58] =	vst v0  }
0x259: {  	[tilespmem:$0x2C48] =	vst v0  }
0x25a: {  	[tilespmem:$0x2C38] =	vst v0  }
0x25b: {  	[tilespmem:$0x2C28] =	vst v0  }
0x25c: {  	[tilespmem:$0x2C18] =	vst v0  }
0x25d: {  	[tilespmem:$0x2C08] =	vst v0  }
0x25e: {  	[tilespmem:$0x2BF8] =	vst v0  }
0x25f: {  	[tilespmem:$0x2BE8] =	vst v0  }
0x260: {  	[tilespmem:$0x2BD8] =	vst v0  }
0x261: {  	[tilespmem:$0x2BC8] =	vst v0  }
0x262: {  	[tilespmem:$0x2BB8] =	vst v0  }
0x263: {  	[tilespmem:$0x2BA8] =	vst v0  }
0x264: {  	[tilespmem:$0x2B98] =	vst v0  }
0x265: {  	[tilespmem:$0x2B88] =	vst v0  }
0x266: {  	[tilespmem:$0x2B78] =	vst v0  }
0x267: {  	[tilespmem:$0x2B68] =	vst v0  }
0x268: {  	[tilespmem:$0x2B58] =	vst v0  }
0x269: {  	[tilespmem:$0x2B48] =	vst v0  }
0x26a: {  	[tilespmem:$0x2B38] =	vst v0  }
0x26b: {  	[tilespmem:$0x2B28] =	vst v0  }
0x26c: {  	[tilespmem:$0x2B18] =	vst v0  }
0x26d: {  	[tilespmem:$0x2B08] =	vst v0  }
0x26e: {  	[tilespmem:$0x2AF8] =	vst v0  }
0x26f: {  	[tilespmem:$0x2AE8] =	vst v0  }
0x270: {  	[tilespmem:$0x2AD8] =	vst v0  }
0x271: {  	[tilespmem:$0x2AC8] =	vst v0  }
0x272: {  	[tilespmem:$0x2AB8] =	vst v0  }
0x273: {  	[tilespmem:$0x2AA8] =	vst v0  }
0x274: {  	[tilespmem:$0x2A98] =	vst v0  }
0x275: {  	[tilespmem:$0x2A88] =	vst v0  }
0x276: {  	[tilespmem:$0x2A78] =	vst v0  }
0x277: {  	[tilespmem:$0x2A68] =	vst v0  }
0x278: {  	[tilespmem:$0x2A58] =	vst v0  }
0x279: {  	[tilespmem:$0x2A48] =	vst v0  }
0x27a: {  	[tilespmem:$0x2A38] =	vst v0  }
0x27b: {  	[tilespmem:$0x2A28] =	vst v0  }
0x27c: {  	[tilespmem:$0x2A18] =	vst v0  }
0x27d: {  	[tilespmem:$0x2A08] =	vst v0  }
0x27e: {  	[tilespmem:$0x29F8] =	vst v0  }
0x27f: {  	[tilespmem:$0x29E8] =	vst v0  }
0x280: {  	[tilespmem:$0x29D8] =	vst v0  }
0x281: {  	[tilespmem:$0x29C8] =	vst v0  }
0x282: {  	[tilespmem:$0x29B8] =	vst v0  }
0x283: {  	[tilespmem:$0x29A8] =	vst v0  }
0x284: {  	[tilespmem:$0x2998] =	vst v0  }
0x285: {  	[tilespmem:$0x2988] =	vst v0  }
0x286: {  	[tilespmem:$0x2978] =	vst v0  }
0x287: {  	[tilespmem:$0x2968] =	vst v0  }
0x288: {  	[tilespmem:$0x2958] =	vst v0  }
0x289: {  	[tilespmem:$0x2948] =	vst v0  }
0x28a: {  	[tilespmem:$0x2938] =	vst v0  }
0x28b: {  	[tilespmem:$0x2928] =	vst v0  }
0x28c: {  	[tilespmem:$0x2918] =	vst v0  }
0x28d: {  	[tilespmem:$0x2908] =	vst v0  }
0x28e: {  	[tilespmem:$0x28F8] =	vst v0  }
0x28f: {  	[tilespmem:$0x28E8] =	vst v0  }
0x290: {  	[tilespmem:$0x28D8] =	vst v0  }
0x291: {  	[tilespmem:$0x28C8] =	vst v0  }
0x292: {  	[tilespmem:$0x28B8] =	vst v0  }
0x293: {  	[tilespmem:$0x28A8] =	vst v0  }
0x294: {  	[tilespmem:$0x2898] =	vst v0  }
0x295: {  	[tilespmem:$0x2888] =	vst v0  }
0x296: {  	[tilespmem:$0x2878] =	vst v0  }
0x297: {  	[tilespmem:$0x2868] =	vst v0  }
0x298: {  	[tilespmem:$0x2858] =	vst v0  }
0x299: {  	[tilespmem:$0x2848] =	vst v0  }
0x29a: {  	[tilespmem:$0x2838] =	vst v0  }
0x29b: {  	[tilespmem:$0x2828] =	vst v0  }
0x29c: {  	[tilespmem:$0x2818] =	vst v0  }
0x29d: {  	[tilespmem:$0x2808] =	vst v0  }
0x29e: {  	[tilespmem:$0x27F8] =	vst v0  }
0x29f: {  	[tilespmem:$0x27E8] =	vst v0  }
0x2a0: {  	[tilespmem:$0x27D8] =	vst v0  }
0x2a1: {  	[tilespmem:$0x27C8] =	vst v0  }
0x2a2: {  	[tilespmem:$0x27B8] =	vst v0  }
0x2a3: {  	[tilespmem:$0x27A8] =	vst v0  }
0x2a4: {  	[tilespmem:$0x2798] =	vst v0  }
0x2a5: {  	[tilespmem:$0x2788] =	vst v0  }
0x2a6: {  	[tilespmem:$0x2778] =	vst v0  }
0x2a7: {  	[tilespmem:$0x2768] =	vst v0  }
0x2a8: {  	[tilespmem:$0x2758] =	vst v0  }
0x2a9: {  	[tilespmem:$0x2748] =	vst v0  }
0x2aa: {  	[tilespmem:$0x2738] =	vst v0  }
0x2ab: {  	[tilespmem:$0x2728] =	vst v0  }
0x2ac: {  	[tilespmem:$0x2718] =	vst v0  }
0x2ad: {  	[tilespmem:$0x2708] =	vst v0  }
0x2ae: {  	[tilespmem:$0x26F8] =	vst v0  }
0x2af: {  	[tilespmem:$0x26E8] =	vst v0  }
0x2b0: {  	[tilespmem:$0x26D8] =	vst v0  }
0x2b1: {  	[tilespmem:$0x26C8] =	vst v0  }
0x2b2: {  	[tilespmem:$0x26B8] =	vst v0  }
0x2b3: {  	[tilespmem:$0x26A8] =	vst v0  }
0x2b4: {  	[tilespmem:$0x2698] =	vst v0  }
0x2b5: {  	[tilespmem:$0x2688] =	vst v0  }
0x2b6: {  	[tilespmem:$0x2678] =	vst v0  }
0x2b7: {  	[tilespmem:$0x2668] =	vst v0  }
0x2b8: {  	[tilespmem:$0x2658] =	vst v0  }
0x2b9: {  	[tilespmem:$0x2648] =	vst v0  }
0x2ba: {  	[tilespmem:$0x2638] =	vst v0  }
0x2bb: {  	[tilespmem:$0x2628] =	vst v0  }
0x2bc: {  	[tilespmem:$0x2618] =	vst v0  }
0x2bd: {  	[tilespmem:$0x2608] =	vst v0  }
0x2be: {  	[tilespmem:$0x25F8] =	vst v0  }
0x2bf: {  	[tilespmem:$0x25E8] =	vst v0  }
0x2c0: {  	[tilespmem:$0x25D8] =	vst v0  }
0x2c1: {  	[tilespmem:$0x25C8] =	vst v0  }
0x2c2: {  	[tilespmem:$0x25B8] =	vst v0  }
0x2c3: {  	[tilespmem:$0x25A8] =	vst v0  }
0x2c4: {  	[tilespmem:$0x2598] =	vst v0  }
0x2c5: {  	[tilespmem:$0x2588] =	vst v0  }
0x2c6: {  	[tilespmem:$0x2578] =	vst v0  }
0x2c7: {  	[tilespmem:$0x2568] =	vst v0  }
0x2c8: {  	[tilespmem:$0x2558] =	vst v0  }
0x2c9: {  	[tilespmem:$0x2548] =	vst v0  }
0x2ca: {  	[tilespmem:$0x2538] =	vst v0  }
0x2cb: {  	[tilespmem:$0x2528] =	vst v0  }
0x2cc: {  	[tilespmem:$0x2518] =	vst v0  }
0x2cd: {  	[tilespmem:$0x2508] =	vst v0  }
0x2ce: {  	[tilespmem:$0x24F8] =	vst v0  }
0x2cf: {  	[tilespmem:$0x24E8] =	vst v0  }
0x2d0: {  	[tilespmem:$0x24D8] =	vst v0  }
0x2d1: {  	[tilespmem:$0x24C8] =	vst v0  }
0x2d2: {  	[tilespmem:$0x24B8] =	vst v0  }
0x2d3: {  	[tilespmem:$0x24A8] =	vst v0  }
0x2d4: {  	[tilespmem:$0x2498] =	vst v0  }
0x2d5: {  	[tilespmem:$0x2488] =	vst v0  }
0x2d6: {  	[tilespmem:$0x2478] =	vst v0  }
0x2d7: {  	[tilespmem:$0x2468] =	vst v0  }
0x2d8: {  	[tilespmem:$0x2458] =	vst v0  }
0x2d9: {  	[tilespmem:$0x2448] =	vst v0  }
0x2da: {  	[tilespmem:$0x2438] =	vst v0  }
0x2db: {  	[tilespmem:$0x2428] =	vst v0  }
0x2dc: {  	[tilespmem:$0x2418] =	vst v0  }
0x2dd: {  	[tilespmem:$0x2408] =	vst v0  }
0x2de: {  	[tilespmem:$0x23F8] =	vst v0  }
0x2df: {  	[tilespmem:$0x23E8] =	vst v0  }
0x2e0: {  	[tilespmem:$0x23D8] =	vst v0  }
0x2e1: {  	[tilespmem:$0x23C8] =	vst v0  }
0x2e2: {  	[tilespmem:$0x23B8] =	vst v0  }
0x2e3: {  	[tilespmem:$0x23A8] =	vst v0  }
0x2e4: {  	[tilespmem:$0x2398] =	vst v0  }
0x2e5: {  	[tilespmem:$0x2388] =	vst v0  }
0x2e6: {  	[tilespmem:$0x2378] =	vst v0  }
0x2e7: {  	[tilespmem:$0x2368] =	vst v0  }
0x2e8: {  	[tilespmem:$0x2358] =	vst v0  }
0x2e9: {  	[tilespmem:$0x2348] =	vst v0  }
0x2ea: {  	[tilespmem:$0x2338] =	vst v0  }
0x2eb: {  	[tilespmem:$0x2328] =	vst v0  }
0x2ec: {  	[tilespmem:$0x2318] =	vst v0  }
0x2ed: {  	[tilespmem:$0x2308] =	vst v0  }
0x2ee: {  	[tilespmem:$0x22F8] =	vst v0  }
0x2ef: {  	[tilespmem:$0x22E8] =	vst v0  }
0x2f0: {  	[tilespmem:$0x22D8] =	vst v0  }
0x2f1: {  	[tilespmem:$0x22C8] =	vst v0  }
0x2f2: {  	[tilespmem:$0x22B8] =	vst v0  }
0x2f3: {  	[tilespmem:$0x22A8] =	vst v0  }
0x2f4: {  	[tilespmem:$0x2298] =	vst v0  }
0x2f5: {  	[tilespmem:$0x2288] =	vst v0  }
0x2f6: {  	[tilespmem:$0x2278] =	vst v0  }
0x2f7: {  	s10 =	stileid.u32;
	[tilespmem:$0x2268] =	vst v0  }
0x2f8: {  	s0 =	simm.s32 $0x1;
	p0 =	sne.s32 s10, $0x0;
	s1 =	smul.u32 $0x1A, s10;
	[tilespmem:$0x2258] =	vst v0  }
0x2f9: {  	s0 =	simm.s32 @!p0 $0x0;
	[tilespmem:$0x2248] =	vst v0  }
0x2fa: {  	[tilespmem:$0x2238] =	vst v0;
	s0 =	sor.u32 s0, s1  }
0x2fb: {  	p1 =	seq.s32 s10, $0x0;
	[tilespmem:$0x2228] =	vst v0;
	s1 =	simm.s32 $0x2880;
	s8 =	smul.u32 $0x180, s0  }
0x2fc: {  	s1 =	simm.s32 @!p1 $0x2700;
	[tilespmem:$0x21F8] =	vst v0  }
0x2fd: {  	[tilespmem:$0x2208] =	vst v0;
	s0 =	sadd.s32 s1, s8  }
0x2fe: {  	s4 =	simm.s32 $0x2;
	[tilespmem:$0x21E8] =	vst v0;
	s9 =	smin.u32 s0, $0x27100  }
0x2ff: {  	s31 =	simm.s32 $0x9;
	s5 =	simm.s32 $0xA;
	[tilespmem:$0x2188] =	vst v0;
	s0 =	ssub.s32 s9, s8  }
0x300: {  	s12 =	simm.s32 $0xB;
	s18 =	simm.s32 $0x0;
	[tilespmem:$0x21D8] =	vst v0;
	p1 =	sgt.s32 s0, $0x0  }
0x301: {  	p2 =	por $0x0, $0x0;
	s19 =	simm.s32 $0xC;
	[tilespmem:$0x21C8] =	vst v0;
	s0 =	simm.s32 @!p1 $0x0  }
0x302: {  	s23 =	simm.s32 $0x0;
	s20 =	simm.s32 $0x0;
	[tilespmem:$0x21B8] =	vst v0;
	s30 =	smulhi.u32 $0x2AAAAAAB, s0  }
0x303: {  	s22 =	simm.s32 $0x0;
	s2 =	sand.u32 $0x1, s2;
	s16 =	sshll.u32 s10, $0x6;
	[tilespmem:$0x21A8] =	vst v0  }
0x304: {  	s1 =	sshrl.u32 s30, $0x6;
	[tilespmem:$0x2198] =	vst v0;
	[dreg:$0x4] =	wrdreg s2;
	s2 =	smul.u32 $0x4E20, s2  }
0x305: {  	[tilespmem:$0x2178] =	vst v0;
	[sflag:s4] =	ssyncpa.u1 $0x0;
	v0 =	vimm.s32 $0xFFFFFFFF;
	s4 =	sadd.s32 $0x4FD600, s7;
	s6 =	smul.u32 $0x180, s1  }
.Ltmp0:
0x306: {  	[tilespmem:$0x6088] =	vst v0;
	[sflag:s31] =	ssyncpa.u1 $0x0;
	s2 =	sadd.s32 s2, s7;
	(pc) =	sbr.rel .LBB2_1-.Ltmp0, $4  }
0x307: {  	[sflag:s5] =	ssyncpa.u1 $0x0;
	p1 =	sne.s32 s0, s6;
	s0 =	simm.s32 $0x1  }
0x308: {  	s7 =	sadd.s32 $0x1B600, s7;
	[sflag:s12] =	ssyncpa.u1 $0x0;
	s0 =	simm.s32 @!p1 $0x0  }
0x309: {  	s14 =	sadd.s32 $0x9F3200, s2;
	s15 =	sadd.s32 $0x9E9400, s2;
	s13 =	sadd.s32 s0, s1  }
0x30a: {  	v0 =	vlaneseq.u32;
	s21 =	smov.u32 s8;
	p1 =	por $0x1, $0x1;
	s17 =	sadd.s32 $0x1, s13  }
.LBB2_22:
0x30b: {  	s0 =	sshrl.u32 s0, $0x2  }
.LBB2_24:
0x30c: {  	_ =	swait.ge [sflag:s19], s0  }
0x30d: {  	s30 =	ssub.s32 $0x0, s0;
	v1 =	vmov s25;
	vm0 =	veq.s32 v0, $0x0;
	[sflag:s19] =	ssyncset.done $0x0  }
0x30e: {  	vm15 =	veq.s32 v0, $0x2;
	v1 =	vsel vm0, s31, v1;
	[sflag:s19] =	ssyncadd.s32 s30  }
0x30f: {  	v1 =	vsel vm15, s23, v1;
	[sflag:s19] =	ssyncpa.u1 $0x1  }
0x310: {  	[tilespmem:$0x6088] =	vst v1  }
.LBB2_25:
0x311: {  	s0 =	sadd.s32 $0x180, s21  }
0x312: {  	s1 =	smov.u32 s8;
	p3 =	slt.s32 s0, s9  }
0x313: {  	s1 =	smov.u32 @p3 s0;
	p3 =	sne.s32 s22, s17  }
.Ltmp1:
0x314: {  	_ = 	snop;
	(pc) =	sbr.rel @!p3 .LBB2_26-.Ltmp1, $4  }
0x315: {  	_ = 	snop  }
0x316: {  	s23 =	smov.u32 s20  }
0x317: {  	s31 =	sadd.s32 $0x1, s22;
	s20 =	smov.u32 s21;
	p1 =	por !p1, !p1  }
0x318: {  	p2 =	por !p2, !p2;
	s22 =	smov.u32 s31;
	s21 =	smov.u32 s1  }
.LBB2_1:
0x319: {  	p3 =	sge.u32 s22, s13  }
0x31a: {  	s0 =	smulhi.u32 @!p3 $0xAAAAAAAB, s22  }
0x31b: {  	s1 =	smov.u32 s21;
	p4 =	sgt.s32 @!p3 s21, $0x26F80  }
0x31c: {  	s2 =	sshra.s32 @!p3 s21, $0x1F;
	p4 =	por !p4, p3;
	s0 =	sshrl.u32 @!p3 s0, $0x1  }
0x31d: {  	s2 =	sand.u32 @!p3 s2, s21;
	s1 =	simm.s32 @p4 $0x26F80;
	s0 =	smul.u32 @!p3 $0x3, s0  }
0x31e: {  	s1 =	ssub.s32 @!p3 s1, s2  }
0x31f: {  	s1 =	sadd.s32 @!p3 $0xFFFD9080, s1;
	s0 =	ssub.s32 @!p3 s22, s0  }
0x320: {  	s2 =	sshll.u32 @!p3 s1, $0x2;
	p4 =	sgt.s32 @!p3 s1, $0x17F;
	s0 =	smul.u32 @!p3 $0x600, s0  }
0x321: {  	s5 =	sand.u32 @!p3 $0x7, s21;
	s1 =	ssub.s32 @!p3 $0x600, s2;
	p4 =	por !p4, p3  }
0x322: {  	s2 =	sshrl.u32 @!p3 s21, $0x3;
	s1 =	sshrl.u32 @!p3 s1, $0x2;
	s0 =	sshrl.u32 @!p3 s0, $0x2  }
0x323: {  	s2 =	sadd.s32 @!p3 s2, s14;
	s1 =	simm.s32 @!p4 $0x0;
	s0 =	sadd.s32 @!p3 $0x64C8, s0  }
0x324: {  	[tilespmem:s0], [sflag:$0xA] =	stream.linear.gather @!p3 [hbm4b:s2+s5], s1, $0x38;
	[tilespmem:$0x1EC48] =	vst v63  }
0x325: {  	s1 =	sadd.s32 $0xFFFFFFFF, s22  }
0x326: {  	p3 =	sge.u32 s1, s13  }
0x327: {  	p4 =	sgt.s32 @!p3 s20, $0x26F80  }
0x328: {  	s0 =	smov.u32 s20;
	s2 =	sshra.s32 @!p3 s20, $0x1F;
	p4 =	por !p4, p3  }
0x329: {  	s2 =	sand.u32 @!p3 s2, s20;
	s0 =	simm.s32 @p4 $0x26F80  }
0x32a: {  	s0 =	ssub.s32 @!p3 s0, s2  }
0x32b: {  	s0 =	sadd.s32 @!p3 $0xFFFD9080, s0  }
0x32c: {  	s2 =	sshll.u32 @!p3 s0, $0x2  }
0x32d: {  	p4 =	sgt.s32 @!p3 s0, $0x17F;
	s0 =	ssub.s32 @!p3 $0x600, s2  }
0x32e: {  	p4 =	por !p4, p3;
	s0 =	sshrl.u32 @!p3 s0, $0x2  }
0x32f: {  	s5 =	simm.s32 @!p3 $0xA;
	s2 =	sand.u32 @!p3 $0x1, s1;
	s0 =	simm.s32 @!p4 $0x0  }
0x330: {  	s2 =	smul.u32 @!p3 $0x600, s2;
	_ =	swait.ge @!p3 [sflag:s5], s0  }
0x331: {  	s6 =	ssub.s32 @!p3 $0x0, s0;
	[sflag:s5] =	ssyncset.done @!p3 $0x0  }
0x332: {  	s2 =	sshrl.u32 @!p3 s2, $0x2;
	[sflag:s5] =	ssyncadd.s32 @!p3 s6;
	s5 =	sshrl.u32 @!p3 s20, $0x3  }
0x333: {  	s2 =	sadd.s32 @!p3 $0x6948, s2;
	s6 =	sand.u32 @!p3 $0x7, s20;
	s5 =	sadd.s32 @!p3 s5, s15  }
0x334: {  	[tilespmem:s2], [sflag:$0xB] =	stream.linear.gather @!p3 [hbm4b:s5+s6], s0, $0x38;
	[tilespmem:$0x1EC48] =	vst v63  }
0x335: {  	s0 =	ssub.s32 @!p3 $0x27100, s20  }
0x336: {  	p4 =	slt.s32 @!p3 s0, $0x1  }
0x337: {  	p4 =	por p3, p4  }
.Ltmp2:
0x338: {  	_ = 	snop;
	(pc) =	sbr.rel @p4 .LBB2_7-.Ltmp2, $1  }
0x339: {  	_ =	sdelay $0x3  }
0x33a: {  	s2 =	smulhi.u32 $0xAAAAAAAB, s1;
	_ =	sdelay $0x1  }
0x33b: {  	s2 =	sshrl.u32 s2, $0x1  }
0x33c: {  	s2 =	smul.u32 $0x3, s2;
	_ =	sdelay $0x1  }
0x33d: {  	s29 =	ssub.s32 s1, s2  }
0x33e: {  	s5 =	simm.s32 $0x1;
	s1 =	smul.u32 $0x600, s29  }
.Ltmp3:
0x33f: {  	s5 =	simm.s32 @!p1 $0x0;
	(pc) =	sbr.rel .LBB2_4-.Ltmp3, $4  }
0x340: {  	s30 =	smul.u32 $0x30000, s5  }
0x341: {  	p4 =	slt.s32 @!p3 s0, $0x180;
	s1 =	sshrl.u32 s1, $0x2  }
0x342: {  	p3 =	por !p4, p3;
	s2 =	sshrl.u32 s30, $0x2;
	s31 =	sadd.s32 $0x64C8, s1  }
0x343: {  	s24 =	simm.s32 $0x0;
	s0 =	simm.s32 @p3 $0x180;
	s1 =	sadd.s32 $0x6C48, s2;
	v1 =	vmov s31  }
.LBB2_3:
0x344: {  	p3 =	sge.s32 s24, s0  }
.Ltmp4:
0x345: {  	_ = 	snop;
	(pc) =	sbr.rel @p3 .LBB2_7-.Ltmp4, $2  }
0x346: {  	_ =	sdelay $0x2  }
0x347: {  	s1 =	sadd.s32 $0x800, s1  }
.LBB2_4:
0x348: {  	p3 =	sle.s32 s0, s24  }
.Ltmp5:
0x349: {  	_ = 	snop;
	(pc) =	sbr.rel @p3 .LBB2_3-.Ltmp5, $2  }
0x34a: {  	_ =	sdelay $0x2  }
0x34b: {  	s2 =	smov.u32 s24;
	s24 =	sadd.s32 $0x10, s24  }
0x34c: {  	s5 =	ssub.s32 s0, s2  }
0x34d: {  	p3 =	slt.s32 s5, $0x10  }
0x34e: {  	s5 =	simm.s32 @!p3 $0x10  }
0x34f: {  	v2 =	vmov s5  }
0x350: {  	vm0 =	vgt.s32 v2, v0;
	_ =	sdelay $0x5  }
0x351: {  	v2 =	vld.idx.msk [tilespmem:v1+s2+$0x0 ss:$0x1], vm0;
	_ =	sdelay $0x2  }
0x352: {  	s6 =	smov.u32 s0;
	p3 =	slt.s32 s24, s0  }
0x353: {  	s25 =	simm.s32 $0x0;
	s6 =	smov.u32 @p3 s24;
	s5 =	smov.u32 s1  }
.LBB2_6:
0x354: {  	(v2sf) =	vpush v2, s25;
	_ =	sdelay $0xc  }
0x355: {  	s25 =	sadd.s32 $0x1, s25  }
0x356: {  	s31 =	sadd.s32 s25, s2  }
0x357: {  	p3 =	slt.s32 s31, s6;
	s10 =	spop (v2sf)  }
.Ltmp6:
0x358: {  	s10 =	sshll.u32 s10, $0x4;
	(pc) =	sbr.rel @p3 .LBB2_6-.Ltmp6, $4  }
0x359: {  	s10 =	sand.u32 $0x1FFFFFF0, s10  }
0x35a: {  	s10 =	sadd.s32 s7, s10  }
0x35b: {  	[tilespmem:s5], [sflag:$0x9] =	stream.linear.gather [hbm4b:s10+s18], $0x20, $0x38;
	[tilespmem:$0x1EC48] =	vst v63  }
0x35c: {  	s5 =	sadd.s32 $0x80, s5  }
.Ltmp7:
0x35d: {  	_ = 	snop;
	(pc) =	sbr.rel .LBB2_3-.Ltmp7, $1  }
0x35e: {  	_ =	sdelay $0x3  }
.LBB2_7:
0x35f: {  	p3 =	slt.u32 s22, $0x2  }
.Ltmp8:
0x360: {  	_ = 	snop;
	(pc) =	sbr.rel @p3 .LBB2_25-.Ltmp8, $1  }
0x361: {  	_ =	sdelay $0x3  }
0x362: {  	p3 =	sgt.s32 s23, $0x26F80  }
0x363: {  	s0 =	smov.u32 s23;
	s1 =	sshra.s32 s23, $0x1F;
	s2 =	ssub.s32 $0x27100, s23  }
0x364: {  	s0 =	simm.s32 @!p3 $0x26F80;
	s1 =	sand.u32 s1, s23;
	p3 =	slt.s32 s2, $0x180  }
0x365: {  	s0 =	ssub.s32 s0, s1;
	s2 =	simm.s32 @!p3 $0x180  }
0x366: {  	s0 =	sadd.s32 $0xFFFD9080, s0;
	s11 =	sshll.u32 s2, $0x5  }
0x367: {  	s26 =	simm.s32 $0x9;
	s24 =	sshll.u32 s0, $0x2;
	s1 =	sand.u32 $0x3FFFFFE0, s11  }
0x368: {  	p3 =	sgt.s32 s0, $0x17F;
	s25 =	ssub.s32 $0x600, s24;
	_ =	swait.ge [sflag:s26], s1  }
0x369: {  	s1 =	ssub.s32 $0x0, s1;
	[sflag:s26] =	ssyncset.done $0x0;
	s0 =	sshrl.u32 s25, $0x2  }
0x36a: {  	[sflag:s26] =	ssyncadd.s32 s1;
	s0 =	simm.s32 @p3 $0x0  }
0x36b: {  	_ =	swait.ge [sflag:s12], s0  }
0x36c: {  	s0 =	ssub.s32 $0x0, s0;
	[sflag:s12] =	ssyncset.done $0x0  }
0x36d: {  	[sflag:s12] =	ssyncadd.s32 s0  }
0x36e: {  	v1 =	vld [tilespmem:$0x6088];
	_ =	sdelay $0x4  }
0x36f: {  	(v2sf) =	vpush v1, $0x0  }
0x370: {  	(v2sf) =	vpush v1, $0x1  }
0x371: {  	(v2sf) =	vpush v1, $0x2;
	_ =	sdelay $0x3  }
0x372: {  	s0 =	sadd.s32 $0x180, s23  }
0x373: {  	s1 =	ssub.s32 $0x4E200, s23;
	p3 =	slt.s32 s9, s0  }
0x374: {  	s0 =	smov.u32 @p3 s9;
	p3 =	sgt.s32 s1, $0x0  }
0x375: {  	s28 =	ssub.s32 s0, s23;
	s1 =	simm.s32 @!p3 $0x0  }
0x376: {  	p3 =	slt.s32 s1, s28  }
0x377: {  	s28 =	smov.u32 @p3 s1  }
0x378: {  	s26 =	simm.s32 $0x1;
	p3 =	slt.s32 s28, $0x1  }
.Ltmp9:
0x379: {  	s26 =	simm.s32 @!p2 $0x0;
	(pc) =	sbr.rel @p3 .LBB2_12-.Ltmp9, $4  }
0x37a: {  	s30 =	smul.u32 $0x600, s26  }
0x37b: {  	s0 =	spop (v2sf)  }
0x37c: {  	s31 =	sshrl.u32 s30, $0x2;
	s29 =	spop (v2sf)  }
0x37d: {  	s24 =	sadd.s32 $0x6948, s31;
	s23 =	spop (v2sf)  }
0x37e: {  	s1 =	smin.u32 s28, $0x10  }
0x37f: {  	v1 =	vmov s1  }
0x380: {  	p4 =	sgt.s32 s28, $0x10;
	vm1 =	vgt.u32 v1, v0  }
.Ltmp10:
0x381: {  	_ = 	snop;
	(pc) =	sbr.rel @!p4 .LBB2_11-.Ltmp10, $2  }
0x382: {  	_ =	sdelay $0x2  }
0x383: {  	s2 =	simm.s32 $0x10;
	s25 =	sadd.s32 $0xFFFFFFF0, s28;
	s1 =	smov.u32 s24;
	vm0 =	vmmov vm1  }
.LBB2_10:
0x384: {  	s5 =	smin.u32 s25, $0x10;
	s2 =	sadd.s32 $0x10, s2;
	v1 =	vld.msk [tilespmem:s1+$0x0 ss:$0x1], vm1  }
0x385: {  	v2 =	vmov s5;
	p4 =	slt.s32 s2, s28  }
0x386: {  	vm1 =	vgt.u32 v2, v0  }
.Ltmp11:
0x387: {  	(pc) =	sbr.rel @p4 .LBB2_10-.Ltmp11, $3  }
0x388: {  	_ =	sdelay $0x1  }
0x389: {  	v1 =	vshll.u32 v1, $0x4  }
0x38a: {  	s25 =	sadd.s32 $0xFFFFFFF0, s25;
	[tilespmem:s1+$0x0] =	vst.msk vm0, v1;
	s1 =	sadd.s32 $0x10, s1;
	vm0 =	vmmov vm1  }
.LBB2_11:
0x38b: {  	_ =	sdelay $0x4  }
0x38c: {  	v1 =	vld.msk [tilespmem:s1+$0x0 ss:$0x1], vm1;
	_ =	sdelay $0x4  }
0x38d: {  	v1 =	vshll.u32 v1, $0x4  }
0x38e: {  	[tilespmem:s1+$0x0] =	vst.msk vm0, v1  }
.LBB2_12:
0x38f: {  	s1 =	sand.u32 $0x1, s22  }
0x390: {  	s1 =	smul.u32 $0x180, s1  }
0x391: {  	p4 =	sne.s32 s29, $0xFFFFFFFF  }
0x392: {  	v1 =	vld.msk @!p4 [tilespmem:s1+$0x6948], $0x1;
	_ =	sdelay $0x4  }
0x393: {  	(v2sf) =	vpush @!p4 v1, $0x0;
	_ =	sdelay $0xc  }
.Ltmp12:
0x394: {  	_ = 	snop;
	(pc) =	sbr.rel @p3 .LBB2_23-.Ltmp12, $4  }
0x395: {  	_ = 	snop  }
0x396: {  	s30 =	spop @!p4 (v2sf)  }
0x397: {  	s23 =	simm.s32 @!p4 $0x0;
	s25 =	smov.u32 s30  }
0x398: {  	[sflag:s19] =	ssyncpa.u1 $0x0;
	s30 =	smov.u32 @p4 s0;
	s25 =	smov.u32 @p4 s29  }
0x399: {  	v1 =	vld.msk [tilespmem:s24+$0x0], $0x1;
	_ =	sdelay $0x4  }
0x39a: {  	(v2sf) =	vpush v1, $0x0;
	_ =	sdelay $0xe  }
0x39b: {  	s0 =	smul.u32 $0x30000, s26;
	s1 =	spop (v2sf)  }
0x39c: {  	s28 =	ssub.s32 $0x0, s28;
	p3 =	seq.s32 s30, s1  }
0x39d: {  	s31 =	sadd.s32 $0x1, s28;
	s0 =	sshrl.u32 s0, $0x2;
	p4 =	sgt.s32 @!p3 s30, $0x0  }
0x39e: {  	s26 =	sadd.s32 $0x6C58, s0;
	s0 =	smov.u32 s30;
	p4 =	por !p4, p3  }
0x39f: {  	s0 =	simm.s32 @p4 $0x0;
	p4 =	seq.s32 s31, $0x0  }
.Ltmp13:
0x3a0: {  	_ = 	snop;
	(pc) =	sbr.rel @p4 .LBB2_15-.Ltmp13, $4  }
0x3a1: {  	_ = 	snop  }
0x3a2: {  	s29 =	simm.s32 $0x0;
	s2 =	simm.s32 @!p3 $0x1;
	s0 =	smin.u32 @!p3 s0, $0x2427C  }
0x3a3: {  	s6 =	simm.s32 @!p3 $0x3068;
	s2 =	smov.u32 @p3 s29;
	s10 =	sand.u32 @!p3 $0x3FFF8, s0  }
0x3a4: {  	s5 =	sand.u32 @!p3 $0x7, s0;
	s0 =	sadd.s32 $0x1, s24;
	s10 =	sadd.s32 @!p3 s4, s10  }
.LBB2_14:
0x3a5: {  	s11 =	smov.u32 s2  }
0x3a6: {  	[tilespmem:s6], [sflag:$0x2] =	stream.linear.gather @!p3 [hbm4b:s10+s5], $0x20, $0x38;
	[tilespmem:$0x1EC48] =	vst v63  }
0x3a7: {  	s31 =	sadd.s32 $0x1, s31;
	s5 =	smov.u32 s1;
	v1 =	vld.msk [tilespmem:s0+$0x0], $0x1  }
0x3a8: {  	p4 =	seq.s32 s31, $0x0;
	_ =	sdelay $0x3  }
0x3a9: {  	(v2sf) =	vpush v1, $0x0;
	_ =	sdelay $0xe  }
0x3aa: {  	s1 =	spop (v2sf)  }
0x3ab: {  	p3 =	seq.s32 s5, s1  }
0x3ac: {  	p5 =	sgt.s32 @!p3 s5, $0x0;
	s6 =	sshll.u32 @!p3 s2, $0x7;
	s2 =	sadd.s32 @!p3 $0x1, s2  }
.Ltmp14:
0x3ad: {  	p5 =	por !p5, p3;
	s6 =	sshra.s32 @!p3 s6, $0x2;
	(pc) =	sbr.rel @!p4 .LBB2_14-.Ltmp14, $4  }
0x3ae: {  	s2 =	smov.u32 @p3 s11;
	s5 =	simm.s32 @p5 $0x0;
	s6 =	sadd.s32 @!p3 $0x3068, s6  }
0x3af: {  	s5 =	smin.u32 @!p3 s5, $0x2427C  }
0x3b0: {  	s10 =	sand.u32 @!p3 $0x3FFF8, s5;
	s5 =	sand.u32 @!p3 $0x7, s5  }
0x3b1: {  	s0 =	sadd.s32 $0x1, s0;
	s10 =	sadd.s32 @!p3 s4, s10  }
.LBB2_15:
0x3b2: {  	[tilespmem:s6], [sflag:$0x2] =	stream.linear.gather @!p3 [hbm4b:s10+s5], $0x20, $0x38;
	[tilespmem:$0x1EC48] =	vst v63  }
.Ltmp15:
0x3b3: {  	s0 =	sshll.u32 s2, $0x5;
	(pc) =	sbr.rel .LBB2_16-.Ltmp15, $4  }
0x3b4: {  	s1 =	simm.s32 $0x2;
	s0 =	sand.u32 $0x3FFFFFE0, s0  }
0x3b5: {  	_ =	swait.ge [sflag:s1], s0  }
0x3b6: {  	s0 =	ssub.s32 $0x0, s0;
	[sflag:s1] =	ssyncset.done $0x0  }
0x3b7: {  	[sflag:s1] =	ssyncadd.s32 s0;
	s0 =	simm.s32 $0x0  }
.LBB2_17:
0x3b8: {  	v1 =	vld [tilespmem:s26+$0xFFFFFFF0];
	_ =	sdelay $0x4  }
0x3b9: {  	[tilespmem:s1+$0x48] =	vst.add.f32.msk $0xffff, v1  }
0x3ba: {  	v1 =	vld [tilespmem:s26+$0x0];
	_ =	sdelay $0x4  }
0x3bb: {  	[tilespmem:s1+$0x58] =	vst.add.f32.msk $0xffff, v1  }
.LBB2_21:
0x3bc: {  	s28 =	sadd.s32 $0x1, s28  }
0x3bd: {  	p3 =	seq.s32 s28, $0x0  }
.Ltmp16:
0x3be: {  	_ = 	snop;
	(pc) =	sbr.rel @p3 .LBB2_22-.Ltmp16, $2  }
0x3bf: {  	_ =	sdelay $0x2  }
0x3c0: {  	s26 =	sadd.s32 $0x80, s26;
	s24 =	sadd.s32 $0x1, s24;
	s30 =	smov.u32 s31  }
.LBB2_16:
0x3c1: {  	v1 =	vld.msk [tilespmem:s24+$0x0], $0x1;
	_ =	sdelay $0x4  }
0x3c2: {  	(v2sf) =	vpush v1, $0x0;
	_ =	sdelay $0xe  }
0x3c3: {  	s31 =	spop (v2sf)  }
0x3c4: {  	p3 =	sne.s32 s30, s31  }
.Ltmp17:
0x3c5: {  	_ = 	snop;
	(pc) =	sbr.rel @!p3 .LBB2_17-.Ltmp17, $3  }
0x3c6: {  	_ =	sdelay $0x1  }
0x3c7: {  	s1 =	sshll.u32 s23, $0x7  }
0x3c8: {  	s1 =	sshra.s32 s1, $0x2  }
0x3c9: {  	p3 =	seq.s32 s30, s25  }
.Ltmp18:
0x3ca: {  	_ = 	snop;
	(pc) =	sbr.rel @!p3 .LBB2_19-.Ltmp18, $1  }
0x3cb: {  	_ =	sdelay $0x3  }
.Ltmp19:
0x3cc: {  	s1 =	sadd.s32 $0x48, s1;
	(pc) =	sbr.rel .LBB2_20-.Ltmp19, $4  }
0x3cd: {  	[spmem:s16] =	stream.linear.scatter [tilespmem:s1], [sflag:$0x1], $0x20, $0x38;
	[tilespmem:$0x1EC48] =	vst v63  }
0x3ce: {  	_ =	swait.ge [sflag:s3], $0x20  }
0x3cf: {  	[sflag:s3] =	ssyncset.done $0x0  }
0x3d0: {  	[sflag:s3] =	ssyncadd.s32 $0xFFFFFFE0  }
.LBB2_19:
0x3d1: {  	s2 =	sshll.u32 s29, $0x7  }
0x3d2: {  	s2 =	sshra.s32 s2, $0x2  }
0x3d3: {  	v1 =	vld [tilespmem:s2+$0x3068];
	_ =	sdelay $0x4  }
0x3d4: {  	[tilespmem:s1+$0x48] =	vst.add.f32.msk $0xffff, v1  }
0x3d5: {  	v1 =	vld [tilespmem:s2+$0x3078];
	_ =	sdelay $0x2  }
0x3d6: {  	p3 =	sgt.u32 s30, $0x2427C  }
0x3d7: {  	s2 =	sand.u32 @!p3 $0x3FFF8, s30  }
0x3d8: {  	s5 =	sadd.s32 $0x48, s1;
	[tilespmem:s1+$0x58] =	vst.add.f32.msk $0xffff, v1;
	s1 =	sadd.s32 @!p3 s4, s2;
	s2 =	sand.u32 @!p3 $0x7, s30  }
0x3d9: {  	[hbm4b:s1+s2] =	stream.linear.scatter @!p3 [tilespmem:s5], [sflag:$0xC], $0x20, $0x38;
	[tilespmem:$0x1EC48] =	vst v63  }
0x3da: {  	s1 =	simm.s32 $0x0  }
0x3db: {  	s1 =	simm.s32 @!p3 $0x80  }
0x3dc: {  	s0 =	sadd.s32 s1, s0  }
.LBB2_20:
0x3dd: {  	s1 =	sadd.s32 $0x1, s23  }
0x3de: {  	s2 =	smulhi.u32 $0xAAAAAAAB, s1;
	_ =	sdelay $0x1  }
0x3df: {  	v1 =	vld [tilespmem:s26+$0xFFFFFFF0];
	s2 =	sshrl.u32 s2, $0x8  }
0x3e0: {  	s2 =	smul.u32 $0x180, s2;
	_ =	sdelay $0x1  }
0x3e1: {  	s23 =	ssub.s32 s1, s2  }
0x3e2: {  	s1 =	sshll.u32 s23, $0x5  }
0x3e3: {  	[tilespmem:s1+$0x48] =	vst v1  }
0x3e4: {  	v1 =	vld [tilespmem:s26+$0x0]  }
.Ltmp20:
0x3e5: {  	_ = 	snop;
	(pc) =	sbr.rel .LBB2_21-.Ltmp20, $2  }
0x3e6: {  	_ =	sdelay $0x2  }
0x3e7: {  	s29 =	sadd.s32 $0x1, s29;
	[tilespmem:s1+$0x58] =	vst v1  }
.LBB2_23:
.Ltmp21:
0x3e8: {  	(pc) =	sbr.rel .LBB2_24-.Ltmp21, $4  }
0x3e9: {  	_ = 	snop  }
0x3ea: {  	s0 =	simm.s32 $0x2  }
0x3eb: {  	_ =	swait.ge [sflag:s0], $0x0  }
0x3ec: {  	s31 =	smov.u32 s30;
	[sflag:s0] =	ssyncset.done $0x0;
	s0 =	simm.s32 $0x0  }
.LBB2_26:
0x3ed: {  	_ =	sfence.sel $0x180000  }
0x3ee: {  	s0 =	simm.s32 $0x9;
	[bflag:$0x0] =	sbarrier.arrive $0xFFFF  }
0x3ef: {  	s24 =	simm.s32 $0xA;
	[sflag:s0] =	ssyncpa.u1 $0x1  }
0x3f0: {  	s25 =	simm.s32 $0xB;
	[sflag:s24] =	ssyncpa.u1 $0x1  }
0x3f1: {  	s26 =	simm.s32 $0x2;
	[sflag:s25] =	ssyncpa.u1 $0x1  }
0x3f2: {  	[sflag:s26] =	ssyncpa.u1 $0x1  }
0x3f3: {  	v0 =	vld [tilespmem:$0x6088];
	_ =	sdelay $0x4  }
0x3f4: {  	(v2sf) =	vpush v0, $0x0  }
0x3f5: {  	(v2sf) =	vpush v0, $0x1;
	_ =	sdelay $0x1  }
0x3f6: {  	(v2sf) =	vpush v0, $0x2;
	_ =	sdelay $0xb  }
0x3f7: {  	s0 =	spop (v2sf)  }
0x3f8: {  	s1 =	spop (v2sf)  }
0x3f9: {  	s2 =	smov.u32 s0;
	p1 =	sne.s32 s0, s1  }
0x3fa: {  	s3 =	spop (v2sf);
	s2 =	simm.s32 @!p1 $0xFFFFFFFF  }
0x3fb: {  	v2 =	vimm.s32 $0x1;
	v3 =	vlaneseq.u32;
	p1 =	seq.s32 s3, $0xFFFFFFFF;
	v1 =	vmov s2  }
0x3fc: {  	s14 =	stileid.u32;
	v0 =	vperm.xlane v0, v2;
	p2 =	sne.s32 @!p1 s0, s1;
	v1 =	vperm.xlane v1, v3  }
0x3fd: {  	vm0 =	vcmask $0x3F04;
	s6 =	simm.s32 $0x6088;
	s0 =	simm.s32 @!p1 $0x1;
	p2 =	por !p2, p1  }
0x3fe: {  	s2 =	sshll.u32 s14, $0x1;
	s1 =	sshll.u32 @!p1 s3, $0x7;
	s0 =	simm.s32 @p2 $0x0;
	v0 =	vsel vm0, v1, v0  }
0x3ff: {  	s5 =	sor.u32 $0x400, s2;
	s1 =	sshra.s32 @!p1 s1, $0x2;
	s0 =	sor.u32 @!p1 s0, s2;
	[tilespmem:$0x6088] =	vst v0  }
0x400: {  	[spmem:s5] =	stream.linear.scatter [tilespmem:s6], [sflag:$0x1], $0x2, $0x38;
	[tilespmem:$0x1EC48] =	vst v63  }
0x401: {  	s1 =	sadd.s32 @!p1 $0x48, s1;
	s0 =	sshll.u32 @!p1 s0, $0x5  }
0x402: {  	[spmem:s0] =	stream.linear.scatter @!p1 [tilespmem:s1], [sflag:$0x1], $0x20, $0x38;
	[tilespmem:$0x1EC48] =	vst v63  }
0x403: {  	s0 =	simm.s32 @!p1 $0x22  }
0x404: {  	s28 =	simm.s32 $0x1;
	s0 =	simm.s32 @p1 $0x2  }
0x405: {  	_ =	swait.ge [sflag:s28], s0  }
0x406: {  	s0 =	ssub.s32 $0x0, s0;
	[sflag:s28] =	ssyncset.done $0x0  }
0x407: {  	[sflag:s28] =	ssyncadd.s32 s0  }
.Ltmp22:
0x408: {  	_ =	sfence.stream.spmem;
	(pc) =	sbr.rel @p0 .LBB2_43-.Ltmp22, $4  }
0x409: {  	s29 =	simm.s32 $0x3;
	[bflag:$0x0] =	sbarrier.arrive $0xFFFF  }
0x40a: {  	s30 =	simm.s32 $0x4;
	[sflag:s29] =	ssyncpa.u1 $0x1  }
0x40b: {  	s31 =	simm.s32 $0x3C;
	[sflag:s30] =	ssyncpa.u1 $0x1  }
0x40c: {  	s15 =	rddreg [dreg:$0x4];
	[sflag:s31] =	ssyncpa.u1 $0x1  }
0x40d: {  	_ =	sfence.stream.spmem;
	s0 =	simm.s32 $0x5  }
0x40e: {  	s1 =	simm.s32 $0x400;
	s2 =	simm.s32 $0x6098;
	[sflag:s0] =	ssyncpa.u1 $0x0  }
0x40f: {  	[tilespmem:s2], [sflag:$0x5] =	stream.linear.gather [spmem:s1], $0x20, $0x38;
	[tilespmem:$0x1EC48] =	vst v63  }
0x410: {  	s26 =	simm.s32 $0x0;
	s28 =	simm.s32 $0x60B8  }
0x411: {  	[tilespmem:s28], [sflag:$0x5] =	stream.linear.gather [spmem:s26], $0x400, $0x38;
	[tilespmem:$0x1EC48] =	vst v63  }
0x412: {  	_ =	swait.ge [sflag:s0], $0x420  }
0x413: {  	[sflag:s0] =	ssyncset.done $0x0  }
0x414: {  	s29 =	simm.s32 $0x0;
	[sflag:s0] =	ssyncadd.s32 $0xFFFFFBE0  }
0x415: {  	v0 =	vld.msk [tilespmem:s29+$0x6098], $0x1;
	_ =	sdelay $0x1  }
0x416: {  	s30 =	simm.s32 $0x1  }
0x417: {  	v1 =	vld.msk [tilespmem:s30+$0x6098], $0x1;
	_ =	sdelay $0x1  }
0x418: {  	(v2sf) =	vpush v0, $0x0;
	_ =	sdelay $0x2  }
0x419: {  	(v2sf) =	vpush v1, $0x0;
	_ =	sdelay $0x2  }
0x41a: {  	s31 =	simm.s32 $0x2  }
0x41b: {  	v0 =	vld.msk [tilespmem:s31+$0x6098], $0x1;
	_ =	sdelay $0x2  }
0x41c: {  	s1 =	simm.s32 $0xFFFFFFFF;
	s2 =	simm.s32 $0xFFFFFFFF;
	s0 =	simm.s32 $0xC  }
.LBB2_28:
0x41d: {  	s3 =	smov.u32 s2;
	s5 =	smov.u32 s1  }
0x41e: {  	s1 =	sshra.s32 s0, $0x2;
	p1 =	sne.s32 s0, $0x7C;
	s0 =	sadd.s32 $0x4, s0;
	(v2sf) =	vpush v0, $0x0  }
0x41f: {  	v0 =	vld.msk [tilespmem:s1+$0x6098], $0x1  }
.Ltmp23:
0x420: {  	(pc) =	sbr.rel @p1 .LBB2_28-.Ltmp23, $4  }
0x421: {  	s2 =	spop (v2sf)  }
0x422: {  	p2 =	sne.s32 s5, $0xFFFFFFFF;
	s1 =	smov.u32 s2  }
0x423: {  	p3 =	seq.s32 s2, $0xFFFFFFFF;
	s1 =	smov.u32 @p2 s5  }
0x424: {  	s2 =	smov.u32 @p3 s3;
	s1 =	smov.u32 @p3 s5  }
0x425: {  	(v2sf) =	vpush v0, $0x0;
	_ =	sdelay $0x8  }
0x426: {  	s0 =	spop (v2sf)  }
0x427: {  	p1 =	sne.s32 s1, $0xFFFFFFFF;
	s3 =	smov.u32 s0  }
0x428: {  	s9 =	simm.s32 $0x6;
	p2 =	seq.s32 s0, $0xFFFFFFFF;
	s3 =	smov.u32 @p1 s1  }
0x429: {  	s10 =	simm.s32 $0x6068;
	s3 =	smov.u32 @p2 s1;
	s1 =	spop (v2sf)  }
0x42a: {  	s0 =	smov.u32 @p2 s2;
	p1 =	sne.s32 s3, $0xFFFFFFFF;
	s5 =	smov.u32 s1  }
.Ltmp24:
0x42b: {  	p2 =	seq.s32 s1, $0xFFFFFFFF;
	s5 =	smov.u32 @p1 s3;
	(pc) =	sbr.rel .LBB2_30-.Ltmp24, $4  }
0x42c: {  	s11 =	simm.s32 $0x0;
	s5 =	smov.u32 @p2 s3;
	s7 =	spop (v2sf)  }
0x42d: {  	[sflag:s9] =	ssyncpa.u1 $0x0;
	p1 =	sne.s32 s5, $0xFFFFFFFF;
	s8 =	smov.u32 s7  }
0x42e: {  	s1 =	smov.u32 @p2 s0;
	p2 =	seq.s32 s7, $0xFFFFFFFF;
	s8 =	smov.u32 @p1 s5  }
0x42f: {  	s3 =	simm.s32 $0x0;
	s7 =	smov.u32 @p2 s1;
	s8 =	smov.u32 @p2 s5  }
.LBB2_36:
0x430: {  	p1 =	sgt.u32 s12, $0x2427C  }
0x431: {  	p2 =	seq.s32 @!p1 s12, s8  }
0x432: {  	p1 =	por p1, p2  }
0x433: {  	p2 =	sne.s32 @!p1 s12, s7  }
0x434: {  	p1 =	por p1, !p2  }
0x435: {  	s0 =	sshll.u32 @p1 s11, $0x7  }
0x436: {  	s0 =	sand.u32 @!p1 $0x3FFF8, s12  }
0x437: {  	s1 =	sand.u32 @!p1 $0x7, s12;
	s0 =	sadd.s32 @!p1 s4, s0  }
0x438: {  	[tilespmem:s10], [sflag:$0x6] =	stream.linear.gather @!p1 [hbm4b:s0+s1], $0x20, $0x38;
	[tilespmem:$0x1EC48] =	vst v63  }
0x439: {  	_ =	swait.ge @!p1 [sflag:s9], $0x20  }
0x43a: {  	[sflag:s9] =	ssyncset.done @!p1 $0x0  }
0x43b: {  	[sflag:s9] =	ssyncadd.s32 @!p1 $0xFFFFFFE0  }
0x43c: {  	v1 =	vld @!p1 [tilespmem:$0x6068];
	_ =	sdelay $0x2  }
0x43d: {  	s0 =	sshll.u32 @!p1 s11, $0x7  }
0x43e: {  	s1 =	sshrl.u32 @!p1 s0, $0x2  }
0x43f: {  	[tilespmem:s1+$0x60B8] =	vst.add.f32.msk @!p1 $0xffff, v1  }
0x440: {  	v1 =	vld @!p1 [tilespmem:$0x6078];
	_ =	sdelay $0x4  }
0x441: {  	[tilespmem:s1+$0x60C8] =	vst.add.f32.msk @!p1 $0xffff, v1  }
0x442: {  	s0 =	sshrl.u32 s0, $0x2;
	[tilespmem:s3+$0x6098] =	vst.msk $0x1, v0  }
0x443: {  	v0 =	vld [tilespmem:s0+$0x60B8];
	_ =	sdelay $0x2  }
0x444: {  	s31 =	sshll.u32 s3, $0x7  }
0x445: {  	s1 =	sshra.s32 s31, $0x2  }
0x446: {  	[tilespmem:s1+$0x60B8] =	vst v0  }
0x447: {  	v0 =	vld [tilespmem:s0+$0x60C8];
	_ =	sdelay $0x4  }
0x448: {  	s3 =	sadd.s32 $0x1, s3;
	[tilespmem:s1+$0x60C8] =	vst v0  }
.LBB2_37:
0x449: {  	s11 =	sadd.s32 $0x1, s11  }
0x44a: {  	p1 =	sne.s32 s11, $0x20  }
.Ltmp25:
0x44b: {  	_ = 	snop;
	(pc) =	sbr.rel @!p1 .LBB2_38-.Ltmp25, $1  }
0x44c: {  	_ =	sdelay $0x3  }
.LBB2_30:
0x44d: {  	v0 =	vld.msk [tilespmem:s11+$0x6098], $0x1;
	_ =	sdelay $0x4  }
0x44e: {  	(v2sf) =	vpush v0, $0x0;
	_ =	sdelay $0xe  }
0x44f: {  	s12 =	spop (v2sf)  }
0x450: {  	p1 =	seq.s32 s12, $0xFFFFFFFF  }
.Ltmp26:
0x451: {  	_ = 	snop;
	(pc) =	sbr.rel @p1 .LBB2_37-.Ltmp26, $1  }
0x452: {  	_ =	sdelay $0x3  }
0x453: {  	p1 =	slt.s32 s3, $0x1  }
.Ltmp27:
0x454: {  	_ = 	snop;
	(pc) =	sbr.rel @p1 .LBB2_36-.Ltmp27, $1  }
0x455: {  	_ =	sdelay $0x3  }
0x456: {  	s0 =	simm.s32 $0x6098;
	p1 =	por $0x0, $0x0  }
0x457: {  	v1 =	vld.msk @!p1 [tilespmem:s0+$0x0], $0x1;
	_ =	sdelay $0x4  }
0x458: {  	(v2sf) =	vpush @!p1 v1, $0x0;
	_ =	sdelay $0xd  }
0x459: {  	p3 =	sne.s32 s3, $0x1  }
.Ltmp28:
0x45a: {  	s1 =	spop @!p1 (v2sf);
	(pc) =	sbr.rel @!p3 .LBB2_34-.Ltmp28, $4  }
0x45b: {  	p2 =	seq.s32 @!p1 s12, s1  }
0x45c: {  	s13 =	simm.s32 $0x0;
	p2 =	por !p2, p1  }
0x45d: {  	s2 =	simm.s32 $0xFFFFFFFF;
	s13 =	simm.s32 @p2 $0xFFFFFFFF  }
0x45e: {  	s1 =	simm.s32 $0x1;
	s13 =	smov.u32 @p1 s2  }
.LBB2_33:
0x45f: {  	s2 =	smov.u32 s13;
	p1 =	sne.s32 s13, $0xFFFFFFFF  }
0x460: {  	s0 =	sadd.s32 $0x1, s0;
	s13 =	smov.u32 s1;
	s1 =	sadd.s32 $0x1, s1  }
0x461: {  	p2 =	sne.s32 s3, s1;
	v1 =	vld.msk @!p1 [tilespmem:s0+$0x0], $0x1;
	_ =	sdelay $0x4  }
0x462: {  	(v2sf) =	vpush @!p1 v1, $0x0;
	_ =	sdelay $0xe  }
.Ltmp29:
0x463: {  	s5 =	spop @!p1 (v2sf);
	(pc) =	sbr.rel @p2 .LBB2_33-.Ltmp29, $4  }
0x464: {  	p3 =	seq.s32 @!p1 s12, s5  }
0x465: {  	p3 =	por !p3, p1  }
0x466: {  	s13 =	simm.s32 @p3 $0xFFFFFFFF  }
0x467: {  	s13 =	smov.u32 @p1 s2  }
.LBB2_34:
0x468: {  	p1 =	seq.s32 s13, $0xFFFFFFFF  }
.Ltmp30:
0x469: {  	_ = 	snop;
	(pc) =	sbr.rel @p1 .LBB2_36-.Ltmp30, $1  }
0x46a: {  	_ =	sdelay $0x3  }
0x46b: {  	s0 =	sshll.u32 s11, $0x5  }
0x46c: {  	s0 =	sand.u32 $0x3FFFFFE0, s0  }
0x46d: {  	v0 =	vld [tilespmem:s0+$0x60B8];
	_ =	sdelay $0x2  }
0x46e: {  	s1 =	sshll.u32 s13, $0x7  }
0x46f: {  	s1 =	sshra.s32 s1, $0x2  }
0x470: {  	[tilespmem:s1+$0x60B8] =	vst.add.f32.msk $0xffff, v0  }
0x471: {  	v0 =	vld [tilespmem:s0+$0x60C8]  }
.Ltmp31:
0x472: {  	_ = 	snop;
	(pc) =	sbr.rel .LBB2_37-.Ltmp31, $2  }
0x473: {  	_ =	sdelay $0x2  }
0x474: {  	[tilespmem:s1+$0x60C8] =	vst.add.f32.msk $0xffff, v0  }
.LBB2_38:
0x475: {  	s0 =	simm.s32 $0x6;
	p1 =	seq.s32 s3, $0x0  }
0x476: {  	[sflag:s0] =	ssyncpa.u1 $0x1;
	v0 =	vimm.s32 @p1 $0xFFFFFFFF  }
0x477: {  	s9 =	sadd.s32 $0xFFFFFFFF, s3;
	[tilespmem:$0x64B8] =	vst @p1 v0  }
0x478: {  	v0 =	vld.msk @!p1 [tilespmem:s9+$0x6098], $0x1;
	_ =	sdelay $0x1  }
0x479: {  	v1 =	vld.msk @!p1 [tilespmem:$0x6098], $0x1;
	_ =	sdelay $0x2  }
0x47a: {  	p2 =	seq.s32 @!p1 s9, $0x0;
	v0 =	vbroadcast @!p1 v0, $0x0  }
0x47b: {  	vm0 =	vmmov @!p1 $0x1;
	p2 =	por !p2, p1  }
0x47c: {  	v1 =	vnsel @!p1 vm0, $0xFFFFFFFF, v1;
	vm0 =	vcmask @!p1 $0x308;
	v0 =	vpsel !p2, $0xFFFFFFFF, v0  }
0x47d: {  	p2 =	sne.s32 @!p1 s8, s7;
	v0 =	vsel @!p1 vm0, v1, v0  }
0x47e: {  	s0 =	simm.s32 @!p1 $0x60B8;
	s1 =	simm.s32 @!p1 $0x0;
	p3 =	por !p2, p1;
	[tilespmem:$0x64B8] =	vst @!p1 v0  }
0x47f: {  	[spmem:s1] =	stream.linear.scatter @!p1 [tilespmem:s0], [sflag:$0x1], $0x20, $0x38;
	[tilespmem:$0x1EC48] =	vst v63  }
0x480: {  	s0 =	sshll.u32 @!p3 s9, $0x7  }
0x481: {  	s0 =	sshra.s32 @!p3 s0, $0x2  }
0x482: {  	s1 =	simm.s32 @!p3 $0x20;
	s0 =	sadd.s32 @!p3 $0x60B8, s0  }
0x483: {  	[spmem:s1] =	stream.linear.scatter @!p3 [tilespmem:s0], [sflag:$0x1], $0x20, $0x38;
	[tilespmem:$0x1EC48] =	vst v63  }
0x484: {  	s0 =	simm.s32 @!p3 $0x1  }
0x485: {  	_ =	swait.ge @!p3 [sflag:s0], $0x40  }
0x486: {  	p1 =	por p2, p1;
	[sflag:s0] =	ssyncset.done @!p3 $0x0  }
0x487: {  	[sflag:s0] =	ssyncadd.s32 @!p3 $0xFFFFFFC0;
	s0 =	simm.s32 @!p1 $0x1  }
0x488: {  	_ =	swait.ge @!p1 [sflag:s0], $0x20  }
0x489: {  	s29 =	simm.s32 $0x64B8;
	[sflag:s0] =	ssyncset.done @!p1 $0x0  }
0x48a: {  	s30 =	simm.s32 $0x400;
	s31 =	simm.s32 $0x1;
	[sflag:s0] =	ssyncadd.s32 @!p1 $0xFFFFFFE0  }
0x48b: {  	[spmem:s30] =	stream.linear.scatter [tilespmem:s29], [sflag:$0x1], $0x10, $0x38;
	[tilespmem:$0x1EC48] =	vst v63  }
0x48c: {  	_ =	swait.ge [sflag:s31], $0x10  }
0x48d: {  	[sflag:s31] =	ssyncset.done $0x0  }
0x48e: {  	p1 =	seq.s32 s15, $0x0;
	s8 =	rddreg [dreg:$0x1];
	[sflag:s31] =	ssyncadd.s32 $0xFFFFFFF0  }
0x48f: {  	s1 =	sshll.u32 @p1 s8, $0xE;
	s7 =	rddreg [dreg:$0x2]  }
0x490: {  	s0 =	sadd.s32 @p1 $0x15C3C, s1;
	s1 =	sshll.u32 @p1 s7, $0x11  }
0x491: {  	_ =	sfence.stream.spmem;
	s0 =	sor.u32 @p1 s1, s0  }
0x492: {  	[sflag:s0] =	ssyncadd.remote.s32 @p1 $0x1;
	s0 =	simm.s32 @p1 $0x4  }
0x493: {  	s2 =	simm.s32 @!p1 $0x3C;
	s1 =	sand.u32 $0xFFFFFFFE, s8;
	_ =	swait.ge @p1 [sflag:s0], $0xA  }
0x494: {  	s5 =	simm.s32 @!p1 $0x0;
	s1 =	sadd.s32 @!p1 $0x4, s1;
	[sflag:s0] =	ssyncset.done @p1 $0x0  }
0x495: {  	s6 =	simm.s32 @!p1 $0x40;
	[sflag:s0] =	ssyncadd.s32 @p1 $0xFFFFFFF6;
	s0 =	sshll.u32 @!p1 s1, $0x1A  }
0x496: {  	s1 =	sshll.u32 @!p1 s1, $0xD;
	s0 =	sor.u32 @!p1 s0, s7;
	_ =	swait.eq @!p1 [sflag:s2], $0x1  }
0x497: {  	s1 =	sor.u32 @!p1 $0x1C04, s1;
	s2 =	simm.s32 @!p1 $0x1C03;
	s0 =	sor.u32 @!p1 $0x80004000, s0  }
0x498: {  	[spmem:s6], [sflag:s1] =	dma.general @!p1 [spmem:s5], [sflag:s2], length:$0x8, [dreg:$0x0], stride_count:$0x0, ici_dest:s0, dma_misc:DstOpCode:WRITE  }
0x499: {  	p2 =	slt.s32 s9, $0x2;
	s5 =	simm.s32 @!p1 $0x80;
	s6 =	simm.s32 @!p1 $0x82  }
0x49a: {  	[spmem:s6], [sflag:s1] =	dma.general @!p1 [spmem:s5], [sflag:s2], length:$0x2, [dreg:$0x0], stride_count:$0x0, ici_dest:s0, dma_misc:DstOpCode:WRITE  }
.Ltmp32:
0x49b: {  	s0 =	simm.s32 @!p1 $0x3;
	(pc) =	sbr.rel @p2 .LBB2_42-.Ltmp32, $4  }
0x49c: {  	s1 =	sshll.u32 @!p1 s8, $0xE;
	_ =	swait.ge @!p1 [sflag:s0], $0xA  }
0x49d: {  	s2 =	sshll.u32 @!p1 s7, $0x11;
	s1 =	sadd.s32 @!p1 $0x11C3C, s1;
	[sflag:s0] =	ssyncset.done @!p1 $0x0  }
0x49e: {  	[sflag:s0] =	ssyncadd.s32 @!p1 $0xFFFFFFF6;
	s0 =	sor.u32 @!p1 s2, s1  }
0x49f: {  	[sflag:s0] =	ssyncadd.remote.s32 @!p1 $0xFFFFFFFF;
	s0 =	simm.s32 $0x0  }
0x4a0: {  	s0 =	simm.s32 $0x6099  }
0x4a1: {  	v0 =	vld.msk [tilespmem:s0+$0x0], $0x1;
	_ =	sdelay $0x4  }
0x4a2: {  	(v2sf) =	vpush v0, $0x0;
	_ =	sdelay $0xc  }
0x4a3: {  	s1 =	sadd.s32 $0xFFFFFFFE, s3  }
0x4a4: {  	s1 =	sadd.s32 $0xFFFFFFFF, s1  }
0x4a5: {  	p2 =	sne.s32 s1, $0x0;
	s2 =	spop (v2sf)  }
.Ltmp33:
0x4a6: {  	p1 =	sgt.u32 s2, $0x2427C;
	(pc) =	sbr.rel @!p2 .LBB2_41-.Ltmp33, $4  }
0x4a7: {  	s6 =	simm.s32 $0x0;
	s3 =	sand.u32 @!p1 $0x3FFF8, s2  }
0x4a8: {  	s0 =	simm.s32 $0x60D8;
	s2 =	sand.u32 @!p1 $0x7, s2;
	s3 =	sadd.s32 @!p1 s4, s3  }
0x4a9: {  	[hbm4b:s3+s2] =	stream.linear.scatter @!p1 [tilespmem:s0], [sflag:$0x5], $0x20, $0x38;
	[tilespmem:$0x1EC48] =	vst v63  }
0x4aa: {  	s6 =	simm.s32 @!p1 $0x80;
	s2 =	simm.s32 $0x0;
	s3 =	simm.s32 $0x609A  }
.LBB2_40:
0x4ab: {  	v0 =	vld.msk [tilespmem:s3+$0x0], $0x1;
	s1 =	sadd.s32 $0xFFFFFFFF, s1;
	s2 =	sadd.s32 s2, s6  }
0x4ac: {  	p1 =	sne.s32 s1, $0x0;
	_ =	sdelay $0x3  }
0x4ad: {  	(v2sf) =	vpush v0, $0x0;
	_ =	sdelay $0xe  }
.Ltmp34:
0x4ae: {  	s5 =	spop (v2sf);
	(pc) =	sbr.rel @p1 .LBB2_40-.Ltmp34, $4  }
0x4af: {  	s6 =	simm.s32 $0x0;
	p2 =	sgt.u32 s5, $0x2427C  }
0x4b0: {  	s0 =	sadd.s32 $0x20, s0;
	s6 =	simm.s32 @!p2 $0x80;
	s7 =	sand.u32 @!p2 $0x3FFF8, s5  }
0x4b1: {  	s3 =	sadd.s32 $0x1, s3;
	s5 =	sand.u32 @!p2 $0x7, s5;
	s7 =	sadd.s32 @!p2 s4, s7  }
0x4b2: {  	[hbm4b:s7+s5] =	stream.linear.scatter @!p2 [tilespmem:s0], [sflag:$0x5], $0x20, $0x38;
	[tilespmem:$0x1EC48] =	vst v63  }
.LBB2_41:
0x4b3: {  	s0 =	sadd.s32 s2, s6  }
0x4b4: {  	s0 =	sshrl.u32 s0, $0x2  }
.LBB2_42:
0x4b5: {  	s1 =	simm.s32 $0x5  }
0x4b6: {  	_ =	swait.ge [sflag:s1], s0  }
0x4b7: {  	s31 =	ssub.s32 $0x0, s0;
	[sflag:s1] =	ssyncset.done $0x0  }
0x4b8: {  	[sflag:s1] =	ssyncadd.s32 s31  }
0x4b9: {  	[sflag:s1] =	ssyncpa.u1 $0x1  }
.LBB2_43:
0x4ba: {  	s0 =	sor.u32 s15, s14  }
0x4bb: {  	p1 =	sne.s32 s0, $0x0  }
.Ltmp35:
0x4bc: {  	_ = 	snop;
	(pc) =	sbr.rel @p1 .LBB2_58-.Ltmp35, $3  }
0x4bd: {  	_ =	sdelay $0x1  }
0x4be: {  	[bflag:$0x0] =	sbarrier.arrive $0xFFFF  }
0x4bf: {  	_ =	sfence  }
0x4c0: {  	s0 =	simm.s32 $0x7  }
0x4c1: {  	s1 =	simm.s32 $0x400;
	s2 =	simm.s32 $0x6098;
	[sflag:s0] =	ssyncpa.u1 $0x0  }
0x4c2: {  	[tilespmem:s2], [sflag:$0x7] =	stream.linear.gather [spmem:s1], $0x20, $0x38;
	[tilespmem:$0x1EC48] =	vst v63  }
0x4c3: {  	s30 =	simm.s32 $0x60B8;
	s1 =	simm.s32 $0x0  }
0x4c4: {  	[tilespmem:s30], [sflag:$0x7] =	stream.linear.gather [spmem:s1], $0x400, $0x38;
	[tilespmem:$0x1EC48] =	vst v63  }
.Ltmp36:
0x4c5: {  	_ = 	snop;
	(pc) =	sbr.rel .LBB2_45-.Ltmp36, $4  }
0x4c6: {  	_ =	swait.ge [sflag:s0], $0x420  }
0x4c7: {  	[sflag:s0] =	ssyncset.done $0x0  }
0x4c8: {  	s31 =	simm.s32 $0x8;
	[sflag:s0] =	ssyncadd.s32 $0xFFFFFBE0  }
0x4c9: {  	s2 =	simm.s32 $0x0;
	[sflag:s31] =	ssyncpa.u1 $0x0  }
.LBB2_51:
0x4ca: {  	p1 =	slt.u32 s3, $0x2427D  }
0x4cb: {  	s0 =	sand.u32 @p1 $0x3FFF8, s3  }
0x4cc: {  	s3 =	sand.u32 @p1 $0x7, s3;
	s5 =	simm.s32 @p1 $0x6068;
	s0 =	sadd.s32 @p1 s4, s0  }
0x4cd: {  	[tilespmem:s5], [sflag:$0x8] =	stream.linear.gather @p1 [hbm4b:s0+s3], $0x20, $0x38;
	[tilespmem:$0x1EC48] =	vst v63  }
0x4ce: {  	s0 =	simm.s32 @p1 $0x8  }
0x4cf: {  	_ =	swait.ge @p1 [sflag:s0], $0x20  }
0x4d0: {  	[sflag:s0] =	ssyncset.done @p1 $0x0  }
0x4d1: {  	[sflag:s0] =	ssyncadd.s32 @p1 $0xFFFFFFE0  }
0x4d2: {  	v1 =	vld @p1 [tilespmem:$0x6068];
	_ =	sdelay $0x2  }
0x4d3: {  	s0 =	sshll.u32 @p1 s2, $0x7  }
0x4d4: {  	s3 =	sshrl.u32 @p1 s0, $0x2  }
0x4d5: {  	[tilespmem:s3+$0x60B8] =	vst.add.f32.msk @p1 $0xffff, v1  }
0x4d6: {  	v1 =	vld @p1 [tilespmem:$0x6078];
	_ =	sdelay $0x3  }
0x4d7: {  	s5 =	sshll.u32 @!p1 s2, $0x7  }
0x4d8: {  	s5 =	smov.u32 @p1 s0;
	[tilespmem:s3+$0x60C8] =	vst.add.f32.msk @p1 $0xffff, v1  }
0x4d9: {  	s0 =	sshrl.u32 s5, $0x2;
	[tilespmem:s1+$0x6098] =	vst.msk $0x1, v0  }
0x4da: {  	v0 =	vld [tilespmem:s0+$0x60B8];
	_ =	sdelay $0x2  }
0x4db: {  	s31 =	sshll.u32 s1, $0x7  }
0x4dc: {  	s3 =	sshra.s32 s31, $0x2  }
0x4dd: {  	[tilespmem:s3+$0x60B8] =	vst v0  }
0x4de: {  	v0 =	vld [tilespmem:s0+$0x60C8];
	_ =	sdelay $0x4  }
0x4df: {  	s1 =	sadd.s32 $0x1, s1;
	[tilespmem:s3+$0x60C8] =	vst v0  }
.LBB2_52:
0x4e0: {  	s2 =	sadd.s32 $0x1, s2  }
0x4e1: {  	p1 =	sne.s32 s2, $0x20  }
.Ltmp37:
0x4e2: {  	_ = 	snop;
	(pc) =	sbr.rel @!p1 .LBB2_53-.Ltmp37, $1  }
0x4e3: {  	_ =	sdelay $0x3  }
.LBB2_45:
0x4e4: {  	v0 =	vld.msk [tilespmem:s2+$0x6098], $0x1;
	_ =	sdelay $0x4  }
0x4e5: {  	(v2sf) =	vpush v0, $0x0;
	_ =	sdelay $0xe  }
0x4e6: {  	s3 =	spop (v2sf)  }
0x4e7: {  	p1 =	seq.s32 s3, $0xFFFFFFFF  }
.Ltmp38:
0x4e8: {  	_ = 	snop;
	(pc) =	sbr.rel @p1 .LBB2_52-.Ltmp38, $1  }
0x4e9: {  	_ =	sdelay $0x3  }
0x4ea: {  	p1 =	slt.s32 s1, $0x1  }
.Ltmp39:
0x4eb: {  	_ = 	snop;
	(pc) =	sbr.rel @p1 .LBB2_51-.Ltmp39, $1  }
0x4ec: {  	_ =	sdelay $0x3  }
0x4ed: {  	s0 =	simm.s32 $0x6098;
	p1 =	por $0x0, $0x0  }
0x4ee: {  	v1 =	vld.msk @!p1 [tilespmem:s0+$0x0], $0x1;
	_ =	sdelay $0x4  }
0x4ef: {  	(v2sf) =	vpush @!p1 v1, $0x0;
	_ =	sdelay $0xd  }
0x4f0: {  	p3 =	sne.s32 s1, $0x1  }
.Ltmp40:
0x4f1: {  	s5 =	spop @!p1 (v2sf);
	(pc) =	sbr.rel @!p3 .LBB2_49-.Ltmp40, $4  }
0x4f2: {  	p2 =	seq.s32 @!p1 s3, s5  }
0x4f3: {  	s5 =	simm.s32 $0x0;
	p2 =	por !p2, p1  }
0x4f4: {  	s7 =	simm.s32 $0xFFFFFFFF;
	s5 =	simm.s32 @p2 $0xFFFFFFFF  }
0x4f5: {  	s6 =	simm.s32 $0x1;
	s5 =	smov.u32 @p1 s7  }
.LBB2_48:
0x4f6: {  	s7 =	smov.u32 s5;
	p1 =	sne.s32 s5, $0xFFFFFFFF  }
0x4f7: {  	s0 =	sadd.s32 $0x1, s0;
	s5 =	smov.u32 s6;
	s6 =	sadd.s32 $0x1, s6  }
0x4f8: {  	p2 =	sne.s32 s1, s6;
	v1 =	vld.msk @!p1 [tilespmem:s0+$0x0], $0x1;
	_ =	sdelay $0x4  }
0x4f9: {  	(v2sf) =	vpush @!p1 v1, $0x0;
	_ =	sdelay $0xe  }
.Ltmp41:
0x4fa: {  	s8 =	spop @!p1 (v2sf);
	(pc) =	sbr.rel @p2 .LBB2_48-.Ltmp41, $4  }
0x4fb: {  	p3 =	seq.s32 @!p1 s3, s8  }
0x4fc: {  	p3 =	por !p3, p1  }
0x4fd: {  	s5 =	simm.s32 @p3 $0xFFFFFFFF  }
0x4fe: {  	s5 =	smov.u32 @p1 s7  }
.LBB2_49:
0x4ff: {  	p1 =	seq.s32 s5, $0xFFFFFFFF  }
.Ltmp42:
0x500: {  	_ = 	snop;
	(pc) =	sbr.rel @p1 .LBB2_51-.Ltmp42, $1  }
0x501: {  	_ =	sdelay $0x3  }
0x502: {  	s0 =	sshll.u32 s2, $0x5  }
0x503: {  	s0 =	sand.u32 $0x3FFFFFE0, s0  }
0x504: {  	v0 =	vld [tilespmem:s0+$0x60B8];
	_ =	sdelay $0x2  }
0x505: {  	s3 =	sshll.u32 s5, $0x7  }
0x506: {  	s3 =	sshra.s32 s3, $0x2  }
0x507: {  	[tilespmem:s3+$0x60B8] =	vst.add.f32.msk $0xffff, v0  }
0x508: {  	v0 =	vld [tilespmem:s0+$0x60C8]  }
.Ltmp43:
0x509: {  	_ = 	snop;
	(pc) =	sbr.rel .LBB2_52-.Ltmp43, $2  }
0x50a: {  	_ =	sdelay $0x2  }
0x50b: {  	[tilespmem:s3+$0x60C8] =	vst.add.f32.msk $0xffff, v0  }
.LBB2_53:
0x50c: {  	p1 =	slt.s32 s1, $0x1  }
.Ltmp44:
0x50d: {  	_ = 	snop;
	(pc) =	sbr.rel @p1 .LBB2_57-.Ltmp44, $3  }
0x50e: {  	_ =	sdelay $0x1  }
0x50f: {  	s0 =	simm.s32 $0x8  }
0x510: {  	s2 =	simm.s32 $0x0;
	[sflag:s0] =	ssyncpa.u1 $0x1  }
0x511: {  	s0 =	simm.s32 $0x6098  }
0x512: {  	v0 =	vld.msk [tilespmem:s0+$0x0], $0x1;
	_ =	sdelay $0x4  }
0x513: {  	(v2sf) =	vpush v0, $0x0;
	_ =	sdelay $0xe  }
0x514: {  	s1 =	sadd.s32 $0xFFFFFFFF, s1;
	s3 =	spop (v2sf)  }
0x515: {  	p2 =	sne.s32 s1, $0x0;
	p1 =	sgt.u32 s3, $0x2427C  }
.Ltmp45:
0x516: {  	s5 =	sand.u32 @!p1 $0x3FFF8, s3;
	(pc) =	sbr.rel @!p2 .LBB2_56-.Ltmp45, $4  }
0x517: {  	s0 =	simm.s32 $0x60B8;
	s3 =	sand.u32 @!p1 $0x7, s3;
	s5 =	sadd.s32 @!p1 s4, s5  }
0x518: {  	[hbm4b:s5+s3] =	stream.linear.scatter @!p1 [tilespmem:s0], [sflag:$0x7], $0x20, $0x38;
	[tilespmem:$0x1EC48] =	vst v63  }
0x519: {  	s5 =	simm.s32 $0x0  }
0x51a: {  	s3 =	simm.s32 $0x6099;
	s5 =	simm.s32 @!p1 $0x80  }
.LBB2_55:
0x51b: {  	v0 =	vld.msk [tilespmem:s3+$0x0], $0x1;
	s1 =	sadd.s32 $0xFFFFFFFF, s1;
	s2 =	sadd.s32 s2, s5  }
0x51c: {  	p1 =	sne.s32 s1, $0x0;
	_ =	sdelay $0x3  }
0x51d: {  	(v2sf) =	vpush v0, $0x0;
	_ =	sdelay $0xe  }
.Ltmp46:
0x51e: {  	s6 =	spop (v2sf);
	(pc) =	sbr.rel @p1 .LBB2_55-.Ltmp46, $4  }
0x51f: {  	s5 =	simm.s32 $0x0;
	p2 =	sgt.u32 s6, $0x2427C  }
0x520: {  	s0 =	sadd.s32 $0x20, s0;
	s5 =	simm.s32 @!p2 $0x80;
	s7 =	sand.u32 @!p2 $0x3FFF8, s6  }
0x521: {  	s3 =	sadd.s32 $0x1, s3;
	s6 =	sand.u32 @!p2 $0x7, s6;
	s7 =	sadd.s32 @!p2 s4, s7  }
0x522: {  	[hbm4b:s7+s6] =	stream.linear.scatter @!p2 [tilespmem:s0], [sflag:$0x7], $0x20, $0x38;
	[tilespmem:$0x1EC48] =	vst v63  }
.LBB2_56:
0x523: {  	s0 =	sadd.s32 s2, s5  }
0x524: {  	s2 =	sshrl.u32 s0, $0x2  }
.LBB2_57:
0x525: {  	s0 =	simm.s32 $0x7  }
0x526: {  	_ =	swait.ge [sflag:s0], s2  }
0x527: {  	s1 =	ssub.s32 $0x0, s2;
	[sflag:s0] =	ssyncset.done $0x0  }
0x528: {  	[sflag:s0] =	ssyncadd.s32 s1  }
0x529: {  	[sflag:s0] =	ssyncpa.u1 $0x1  }
.LBB2_58:
0x52a: {  	_ =	sfence;
	s0 =	simm.s32 $0x1  }
0x52b: {  	[sflag:s0] =	ssyncpa.u1 $0x1  }
0x52c: {  	_ =	strace $0x9000004D  }
0x52d: {  	[bflag:$0x2] =	sbarrier.arrive $0xFFFF  }
0x52e: {  	s0 =	rddreg [dreg:$0x3]  }
0x52f: {  	s0 =	sadd.s32 @!p0 $0x100000, s0  }
0x530: {  	[sflag:s0] =	ssyncadd.tile.s32 @!p0 $0x1;
	_ =	shalt  }
.Lfunc_end2:
_tile_overlayer_lowered:
.L_overlay_start_2:
0x531: {  	(tag) =	ssettag $0x2  }
0x532: {  	s0 =	rddreg [dreg:$0x0];
	s2 =	stileid.u32  }
0x533: {  	s1 =	rddreg [dreg:$0x1];
	p0 =	sne.s32 s2, $0x0  }
0x534: {  	s3 =	rddreg [dreg:$0x2];
	[bflag:$0x3] =	sbarrier.arrive $0xFFFF;
	s2 =	simm.s32 @!p0 $0x1C01  }
0x535: {  	[timem:s3], [sflag:s2] =	dma.local @!p0 [hbm:s0], s1  }
0x536: {  	s0 =	simm.s32 @!p0 $0x1  }
0x537: {  	_ =	swait.ge @!p0 [sflag:s0], s1  }
0x538: {  	s1 =	ssub.s32 @!p0 $0x0, s1;
	[sflag:s0] =	ssyncset.done @!p0 $0x0  }
0x539: {  	[sflag:s0] =	ssyncadd.s32 @!p0 s1  }
0x53a: {  	[bflag:$0x3] =	sbarrier.arrive $0xFFFF  }
0x53b: {  	_ =	shalt  }

// kernel: scatter_offload_async_start
scs
__scs_entry_jumppad:
0x0: {  	(pc) =	sbr.rel $0x88, $3  }
0x1: {  	(tag) =	ssettag $0x0;
	lr =	simm.s32 $0x1  }
0x2: {  	[smem:$0x3F4C] =	sst lr;
	_ =	strace $0xD0000000  }
0x3: {  	_ = 	snop  }
0x4: {  	_ = 	snop  }
0x5: {  	_ = 	snop  }
0x6: {  	_ = 	snop  }
0x7: {  	_ = 	snop  }
__scs_overlays_trampoline_lowered:
0x8: {  	[smem:$0x3F5B] =	sst s0  }
0x9: {  	[smem:$0x3F5C] =	sst s1  }
0xa: {  	[smem:$0x3F5D] =	sst s2  }
0xb: {  	[smem:$0x3F5E] =	sst s3  }
0xc: {  	[smem:$0x3F5F] =	sst s4  }
0xd: {  	[smem:$0x3F60] =	sst s5  }
0xe: {  	[smem:$0x3F61] =	sst s6  }
0xf: {  	[smem:$0x3F62] =	sst s7  }
0x10: {  	[smem:$0x3F63] =	sst s8  }
0x11: {  	[smem:$0x3F64] =	sst s9;
	s0 =	simm.s32 @!p0 $0x0  }
0x12: {  	s1 =	sld [smem:$0x3F4A];
	s0 =	simm.s32 @p0 $0x1  }
0x13: {  	[smem:$0x3F65] =	sst s0;
	s0 =	simm.s32 @!p1 $0x0  }
0x14: {  	s2 =	sld [smem:$0x3F49];
	s0 =	simm.s32 @p1 $0x1  }
0x15: {  	[smem:$0x3F66] =	sst s0;
	s0 =	simm.s32 @!p2 $0x0  }
0x16: {  	s3 =	sld [smem:$0x3FDB];
	s0 =	simm.s32 @p2 $0x1  }
0x17: {  	s4 =	simm.s32 $0x1BF5;
	[smem:$0x3F68] =	sst s0  }
0x18: {  	s0 =	sld [smem:$0x3F4B];
	_ =	swait.ge [sflag:s4], $0x0  }
0x19: {  	s7 =	sld [smem:$0x3F4C]  }
0x1a: {  	s8 =	sadd.s32 $0xFFFFE003, lr  }
0x1b: {  	s9 =	sadd.s32 $0xFFFFFEF7, lr;
	s5 =	simm.s32 $0xFFFFFFFF;
	p2 =	slt.u32 s8, $0xFFFFF086  }
0x1c: {  	p1 =	slt.u32 s9, $0xF7A;
	s5 =	simm.s32 @!p2 $0x0  }
0x1d: {  	s5 =	simm.s32 @p1 $0x1;
	p0 =	seq.s32 s7, s2  }
0x1e: {  	s7 =	smul.u32 @!p0 $0xF7A, s2;
	p2 =	seq.s32 @!p0 s5, $0x0  }
0x1f: {  	s9 =	smul.u32 $0xF7A, s1;
	s8 =	simm.s32 @!p0 $0x1BF5;
	p2 =	por !p2, p0  }
0x20: {  	[sflag:s8] =	ssyncset.s32 @!p0 $0xFFFFF086;
	s6 =	sadd.s32 @!p0 s3, s7;
	s7 =	simm.s32 @!p0 $0x108  }
0x21: {  	s3 =	sadd.s32 s3, s9;
	s6 =	sadd.s32 @!p0 $0x88, s6;
	s7 =	simm.s32 @p2 $0x1082  }
0x22: {  	[simem:s7], [sflag:s8] =	dma.local @!p0 [hbm:s6], $0xF7A  }
0x23: {  	s9 =	sor.u32 $0xD0000000, s2;
	s6 =	simm.s32 $0x108;
	_ =	swait.ge @!p0 [sflag:s8], $0x0  }
0x24: {  	s3 =	sadd.s32 $0x88, s3;
	s6 =	simm.s32 @!p1 $0x1082;
	[sflag:s4] =	ssyncset.s32 $0xFFFFF086  }
0x25: {  	[simem:s6], [sflag:s4] =	dma.local [hbm:s3], $0xF7A  }
0x26: {  	[smem:$0x3F4C] =	sst s1;
	(tag) =	ssettag s2;
	_ =	strace s9  }
0x27: {  	s1 =	sld [smem:$0x3F5C]  }
0x28: {  	s2 =	sld [smem:$0x3F5D]  }
0x29: {  	s4 =	sld [smem:$0x3F5F]  }
0x2a: {  	p0 =	seq.s32 s5, $0x0;
	s5 =	sld [smem:$0x3F60]  }
0x2b: {  	s6 =	sld [smem:$0x3F61]  }
0x2c: {  	s7 =	sld [smem:$0x3F62]  }
0x2d: {  	s3 =	simm.s32 $0x108;
	s8 =	sld [smem:$0x3F63]  }
0x2e: {  	s3 =	simm.s32 @!p0 $0x1082;
	s9 =	sld [smem:$0x3F64]  }
0x2f: {  	lr =	sadd.s32 s0, s3;
	s0 =	sld [smem:$0x3F5B]  }
0x30: {  	s3 =	sld [smem:$0x3F5E]  }
0x31: {  	[smem:$0x3F67] =	sst s10  }
0x32: {  	s10 =	sld [smem:$0x3F65];
	_ =	sdelay $0x3  }
0x33: {  	p0 =	seq.s32 s10, $0x1;
	s10 =	sld [smem:$0x3F67];
	_ =	sdelay $0x3  }
0x34: {  	[smem:$0x3F67] =	sst s10  }
0x35: {  	s10 =	sld [smem:$0x3F66];
	_ =	sdelay $0x3  }
0x36: {  	p1 =	seq.s32 s10, $0x1;
	s10 =	sld [smem:$0x3F67];
	_ =	sdelay $0x3  }
0x37: {  	[smem:$0x3F67] =	sst s10  }
0x38: {  	s10 =	sld [smem:$0x3F68]  }
0x39: {  	_ = 	snop;
	(pc) =	sbr.ind lr, $3  }
0x3a: {  	_ = 	snop  }
0x3b: {  	_ = 	snop  }
0x3c: {  	p2 =	seq.s32 s10, $0x1;
	s10 =	sld [smem:$0x3F67]  }
0x3d: {  	_ =	shalt  }
0x3e: {  	_ =	shalt  }
0x3f: {  	_ =	shalt  }
0x40: {  	_ =	shalt  }
0x41: {  	_ =	shalt  }
0x42: {  	_ =	shalt  }
0x43: {  	_ =	shalt  }
0x44: {  	_ =	shalt  }
0x45: {  	_ =	shalt  }
0x46: {  	_ =	shalt  }
0x47: {  	_ =	shalt  }
0x48: {  	_ =	shalt  }
0x49: {  	_ =	shalt  }
0x4a: {  	_ =	shalt  }
0x4b: {  	_ =	shalt  }
0x4c: {  	_ =	shalt  }
0x4d: {  	_ =	shalt  }
0x4e: {  	_ =	shalt  }
0x4f: {  	_ =	shalt  }
0x50: {  	_ =	shalt  }
0x51: {  	_ =	shalt  }
0x52: {  	_ =	shalt  }
0x53: {  	_ =	shalt  }
0x54: {  	_ =	shalt  }
0x55: {  	_ =	shalt  }
0x56: {  	_ =	shalt  }
0x57: {  	_ =	shalt  }
0x58: {  	_ =	shalt  }
0x59: {  	_ =	shalt  }
0x5a: {  	_ =	shalt  }
0x5b: {  	_ =	shalt  }
0x5c: {  	_ =	shalt  }
0x5d: {  	_ =	shalt  }
0x5e: {  	_ =	shalt  }
0x5f: {  	_ =	shalt  }
0x60: {  	_ =	shalt  }
0x61: {  	_ =	shalt  }
0x62: {  	_ =	shalt  }
0x63: {  	_ =	shalt  }
0x64: {  	_ =	shalt  }
0x65: {  	_ =	shalt  }
0x66: {  	_ =	shalt  }
0x67: {  	_ =	shalt  }
0x68: {  	_ =	shalt  }
0x69: {  	_ =	shalt  }
0x6a: {  	_ =	shalt  }
0x6b: {  	_ =	shalt  }
0x6c: {  	_ =	shalt  }
0x6d: {  	_ =	shalt  }
0x6e: {  	_ =	shalt  }
0x6f: {  	_ =	shalt  }
0x70: {  	_ =	shalt  }
0x71: {  	_ =	shalt  }
0x72: {  	_ =	shalt  }
0x73: {  	_ =	shalt  }
0x74: {  	_ =	shalt  }
0x75: {  	_ =	shalt  }
0x76: {  	_ =	shalt  }
0x77: {  	_ =	shalt  }
0x78: {  	_ =	shalt  }
0x79: {  	_ =	shalt  }
0x7a: {  	_ =	shalt  }
0x7b: {  	_ =	shalt  }
0x7c: {  	_ =	shalt  }
0x7d: {  	_ =	shalt  }
0x7e: {  	_ =	shalt  }
0x7f: {  	_ =	shalt  }
0x80: {  	_ =	shalt  }
0x81: {  	_ =	shalt  }
0x82: {  	_ =	shalt  }
0x83: {  	_ =	shalt  }
0x84: {  	_ =	shalt  }
0x85: {  	_ =	shalt  }
0x86: {  	_ =	shalt  }
0x87: {  	_ =	shalt  }
.Lfunc_end0:
.L_simem_size_0:
called_computation_lowered:
.L_overlay_start_0:
0x88: {  	s2 =	sld [smem:$0x3FD9]  }
0x89: {  	s3 =	sld [smem:$0x3FFE];
	_ =	sdelay $0x1  }
0x8a: {  	s1 =	srdreg.scid  }
0x8b: {  	s0 =	sand.u32 $0x1, s1  }
0x8c: {  	s13 =	sshll.u32 s0, $0xA;
	s2 =	sadd.s32 s3, s2  }
0x8d: {  	s2 =	sadd.s32 s2, s13  }
0x8e: {  	[smem:$0x3F73] =	sst s2  }
0x8f: {  	_ = 	snop  }
0x90: {  	s2 =	sld [smem:$0x3FD0];
	_ =	sdelay $0x2  }
0x91: {  	s14 =	simm.s32 $0xA;
	s4 =	simm.s32 $0x10  }
0x92: {  	[smem:s4], [sflag:s14] =	dma.local [hbm:s2], $0x1  }
0x93: {  	_ =	swait.eq [sflag:s14], $0x1  }
0x94: {  	[sflag:s14] =	ssyncset.done $0x0  }
0x95: {  	[sflag:s14] =	ssyncadd.s32 $0xFFFFFFFF  }
0x96: {  	s15 =	sld [smem:$0x10];
	(tm) =	ssettm $0x1  }
0x97: {  	s16 =	sld [smem:$0x3FFB];
	_ =	sdelay $0x3  }
0x98: {  	_ =	strace s16  }
0x99: {  	s3 =	sld [smem:$0x3FFC];
	_ =	sdelay $0x3  }
0x9a: {  	_ =	strace s3  }
0x9b: {  	s3 =	sld [smem:$0x3FFD];
	_ =	sdelay $0x3  }
0x9c: {  	_ =	strace s3  }
0x9d: {  	_ =	strace $0x8FFFFFFF  }
0x9e: {  	s17 =	sld [smem:$0x3FDB];
	_ =	sdelay $0x1  }
0x9f: {  	s18 =	simm.s32 $_scs_section_size  }
0xa0: {  	s5 =	simm.s32 $_size__tile_overlayer_lowered;
	s6 =	simm.s32 $_tile_overlayer_lowered  }
0xa1: {  	s21 =	simm.s32 $0x1BFF;
	s20 =	sshll.u32 s6, $0x1;
	s3 =	sadd.s32 s18, s17  }
0xa2: {  	s7 =	simm.s32 $0x0;
	s19 =	sshll.u32 s5, $0x1;
	s5 =	sadd.s32 s20, s3  }
0xa3: {  	[timem:s7], [sflag:s21] =	dma.local [hbm:s5], s19  }
0xa4: {  	_ =	swait.ge [sflag:s21], s19  }
0xa5: {  	s4 =	ssub.s32 $0x0, s19;
	[sflag:s21] =	ssyncset.done $0x0  }
0xa6: {  	[sflag:s21] =	ssyncadd.s32 s4;
	_ =	sdelay $0x1  }
0xa7: {  	s22 =	simm.s32 $0x1B8B  }
0xa8: {  	_ =	swait.ge [sflag:s22], $0x1  }
0xa9: {  	[sflag:s22] =	ssyncset.done $0x0  }
0xaa: {  	s23 =	sld [smem:$0x3FFE];
	[sflag:s22] =	ssyncadd.s32 $0xFFFFFFFF  }
0xab: {  	s25 =	simm.s32 $0x1B8E;
	s24 =	sld [smem:$0x0]  }
0xac: {  	s26 =	simm.s32 $execute0_lowered;
	[smem:$0x3FD2] =	sst s25  }
0xad: {  	s6 =	sshll.u32 s26, $0x1;
	_ =	strace $0x80000046;
	[dreg:$0x1] =	wrdreg $0xFFFFFFFF  }
0xae: {  	s28 =	simm.s32 $_size_execute0_lowered;
	s3 =	sadd.s32 s3, s6;
	[dreg:$0x0] =	wrdreg $0x0  }
0xaf: {  	s6 =	sshll.u32 s28, $0x1;
	[dreg:$0x2] =	wrdreg s3  }
0xb0: {  	[dreg:$0x3] =	wrdreg s6  }
0xb1: {  	[dreg:$0x4] =	wrdreg $0xC0  }
0xb2: {  	_ =	task [dreg:s7], $0x5FFFF  }
0xb3: {  	[dreg:$0x1] =	wrdreg $0xFFFFFFFF  }
0xb4: {  	[dreg:$0x0] =	wrdreg $0x60  }
0xb5: {  	[dreg:$0x2] =	wrdreg s15  }
0xb6: {  	[dreg:$0x3] =	wrdreg s23  }
0xb7: {  	[dreg:$0x4] =	wrdreg s1  }
0xb8: {  	[dreg:$0x5] =	wrdreg s24  }
0xb9: {  	[dreg:$0x6] =	wrdreg $0x9  }
0xba: {  	_ =	task.clear_ibuf [dreg:s7], $0x7FFFF;
	_ =	strace $0x90000046  }
0xbb: {  	s29 =	simm.s32 $0x9;
	_ =	strace $0x80000048  }
0xbc: {  	_ =	swait.ge [sflag:s29], $0x1  }
0xbd: {  	[sflag:s29] =	ssyncadd.s32 $0xFFFFFFFF  }
0xbe: {  	_ =	strace $0x90000048  }
0xbf: {  	_ =	sfence  }
0xc0: {  	s30 =	sld [smem:$0x0];
	_ =	sdelay $0x2  }
0xc1: {  	s31 =	sshll.u32 s1, $0xD;
	s1 =	sshrl.u32 s1, $0x2  }
0xc2: {  	s3 =	sand.u32 $0x4000, s31;
	s1 =	sadd.s32 s1, s30  }
0xc3: {  	s0 =	sor.u32 s3, s0;
	s1 =	sshll.u32 s1, $0x11  }
0xc4: {  	s0 =	sor.u32 s1, s0  }
0xc5: {  	s0 =	sadd.s32 $0x8F2B, s0  }
0xc6: {  	[sflag:s0] =	ssyncadd.remote.s32 $0x1  }
0xc7: {  	_ =	sfence.sel $0xFFFF  }
0xc8: {  	[dreg:$0x0] =	wrdreg $0xFFFFFFFF;
	(pc) =	sbr.abs _section_cstart, $3  }
0xc9: {  	[dreg:$0x1] =	wrdreg $0xFFFFFFFF  }
0xca: {  	_ =	task.clear_ibuf [dreg:s7], $0x2FFFF;
	_ =	strace $0x9FFFFFFF  }
0xcb: {  	(tm) =	ssettm $0x7FFFFFFF  }
tec
execute0_lowered:
.L_overlay_start_1:
0x0: {  	(tag) =	ssettag $0x1  }
0x1: {  	s1 =	rddreg [dreg:$0x0]  }
0x2: {  	s11 =	rddreg [dreg:$0x1]  }
0x3: {  	s3 =	rddreg [dreg:$0x2];
	_ =	strace $0x80000047;
	s12 =	simm.s32 $0x1  }
0x4: {  	v0 =	vimm.s32 $0x0;
	[sflag:s12] =	ssyncpa.u1 $0x0  }
0x5: {  	[tilespmem:$0x28] =	vst v0  }
0x6: {  	[tilespmem:$0x38] =	vst v0  }
0x7: {  	[tilespmem:$0x48] =	vst v0  }
0x8: {  	[tilespmem:$0x58] =	vst v0  }
0x9: {  	[tilespmem:$0x68] =	vst v0  }
0xa: {  	[tilespmem:$0x78] =	vst v0  }
0xb: {  	[tilespmem:$0x88] =	vst v0  }
0xc: {  	[tilespmem:$0x98] =	vst v0  }
0xd: {  	[tilespmem:$0xA8] =	vst v0  }
0xe: {  	[tilespmem:$0xB8] =	vst v0  }
0xf: {  	[tilespmem:$0xC8] =	vst v0  }
0x10: {  	[tilespmem:$0xD8] =	vst v0  }
0x11: {  	[tilespmem:$0xE8] =	vst v0  }
0x12: {  	[tilespmem:$0xF8] =	vst v0  }
0x13: {  	[tilespmem:$0x108] =	vst v0  }
0x14: {  	[tilespmem:$0x118] =	vst v0  }
0x15: {  	[tilespmem:$0x128] =	vst v0  }
0x16: {  	[tilespmem:$0x138] =	vst v0  }
0x17: {  	[tilespmem:$0x148] =	vst v0  }
0x18: {  	[tilespmem:$0x158] =	vst v0  }
0x19: {  	[tilespmem:$0x168] =	vst v0  }
0x1a: {  	[tilespmem:$0x178] =	vst v0  }
0x1b: {  	[tilespmem:$0x188] =	vst v0  }
0x1c: {  	[tilespmem:$0x198] =	vst v0  }
0x1d: {  	[tilespmem:$0x1A8] =	vst v0  }
0x1e: {  	[tilespmem:$0x1B8] =	vst v0  }
0x1f: {  	[tilespmem:$0x1C8] =	vst v0  }
0x20: {  	[tilespmem:$0x1D8] =	vst v0  }
0x21: {  	[tilespmem:$0x1E8] =	vst v0  }
0x22: {  	[tilespmem:$0x1F8] =	vst v0  }
0x23: {  	[tilespmem:$0x208] =	vst v0  }
0x24: {  	[tilespmem:$0x218] =	vst v0  }
0x25: {  	[tilespmem:$0x228] =	vst v0  }
0x26: {  	[tilespmem:$0x238] =	vst v0  }
0x27: {  	[tilespmem:$0x248] =	vst v0  }
0x28: {  	[tilespmem:$0x258] =	vst v0  }
0x29: {  	[tilespmem:$0x268] =	vst v0  }
0x2a: {  	[tilespmem:$0x278] =	vst v0  }
0x2b: {  	[tilespmem:$0x288] =	vst v0  }
0x2c: {  	[tilespmem:$0x298] =	vst v0  }
0x2d: {  	[tilespmem:$0x2A8] =	vst v0  }
0x2e: {  	[tilespmem:$0x2B8] =	vst v0  }
0x2f: {  	[tilespmem:$0x2C8] =	vst v0  }
0x30: {  	[tilespmem:$0x2D8] =	vst v0  }
0x31: {  	[tilespmem:$0x2E8] =	vst v0  }
0x32: {  	[tilespmem:$0x2F8] =	vst v0  }
0x33: {  	[tilespmem:$0x308] =	vst v0  }
0x34: {  	[tilespmem:$0x318] =	vst v0  }
0x35: {  	[tilespmem:$0x328] =	vst v0  }
0x36: {  	[tilespmem:$0x338] =	vst v0  }
0x37: {  	[tilespmem:$0x348] =	vst v0  }
0x38: {  	[tilespmem:$0x358] =	vst v0  }
0x39: {  	[tilespmem:$0x368] =	vst v0  }
0x3a: {  	[tilespmem:$0x378] =	vst v0  }
0x3b: {  	[tilespmem:$0x388] =	vst v0  }
0x3c: {  	[tilespmem:$0x398] =	vst v0  }
0x3d: {  	[tilespmem:$0x3A8] =	vst v0  }
0x3e: {  	[tilespmem:$0x3B8] =	vst v0  }
0x3f: {  	[tilespmem:$0x3C8] =	vst v0  }
0x40: {  	[tilespmem:$0x3D8] =	vst v0  }
0x41: {  	[tilespmem:$0x3E8] =	vst v0  }
0x42: {  	[tilespmem:$0x3F8] =	vst v0  }
0x43: {  	[tilespmem:$0x408] =	vst v0  }
0x44: {  	[tilespmem:$0x418] =	vst v0  }
0x45: {  	[tilespmem:$0x428] =	vst v0  }
0x46: {  	[tilespmem:$0x438] =	vst v0  }
0x47: {  	[tilespmem:$0x448] =	vst v0  }
0x48: {  	[tilespmem:$0x458] =	vst v0  }
0x49: {  	[tilespmem:$0x468] =	vst v0  }
0x4a: {  	[tilespmem:$0x478] =	vst v0  }
0x4b: {  	[tilespmem:$0x488] =	vst v0  }
0x4c: {  	[tilespmem:$0x498] =	vst v0  }
0x4d: {  	[tilespmem:$0x4A8] =	vst v0  }
0x4e: {  	[tilespmem:$0x4B8] =	vst v0  }
0x4f: {  	[tilespmem:$0x4C8] =	vst v0  }
0x50: {  	[tilespmem:$0x4D8] =	vst v0  }
0x51: {  	[tilespmem:$0x4E8] =	vst v0  }
0x52: {  	[tilespmem:$0x4F8] =	vst v0  }
0x53: {  	[tilespmem:$0x508] =	vst v0  }
0x54: {  	[tilespmem:$0x518] =	vst v0  }
0x55: {  	[tilespmem:$0x528] =	vst v0  }
0x56: {  	[tilespmem:$0x538] =	vst v0  }
0x57: {  	[tilespmem:$0x548] =	vst v0  }
0x58: {  	[tilespmem:$0x558] =	vst v0  }
0x59: {  	[tilespmem:$0x568] =	vst v0  }
0x5a: {  	[tilespmem:$0x578] =	vst v0  }
0x5b: {  	[tilespmem:$0x588] =	vst v0  }
0x5c: {  	[tilespmem:$0x598] =	vst v0  }
0x5d: {  	[tilespmem:$0x5A8] =	vst v0  }
0x5e: {  	[tilespmem:$0x5B8] =	vst v0  }
0x5f: {  	[tilespmem:$0x5C8] =	vst v0  }
0x60: {  	[tilespmem:$0x5D8] =	vst v0  }
0x61: {  	[tilespmem:$0x5E8] =	vst v0  }
0x62: {  	[tilespmem:$0x5F8] =	vst v0  }
0x63: {  	[tilespmem:$0x608] =	vst v0  }
0x64: {  	[tilespmem:$0x618] =	vst v0  }
0x65: {  	[tilespmem:$0x628] =	vst v0  }
0x66: {  	[tilespmem:$0x638] =	vst v0  }
0x67: {  	[tilespmem:$0x648] =	vst v0  }
0x68: {  	[tilespmem:$0x658] =	vst v0  }
0x69: {  	[tilespmem:$0x668] =	vst v0  }
0x6a: {  	[tilespmem:$0x678] =	vst v0  }
0x6b: {  	[tilespmem:$0x688] =	vst v0  }
0x6c: {  	[tilespmem:$0x698] =	vst v0  }
0x6d: {  	[tilespmem:$0x6A8] =	vst v0  }
0x6e: {  	[tilespmem:$0x6B8] =	vst v0  }
0x6f: {  	[tilespmem:$0x6C8] =	vst v0  }
0x70: {  	[tilespmem:$0x6D8] =	vst v0  }
0x71: {  	[tilespmem:$0x6E8] =	vst v0  }
0x72: {  	[tilespmem:$0x6F8] =	vst v0  }
0x73: {  	[tilespmem:$0x708] =	vst v0  }
0x74: {  	[tilespmem:$0x718] =	vst v0  }
0x75: {  	[tilespmem:$0x728] =	vst v0  }
0x76: {  	[tilespmem:$0x738] =	vst v0  }
0x77: {  	[tilespmem:$0x748] =	vst v0  }
0x78: {  	[tilespmem:$0x758] =	vst v0  }
0x79: {  	[tilespmem:$0x768] =	vst v0  }
0x7a: {  	[tilespmem:$0x778] =	vst v0  }
0x7b: {  	[tilespmem:$0x788] =	vst v0  }
0x7c: {  	[tilespmem:$0x798] =	vst v0  }
0x7d: {  	[tilespmem:$0x7A8] =	vst v0  }
0x7e: {  	[tilespmem:$0x7B8] =	vst v0  }
0x7f: {  	[tilespmem:$0x7C8] =	vst v0  }
0x80: {  	[tilespmem:$0x7D8] =	vst v0  }
0x81: {  	[tilespmem:$0x7E8] =	vst v0  }
0x82: {  	[tilespmem:$0x7F8] =	vst v0  }
0x83: {  	[tilespmem:$0x808] =	vst v0  }
0x84: {  	[tilespmem:$0x818] =	vst v0  }
0x85: {  	[tilespmem:$0x828] =	vst v0  }
0x86: {  	[tilespmem:$0x838] =	vst v0  }
0x87: {  	[tilespmem:$0x848] =	vst v0  }
0x88: {  	[tilespmem:$0x858] =	vst v0  }
0x89: {  	[tilespmem:$0x868] =	vst v0  }
0x8a: {  	[tilespmem:$0x878] =	vst v0  }
0x8b: {  	[tilespmem:$0x888] =	vst v0  }
0x8c: {  	[tilespmem:$0x898] =	vst v0  }
0x8d: {  	[tilespmem:$0x8A8] =	vst v0  }
0x8e: {  	[tilespmem:$0x8B8] =	vst v0  }
0x8f: {  	[tilespmem:$0x8C8] =	vst v0  }
0x90: {  	[tilespmem:$0x8D8] =	vst v0  }
0x91: {  	[tilespmem:$0x8E8] =	vst v0  }
0x92: {  	[tilespmem:$0x8F8] =	vst v0  }
0x93: {  	[tilespmem:$0x908] =	vst v0  }
0x94: {  	[tilespmem:$0x918] =	vst v0  }
0x95: {  	[tilespmem:$0x928] =	vst v0  }
0x96: {  	[tilespmem:$0x938] =	vst v0  }
0x97: {  	[tilespmem:$0x948] =	vst v0  }
0x98: {  	[tilespmem:$0x958] =	vst v0  }
0x99: {  	[tilespmem:$0x968] =	vst v0  }
0x9a: {  	[tilespmem:$0x978] =	vst v0  }
0x9b: {  	[tilespmem:$0x988] =	vst v0  }
0x9c: {  	[tilespmem:$0x998] =	vst v0  }
0x9d: {  	[tilespmem:$0x9A8] =	vst v0  }
0x9e: {  	[tilespmem:$0x9B8] =	vst v0  }
0x9f: {  	[tilespmem:$0x9C8] =	vst v0  }
0xa0: {  	[tilespmem:$0x9D8] =	vst v0  }
0xa1: {  	[tilespmem:$0x9E8] =	vst v0  }
0xa2: {  	[tilespmem:$0x9F8] =	vst v0  }
0xa3: {  	[tilespmem:$0xA08] =	vst v0  }
0xa4: {  	[tilespmem:$0xA18] =	vst v0  }
0xa5: {  	[tilespmem:$0xA28] =	vst v0  }
0xa6: {  	[tilespmem:$0xA38] =	vst v0  }
0xa7: {  	[tilespmem:$0xA48] =	vst v0  }
0xa8: {  	[tilespmem:$0xA58] =	vst v0  }
0xa9: {  	[tilespmem:$0xA68] =	vst v0  }
0xaa: {  	[tilespmem:$0xA78] =	vst v0  }
0xab: {  	[tilespmem:$0xA88] =	vst v0  }
0xac: {  	[tilespmem:$0xA98] =	vst v0  }
0xad: {  	[tilespmem:$0xAA8] =	vst v0  }
0xae: {  	[tilespmem:$0xAB8] =	vst v0  }
0xaf: {  	[tilespmem:$0xAC8] =	vst v0  }
0xb0: {  	[tilespmem:$0xAD8] =	vst v0  }
0xb1: {  	[tilespmem:$0xAE8] =	vst v0  }
0xb2: {  	[tilespmem:$0xAF8] =	vst v0  }
0xb3: {  	[tilespmem:$0xB08] =	vst v0  }
0xb4: {  	[tilespmem:$0xB18] =	vst v0  }
0xb5: {  	[tilespmem:$0xB28] =	vst v0  }
0xb6: {  	[tilespmem:$0xB38] =	vst v0  }
0xb7: {  	[tilespmem:$0xB48] =	vst v0  }
0xb8: {  	[tilespmem:$0xB58] =	vst v0  }
0xb9: {  	[tilespmem:$0xB68] =	vst v0  }
0xba: {  	[tilespmem:$0xB78] =	vst v0  }
0xbb: {  	[tilespmem:$0xB88] =	vst v0  }
0xbc: {  	[tilespmem:$0xB98] =	vst v0  }
0xbd: {  	[tilespmem:$0xBA8] =	vst v0  }
0xbe: {  	[tilespmem:$0xBB8] =	vst v0  }
0xbf: {  	[tilespmem:$0xBC8] =	vst v0  }
0xc0: {  	[tilespmem:$0xBD8] =	vst v0  }
0xc1: {  	[tilespmem:$0xBE8] =	vst v0  }
0xc2: {  	[tilespmem:$0xBF8] =	vst v0  }
0xc3: {  	[tilespmem:$0xC08] =	vst v0  }
0xc4: {  	[tilespmem:$0xC18] =	vst v0  }
0xc5: {  	[tilespmem:$0xC28] =	vst v0  }
0xc6: {  	[tilespmem:$0xC38] =	vst v0  }
0xc7: {  	[tilespmem:$0xC48] =	vst v0  }
0xc8: {  	[tilespmem:$0xC58] =	vst v0  }
0xc9: {  	[tilespmem:$0xC68] =	vst v0  }
0xca: {  	[tilespmem:$0xC78] =	vst v0  }
0xcb: {  	[tilespmem:$0xC88] =	vst v0  }
0xcc: {  	[tilespmem:$0xC98] =	vst v0  }
0xcd: {  	[tilespmem:$0xCA8] =	vst v0  }
0xce: {  	[tilespmem:$0xCB8] =	vst v0  }
0xcf: {  	[tilespmem:$0xCC8] =	vst v0  }
0xd0: {  	[tilespmem:$0xCD8] =	vst v0  }
0xd1: {  	[tilespmem:$0xCE8] =	vst v0  }
0xd2: {  	[tilespmem:$0xCF8] =	vst v0  }
0xd3: {  	[tilespmem:$0xD08] =	vst v0  }
0xd4: {  	[tilespmem:$0xD18] =	vst v0  }
0xd5: {  	[tilespmem:$0xD28] =	vst v0  }
0xd6: {  	[tilespmem:$0xD38] =	vst v0  }
0xd7: {  	[tilespmem:$0xD48] =	vst v0  }
0xd8: {  	[tilespmem:$0xD58] =	vst v0  }
0xd9: {  	[tilespmem:$0xD68] =	vst v0  }
0xda: {  	[tilespmem:$0xD78] =	vst v0  }
0xdb: {  	[tilespmem:$0xD88] =	vst v0  }
0xdc: {  	[tilespmem:$0xD98] =	vst v0  }
0xdd: {  	[tilespmem:$0xDA8] =	vst v0  }
0xde: {  	[tilespmem:$0xDB8] =	vst v0  }
0xdf: {  	[tilespmem:$0xDC8] =	vst v0  }
0xe0: {  	[tilespmem:$0xDD8] =	vst v0  }
0xe1: {  	[tilespmem:$0xDE8] =	vst v0  }
0xe2: {  	[tilespmem:$0xDF8] =	vst v0  }
0xe3: {  	[tilespmem:$0xE08] =	vst v0  }
0xe4: {  	[tilespmem:$0xE18] =	vst v0  }
0xe5: {  	[tilespmem:$0xE28] =	vst v0  }
0xe6: {  	[tilespmem:$0xE38] =	vst v0  }
0xe7: {  	[tilespmem:$0xE48] =	vst v0  }
0xe8: {  	[tilespmem:$0xE58] =	vst v0  }
0xe9: {  	[tilespmem:$0xE68] =	vst v0  }
0xea: {  	[tilespmem:$0xE78] =	vst v0  }
0xeb: {  	[tilespmem:$0xE88] =	vst v0  }
0xec: {  	[tilespmem:$0xE98] =	vst v0  }
0xed: {  	[tilespmem:$0xEA8] =	vst v0  }
0xee: {  	[tilespmem:$0xEB8] =	vst v0  }
0xef: {  	[tilespmem:$0xEC8] =	vst v0  }
0xf0: {  	[tilespmem:$0xED8] =	vst v0  }
0xf1: {  	[tilespmem:$0xEE8] =	vst v0  }
0xf2: {  	[tilespmem:$0xEF8] =	vst v0  }
0xf3: {  	[tilespmem:$0xF08] =	vst v0  }
0xf4: {  	[tilespmem:$0xF18] =	vst v0  }
0xf5: {  	[tilespmem:$0xF28] =	vst v0  }
0xf6: {  	[tilespmem:$0xF38] =	vst v0  }
0xf7: {  	[tilespmem:$0xF48] =	vst v0  }
0xf8: {  	[tilespmem:$0xF58] =	vst v0  }
0xf9: {  	[tilespmem:$0xF68] =	vst v0  }
0xfa: {  	[tilespmem:$0xF78] =	vst v0  }
0xfb: {  	[tilespmem:$0xF88] =	vst v0  }
0xfc: {  	[tilespmem:$0xF98] =	vst v0  }
0xfd: {  	[tilespmem:$0xFA8] =	vst v0  }
0xfe: {  	[tilespmem:$0xFB8] =	vst v0  }
0xff: {  	[tilespmem:$0xFC8] =	vst v0  }
0x100: {  	[tilespmem:$0xFD8] =	vst v0  }
0x101: {  	[tilespmem:$0xFE8] =	vst v0  }
0x102: {  	[tilespmem:$0xFF8] =	vst v0  }
0x103: {  	[tilespmem:$0x1028] =	vst v0  }
0x104: {  	[tilespmem:$0x10E8] =	vst v0  }
0x105: {  	[tilespmem:$0x1068] =	vst v0  }
0x106: {  	[tilespmem:$0x1058] =	vst v0  }
0x107: {  	[tilespmem:$0x1B28] =	vst v0  }
0x108: {  	[tilespmem:$0x1B18] =	vst v0  }
0x109: {  	[tilespmem:$0x1B08] =	vst v0  }
0x10a: {  	[tilespmem:$0x1AF8] =	vst v0  }
0x10b: {  	[tilespmem:$0x1AE8] =	vst v0  }
0x10c: {  	[tilespmem:$0x1AD8] =	vst v0  }
0x10d: {  	[tilespmem:$0x1AC8] =	vst v0  }
0x10e: {  	[tilespmem:$0x1AB8] =	vst v0  }
0x10f: {  	[tilespmem:$0x1AA8] =	vst v0  }
0x110: {  	[tilespmem:$0x1A98] =	vst v0  }
0x111: {  	[tilespmem:$0x1A88] =	vst v0  }
0x112: {  	[tilespmem:$0x1A78] =	vst v0  }
0x113: {  	[tilespmem:$0x1A68] =	vst v0  }
0x114: {  	[tilespmem:$0x1A58] =	vst v0  }
0x115: {  	[tilespmem:$0x1A48] =	vst v0  }
0x116: {  	[tilespmem:$0x1A38] =	vst v0  }
0x117: {  	[tilespmem:$0x1A28] =	vst v0  }
0x118: {  	[tilespmem:$0x1A18] =	vst v0  }
0x119: {  	[tilespmem:$0x1A08] =	vst v0  }
0x11a: {  	[tilespmem:$0x19F8] =	vst v0  }
0x11b: {  	[tilespmem:$0x19E8] =	vst v0  }
0x11c: {  	[tilespmem:$0x19D8] =	vst v0  }
0x11d: {  	[tilespmem:$0x19C8] =	vst v0  }
0x11e: {  	[tilespmem:$0x19B8] =	vst v0  }
0x11f: {  	[tilespmem:$0x19A8] =	vst v0  }
0x120: {  	[tilespmem:$0x1998] =	vst v0  }
0x121: {  	[tilespmem:$0x1988] =	vst v0  }
0x122: {  	[tilespmem:$0x1978] =	vst v0  }
0x123: {  	[tilespmem:$0x1968] =	vst v0  }
0x124: {  	[tilespmem:$0x1958] =	vst v0  }
0x125: {  	[tilespmem:$0x1948] =	vst v0  }
0x126: {  	[tilespmem:$0x1938] =	vst v0  }
0x127: {  	[tilespmem:$0x1928] =	vst v0  }
0x128: {  	[tilespmem:$0x1918] =	vst v0  }
0x129: {  	[tilespmem:$0x1908] =	vst v0  }
0x12a: {  	[tilespmem:$0x18F8] =	vst v0  }
0x12b: {  	[tilespmem:$0x18E8] =	vst v0  }
0x12c: {  	[tilespmem:$0x18D8] =	vst v0  }
0x12d: {  	[tilespmem:$0x18C8] =	vst v0  }
0x12e: {  	[tilespmem:$0x18B8] =	vst v0  }
0x12f: {  	[tilespmem:$0x18A8] =	vst v0  }
0x130: {  	[tilespmem:$0x1898] =	vst v0  }
0x131: {  	[tilespmem:$0x1888] =	vst v0  }
0x132: {  	[tilespmem:$0x1878] =	vst v0  }
0x133: {  	[tilespmem:$0x1868] =	vst v0  }
0x134: {  	[tilespmem:$0x1858] =	vst v0  }
0x135: {  	[tilespmem:$0x1848] =	vst v0  }
0x136: {  	[tilespmem:$0x1838] =	vst v0  }
0x137: {  	[tilespmem:$0x1828] =	vst v0  }
0x138: {  	[tilespmem:$0x1818] =	vst v0  }
0x139: {  	[tilespmem:$0x1808] =	vst v0  }
0x13a: {  	[tilespmem:$0x17F8] =	vst v0  }
0x13b: {  	[tilespmem:$0x17E8] =	vst v0  }
0x13c: {  	[tilespmem:$0x17D8] =	vst v0  }
0x13d: {  	[tilespmem:$0x17C8] =	vst v0  }
0x13e: {  	[tilespmem:$0x17B8] =	vst v0  }
0x13f: {  	[tilespmem:$0x17A8] =	vst v0  }
0x140: {  	[tilespmem:$0x1798] =	vst v0  }
0x141: {  	[tilespmem:$0x1788] =	vst v0  }
0x142: {  	[tilespmem:$0x1778] =	vst v0  }
0x143: {  	[tilespmem:$0x1768] =	vst v0  }
0x144: {  	[tilespmem:$0x1758] =	vst v0  }
0x145: {  	[tilespmem:$0x1748] =	vst v0  }
0x146: {  	[tilespmem:$0x1738] =	vst v0  }
0x147: {  	[tilespmem:$0x1728] =	vst v0  }
0x148: {  	[tilespmem:$0x1718] =	vst v0  }
0x149: {  	[tilespmem:$0x1708] =	vst v0  }
0x14a: {  	[tilespmem:$0x16F8] =	vst v0  }
0x14b: {  	[tilespmem:$0x16E8] =	vst v0  }
0x14c: {  	[tilespmem:$0x16D8] =	vst v0  }
0x14d: {  	[tilespmem:$0x16C8] =	vst v0  }
0x14e: {  	[tilespmem:$0x16B8] =	vst v0  }
0x14f: {  	[tilespmem:$0x16A8] =	vst v0  }
0x150: {  	[tilespmem:$0x1698] =	vst v0  }
0x151: {  	[tilespmem:$0x1688] =	vst v0  }
0x152: {  	[tilespmem:$0x1678] =	vst v0  }
0x153: {  	[tilespmem:$0x1668] =	vst v0  }
0x154: {  	[tilespmem:$0x1658] =	vst v0  }
0x155: {  	[tilespmem:$0x1648] =	vst v0  }
0x156: {  	[tilespmem:$0x1638] =	vst v0  }
0x157: {  	[tilespmem:$0x1628] =	vst v0  }
0x158: {  	[tilespmem:$0x1618] =	vst v0  }
0x159: {  	[tilespmem:$0x1608] =	vst v0  }
0x15a: {  	[tilespmem:$0x15F8] =	vst v0  }
0x15b: {  	[tilespmem:$0x15E8] =	vst v0  }
0x15c: {  	[tilespmem:$0x15D8] =	vst v0  }
0x15d: {  	[tilespmem:$0x15C8] =	vst v0  }
0x15e: {  	[tilespmem:$0x15B8] =	vst v0  }
0x15f: {  	[tilespmem:$0x15A8] =	vst v0  }
0x160: {  	[tilespmem:$0x1598] =	vst v0  }
0x161: {  	[tilespmem:$0x1588] =	vst v0  }
0x162: {  	[tilespmem:$0x1578] =	vst v0  }
0x163: {  	[tilespmem:$0x1568] =	vst v0  }
0x164: {  	[tilespmem:$0x1558] =	vst v0  }
0x165: {  	[tilespmem:$0x1548] =	vst v0  }
0x166: {  	[tilespmem:$0x1538] =	vst v0  }
0x167: {  	[tilespmem:$0x1528] =	vst v0  }
0x168: {  	[tilespmem:$0x1518] =	vst v0  }
0x169: {  	[tilespmem:$0x1508] =	vst v0  }
0x16a: {  	[tilespmem:$0x14F8] =	vst v0  }
0x16b: {  	[tilespmem:$0x14E8] =	vst v0  }
0x16c: {  	[tilespmem:$0x14D8] =	vst v0  }
0x16d: {  	[tilespmem:$0x14C8] =	vst v0  }
0x16e: {  	[tilespmem:$0x14B8] =	vst v0  }
0x16f: {  	[tilespmem:$0x14A8] =	vst v0  }
0x170: {  	[tilespmem:$0x1498] =	vst v0  }
0x171: {  	[tilespmem:$0x1488] =	vst v0  }
0x172: {  	[tilespmem:$0x1478] =	vst v0  }
0x173: {  	[tilespmem:$0x1468] =	vst v0  }
0x174: {  	[tilespmem:$0x1458] =	vst v0  }
0x175: {  	[tilespmem:$0x1448] =	vst v0  }
0x176: {  	[tilespmem:$0x1438] =	vst v0  }
0x177: {  	[tilespmem:$0x1428] =	vst v0  }
0x178: {  	[tilespmem:$0x1418] =	vst v0  }
0x179: {  	[tilespmem:$0x1408] =	vst v0  }
0x17a: {  	[tilespmem:$0x13F8] =	vst v0  }
0x17b: {  	[tilespmem:$0x13E8] =	vst v0  }
0x17c: {  	[tilespmem:$0x13D8] =	vst v0  }
0x17d: {  	[tilespmem:$0x13C8] =	vst v0  }
0x17e: {  	[tilespmem:$0x13B8] =	vst v0  }
0x17f: {  	[tilespmem:$0x13A8] =	vst v0  }
0x180: {  	[tilespmem:$0x1398] =	vst v0  }
0x181: {  	[tilespmem:$0x1388] =	vst v0  }
0x182: {  	[tilespmem:$0x1378] =	vst v0  }
0x183: {  	[tilespmem:$0x1368] =	vst v0  }
0x184: {  	[tilespmem:$0x1358] =	vst v0  }
0x185: {  	[tilespmem:$0x1348] =	vst v0  }
0x186: {  	[tilespmem:$0x1338] =	vst v0  }
0x187: {  	[tilespmem:$0x1328] =	vst v0  }
0x188: {  	[tilespmem:$0x1318] =	vst v0  }
0x189: {  	[tilespmem:$0x1308] =	vst v0  }
0x18a: {  	[tilespmem:$0x12F8] =	vst v0  }
0x18b: {  	[tilespmem:$0x12E8] =	vst v0  }
0x18c: {  	[tilespmem:$0x12D8] =	vst v0  }
0x18d: {  	[tilespmem:$0x12C8] =	vst v0  }
0x18e: {  	[tilespmem:$0x12B8] =	vst v0  }
0x18f: {  	[tilespmem:$0x12A8] =	vst v0  }
0x190: {  	[tilespmem:$0x1298] =	vst v0  }
0x191: {  	[tilespmem:$0x1288] =	vst v0  }
0x192: {  	[tilespmem:$0x1278] =	vst v0  }
0x193: {  	[tilespmem:$0x1268] =	vst v0  }
0x194: {  	[tilespmem:$0x1258] =	vst v0  }
0x195: {  	[tilespmem:$0x1248] =	vst v0  }
0x196: {  	[tilespmem:$0x1238] =	vst v0  }
0x197: {  	[tilespmem:$0x1228] =	vst v0  }
0x198: {  	[tilespmem:$0x1218] =	vst v0  }
0x199: {  	[tilespmem:$0x1208] =	vst v0  }
0x19a: {  	[tilespmem:$0x11F8] =	vst v0  }
0x19b: {  	[tilespmem:$0x11E8] =	vst v0  }
0x19c: {  	[tilespmem:$0x11D8] =	vst v0  }
0x19d: {  	[tilespmem:$0x11C8] =	vst v0  }
0x19e: {  	[tilespmem:$0x11B8] =	vst v0  }
0x19f: {  	[tilespmem:$0x11A8] =	vst v0  }
0x1a0: {  	[tilespmem:$0x1198] =	vst v0  }
0x1a1: {  	[tilespmem:$0x1188] =	vst v0  }
0x1a2: {  	[tilespmem:$0x1178] =	vst v0  }
0x1a3: {  	[tilespmem:$0x1168] =	vst v0  }
0x1a4: {  	[tilespmem:$0x1158] =	vst v0  }
0x1a5: {  	[tilespmem:$0x1148] =	vst v0  }
0x1a6: {  	[tilespmem:$0x1138] =	vst v0  }
0x1a7: {  	s4 =	stileid.u32;
	[tilespmem:$0x1128] =	vst v0  }
0x1a8: {  	s0 =	smul.u32 $0x17, s4;
	[tilespmem:$0x1118] =	vst v0  }
0x1a9: {  	s2 =	smin.u32 s4, $0x3;
	[tilespmem:$0x1108] =	vst v0  }
0x1aa: {  	[tilespmem:$0x10F8] =	vst v0;
	s0 =	sadd.s32 s2, s0  }
0x1ab: {  	p0 =	slt.u32 s4, $0x3;
	[tilespmem:$0x10C8] =	vst v0;
	s2 =	simm.s32 $0x2880;
	s6 =	smul.u32 $0x1B0, s0  }
0x1ac: {  	s2 =	simm.s32 @!p0 $0x26D0;
	[tilespmem:$0x10D8] =	vst v0  }
0x1ad: {  	[tilespmem:$0x10B8] =	vst v0;
	s0 =	sadd.s32 s2, s6  }
0x1ae: {  	s5 =	simm.s32 $0x2;
	[tilespmem:$0x1038] =	vst v0;
	s7 =	smin.u32 s0, $0x27100  }
0x1af: {  	s8 =	simm.s32 $0x9;
	s10 =	simm.s32 $0xA;
	[tilespmem:$0x10A8] =	vst v0;
	s0 =	ssub.s32 s7, s6  }
0x1b0: {  	s30 =	simm.s32 $0xB;
	s16 =	simm.s32 $0x0;
	[tilespmem:$0x1098] =	vst v0;
	p0 =	sgt.s32 s0, $0x0  }
0x1b1: {  	p4 =	por $0x0, $0x0;
	s17 =	simm.s32 $0xC;
	[tilespmem:$0x1088] =	vst v0;
	s0 =	simm.s32 @!p0 $0x0  }
0x1b2: {  	s21 =	simm.s32 $0x0;
	s18 =	simm.s32 $0x0;
	[tilespmem:$0x1078] =	vst v0;
	s28 =	smulhi.u32 $0x4BDA12F7, s0  }
0x1b3: {  	s20 =	simm.s32 $0x0;
	s3 =	sand.u32 $0x1, s3;
	s31 =	sshll.u32 s4, $0x5;
	[tilespmem:$0x1048] =	vst v0  }
0x1b4: {  	s2 =	sshrl.u32 s28, $0x7;
	[tilespmem:$0x1018] =	vst v0;
	[dreg:$0x6] =	wrdreg s3;
	s3 =	smul.u32 $0x4E20, s3  }
0x1b5: {  	[tilespmem:$0x1008] =	vst v0;
	[sflag:s5] =	ssyncpa.u1 $0x0;
	v0 =	vimm.s32 $0xFFFFFFFF;
	[dreg:$0x5] =	wrdreg s31;
	s29 =	smul.u32 $0x1B0, s2  }
.Ltmp0:
0x1b6: {  	[tilespmem:$0x3648] =	vst v0;
	[sflag:s8] =	ssyncpa.u1 $0x0;
	s3 =	sadd.s32 s3, s11;
	(pc) =	sbr.rel .LBB2_1-.Ltmp0, $4  }
0x1b7: {  	[sflag:s10] =	ssyncpa.u1 $0x0;
	s11 =	sadd.s32 $0x25400, s11;
	p0 =	sne.s32 s0, s29  }
0x1b8: {  	[sflag:s30] =	ssyncpa.u1 $0x0;
	s14 =	sadd.s32 $0x9F3200, s3;
	s12 =	simm.s32 @!p0 $0x0  }
0x1b9: {  	s15 =	sadd.s32 $0x9E9400, s3;
	s19 =	smov.u32 s6;
	s12 =	sadd.s32 s12, s2  }
0x1ba: {  	v0 =	vlaneseq.u32;
	[dreg:$0x7] =	wrdreg s6;
	p0 =	por $0x1, $0x1;
	s4 =	sadd.s32 $0x1, s12  }
.LBB2_18:
0x1bb: {  	s0 =	simm.s32 $0x2  }
0x1bc: {  	_ =	swait.ge [sflag:s0], $0x0  }
0x1bd: {  	[sflag:s0] =	ssyncset.done $0x0;
	s0 =	simm.s32 $0x0  }
.LBB2_19:
0x1be: {  	_ =	swait.ge [sflag:s17], s0  }
0x1bf: {  	s31 =	ssub.s32 $0x0, s0;
	v1 =	vmov s23;
	vm0 =	veq.s32 v0, $0x0;
	[sflag:s17] =	ssyncset.done $0x0  }
0x1c0: {  	vm15 =	veq.s32 v0, $0x2;
	v1 =	vsel vm0, s28, v1;
	[sflag:s17] =	ssyncadd.s32 s31  }
0x1c1: {  	v1 =	vsel vm15, s21, v1;
	[sflag:s17] =	ssyncpa.u1 $0x1  }
0x1c2: {  	[tilespmem:$0x3648] =	vst v1  }
.LBB2_20:
0x1c3: {  	s0 =	sadd.s32 $0x1B0, s19  }
0x1c4: {  	s2 =	smov.u32 s6;
	p1 =	slt.s32 s0, s7  }
0x1c5: {  	s2 =	smov.u32 @p1 s0;
	p1 =	sne.s32 s20, s4  }
.Ltmp1:
0x1c6: {  	_ = 	snop;
	(pc) =	sbr.rel @!p1 .LBB2_21-.Ltmp1, $4  }
0x1c7: {  	_ = 	snop  }
0x1c8: {  	s21 =	smov.u32 s18  }
0x1c9: {  	s31 =	sadd.s32 $0x1, s20;
	s18 =	smov.u32 s19;
	p0 =	por !p0, !p0  }
0x1ca: {  	p4 =	por !p4, !p4;
	s20 =	smov.u32 s31;
	s19 =	smov.u32 s2  }
.LBB2_1:
0x1cb: {  	p2 =	sge.u32 s20, s12  }
0x1cc: {  	s0 =	smulhi.u32 @!p2 $0xAAAAAAAB, s20  }
0x1cd: {  	s2 =	smov.u32 s19;
	p3 =	sgt.s32 @!p2 s19, $0x26F50  }
0x1ce: {  	s3 =	sshra.s32 @!p2 s19, $0x1F;
	p3 =	por !p3, p2;
	s0 =	sshrl.u32 @!p2 s0, $0x1  }
0x1cf: {  	s3 =	sand.u32 @!p2 s3, s19;
	s2 =	simm.s32 @p3 $0x26F50;
	s0 =	smul.u32 @!p2 $0x3, s0  }
0x1d0: {  	s2 =	ssub.s32 @!p2 s2, s3  }
0x1d1: {  	s23 =	sadd.s32 $0xFFFFFFFF, s20;
	s2 =	sadd.s32 @!p2 $0xFFFD90B0, s2;
	s0 =	ssub.s32 @!p2 s20, s0  }
0x1d2: {  	s3 =	sshll.u32 @!p2 s2, $0x2;
	p3 =	sgt.s32 @!p2 s2, $0x1AF;
	s0 =	smul.u32 @!p2 $0x6C0, s0  }
0x1d3: {  	s5 =	sand.u32 @!p2 $0x7, s19;
	s2 =	ssub.s32 @!p2 $0x6C0, s3;
	p3 =	por !p3, p2  }
0x1d4: {  	s3 =	sshrl.u32 @!p2 s19, $0x3;
	s2 =	sshrl.u32 @!p2 s2, $0x2;
	s0 =	sshrl.u32 @!p2 s0, $0x2  }
0x1d5: {  	s3 =	sadd.s32 @!p2 s3, s14;
	s2 =	simm.s32 @!p3 $0x0;
	s0 =	sadd.s32 @!p2 $0x3888, s0  }
0x1d6: {  	[tilespmem:s0], [sflag:$0xA] =	stream.linear.gather @!p2 [hbm4b:s3+s5], s2, $0x38;
	[tilespmem:$0x1F0F8] =	vst v63  }
0x1d7: {  	p2 =	sge.u32 s23, s12  }
0x1d8: {  	p3 =	sgt.s32 @!p2 s18, $0x26F50  }
0x1d9: {  	s0 =	smov.u32 s18;
	s2 =	sshra.s32 @!p2 s18, $0x1F;
	p3 =	por !p3, p2  }
0x1da: {  	s2 =	sand.u32 @!p2 s2, s18;
	s0 =	simm.s32 @p3 $0x26F50  }
0x1db: {  	s0 =	ssub.s32 @!p2 s0, s2  }
0x1dc: {  	s0 =	sadd.s32 @!p2 $0xFFFD90B0, s0  }
0x1dd: {  	s2 =	sshll.u32 @!p2 s0, $0x2  }
0x1de: {  	p3 =	sgt.s32 @!p2 s0, $0x1AF;
	s0 =	ssub.s32 @!p2 $0x6C0, s2  }
0x1df: {  	s22 =	ssub.s32 @!p2 $0x27100, s18;
	p3 =	por !p3, p2;
	s0 =	sshrl.u32 @!p2 s0, $0x2  }
0x1e0: {  	s2 =	sand.u32 @!p2 $0x1, s23;
	s0 =	simm.s32 @!p3 $0x0;
	p3 =	slt.s32 @!p2 s22, $0x1  }
0x1e1: {  	s3 =	simm.s32 @!p2 $0xA;
	s2 =	smul.u32 @!p2 $0x6C0, s2;
	p3 =	por p2, p3  }
.Ltmp2:
0x1e2: {  	_ =	swait.ge @!p2 [sflag:s3], s0;
	(pc) =	sbr.rel @p3 .LBB2_7-.Ltmp2, $4  }
0x1e3: {  	s5 =	ssub.s32 @!p2 $0x0, s0;
	[sflag:s3] =	ssyncset.done @!p2 $0x0  }
0x1e4: {  	s2 =	sshrl.u32 @!p2 s2, $0x2;
	[sflag:s3] =	ssyncadd.s32 @!p2 s5;
	s3 =	sshrl.u32 @!p2 s18, $0x3  }
0x1e5: {  	s2 =	sadd.s32 @!p2 $0x3D98, s2;
	s5 =	sand.u32 @!p2 $0x7, s18;
	s3 =	sadd.s32 @!p2 s3, s15  }
0x1e6: {  	[tilespmem:s2], [sflag:$0xB] =	stream.linear.gather @!p2 [hbm4b:s3+s5], s0, $0x38;
	[tilespmem:$0x1F0F8] =	vst v63  }
0x1e7: {  	s0 =	smulhi.u32 $0xAAAAAAAB, s23;
	_ =	sdelay $0x1  }
0x1e8: {  	s0 =	sshrl.u32 s0, $0x1  }
0x1e9: {  	s0 =	smul.u32 $0x3, s0;
	_ =	sdelay $0x1  }
0x1ea: {  	s0 =	ssub.s32 s23, s0  }
0x1eb: {  	s2 =	simm.s32 $0x1;
	s0 =	smul.u32 $0x6C0, s0  }
.Ltmp3:
0x1ec: {  	s2 =	simm.s32 @!p0 $0x0;
	(pc) =	sbr.rel .LBB2_4-.Ltmp3, $4  }
0x1ed: {  	s2 =	smul.u32 $0x36000, s2  }
0x1ee: {  	p3 =	slt.s32 @!p2 s22, $0x1B0;
	s0 =	sshrl.u32 s0, $0x2  }
0x1ef: {  	p2 =	por !p3, p2;
	s2 =	sshrl.u32 s2, $0x2;
	s0 =	sadd.s32 $0x3888, s0  }
0x1f0: {  	s24 =	simm.s32 $0x0;
	s22 =	simm.s32 @p2 $0x1B0;
	s23 =	sadd.s32 $0x40F8, s2;
	v1 =	vmov s0  }
.LBB2_3:
0x1f1: {  	p2 =	sge.s32 s24, s22  }
.Ltmp4:
0x1f2: {  	_ = 	snop;
	(pc) =	sbr.rel @p2 .LBB2_7-.Ltmp4, $2  }
0x1f3: {  	_ =	sdelay $0x2  }
0x1f4: {  	s23 =	sadd.s32 $0x800, s23  }
.LBB2_4:
0x1f5: {  	p2 =	sle.s32 s22, s24  }
.Ltmp5:
0x1f6: {  	_ = 	snop;
	(pc) =	sbr.rel @p2 .LBB2_3-.Ltmp5, $2  }
0x1f7: {  	_ =	sdelay $0x2  }
0x1f8: {  	s0 =	smov.u32 s24;
	s24 =	sadd.s32 $0x10, s24  }
0x1f9: {  	s2 =	ssub.s32 s22, s0  }
0x1fa: {  	p2 =	slt.s32 s2, $0x10  }
0x1fb: {  	s2 =	simm.s32 @!p2 $0x10  }
0x1fc: {  	v2 =	vmov s2  }
0x1fd: {  	vm0 =	vgt.s32 v2, v0;
	_ =	sdelay $0x5  }
0x1fe: {  	v2 =	vld.idx.msk [tilespmem:v1+s0+$0x0 ss:$0x1], vm0;
	_ =	sdelay $0x2  }
0x1ff: {  	p2 =	slt.s32 s24, s22;
	s2 =	smov.u32 s22  }
0x200: {  	s3 =	smov.u32 s23;
	s25 =	simm.s32 $0x0;
	s2 =	smov.u32 @p2 s24  }
.LBB2_6:
0x201: {  	(v2sf) =	vpush v2, s25;
	_ =	sdelay $0xc  }
0x202: {  	s25 =	sadd.s32 $0x1, s25  }
0x203: {  	s31 =	sadd.s32 s25, s0  }
0x204: {  	p2 =	slt.s32 s31, s2;
	s5 =	spop (v2sf)  }
.Ltmp6:
0x205: {  	s5 =	sshll.u32 s5, $0x4;
	(pc) =	sbr.rel @p2 .LBB2_6-.Ltmp6, $4  }
0x206: {  	s5 =	sand.u32 $0x1FFFFFF0, s5  }
0x207: {  	s5 =	sadd.s32 s11, s5  }
0x208: {  	[tilespmem:s3], [sflag:$0x9] =	stream.linear.gather [hbm4b:s5+s16], $0x4, $0x38;
	[tilespmem:$0x1F0F8] =	vst v63  }
0x209: {  	s3 =	sadd.s32 $0x80, s3  }
.Ltmp7:
0x20a: {  	_ = 	snop;
	(pc) =	sbr.rel .LBB2_3-.Ltmp7, $1  }
0x20b: {  	_ =	sdelay $0x3  }
.LBB2_7:
0x20c: {  	p2 =	slt.u32 s20, $0x2  }
.Ltmp8:
0x20d: {  	_ = 	snop;
	(pc) =	sbr.rel @p2 .LBB2_20-.Ltmp8, $1  }
0x20e: {  	_ =	sdelay $0x3  }
0x20f: {  	p2 =	sgt.s32 s21, $0x26F50  }
0x210: {  	s0 =	smov.u32 s21;
	s2 =	sshra.s32 s21, $0x1F;
	s3 =	ssub.s32 $0x27100, s21  }
0x211: {  	s0 =	simm.s32 @!p2 $0x26F50;
	s2 =	sand.u32 s2, s21;
	p2 =	slt.s32 s3, $0x1B0  }
0x212: {  	s0 =	ssub.s32 s0, s2;
	s3 =	simm.s32 @!p2 $0x1B0  }
0x213: {  	s0 =	sadd.s32 $0xFFFD90B0, s0;
	s24 =	sshll.u32 s3, $0x2  }
0x214: {  	s28 =	simm.s32 $0x9;
	s25 =	sshll.u32 s0, $0x2;
	s2 =	sand.u32 $0x3FFFFFFC, s24  }
0x215: {  	p2 =	sgt.s32 s0, $0x1AF;
	s26 =	ssub.s32 $0x6C0, s25;
	_ =	swait.ge [sflag:s28], s2  }
0x216: {  	s2 =	ssub.s32 $0x0, s2;
	[sflag:s28] =	ssyncset.done $0x0;
	s0 =	sshrl.u32 s26, $0x2  }
0x217: {  	s30 =	simm.s32 $0xB;
	[sflag:s28] =	ssyncadd.s32 s2;
	s0 =	simm.s32 @p2 $0x0  }
0x218: {  	_ =	swait.ge [sflag:s30], s0  }
0x219: {  	s0 =	ssub.s32 $0x0, s0;
	[sflag:s30] =	ssyncset.done $0x0  }
0x21a: {  	[sflag:s30] =	ssyncadd.s32 s0  }
0x21b: {  	v1 =	vld [tilespmem:$0x3648];
	_ =	sdelay $0x4  }
0x21c: {  	(v2sf) =	vpush v1, $0x0  }
0x21d: {  	(v2sf) =	vpush v1, $0x1  }
0x21e: {  	(v2sf) =	vpush v1, $0x2;
	_ =	sdelay $0x3  }
0x21f: {  	s0 =	sadd.s32 $0x1B0, s21  }
0x220: {  	s2 =	ssub.s32 $0x4E200, s21;
	p2 =	slt.s32 s7, s0  }
0x221: {  	s0 =	smov.u32 @p2 s7;
	p2 =	sgt.s32 s2, $0x0  }
0x222: {  	s25 =	ssub.s32 s0, s21;
	s2 =	simm.s32 @!p2 $0x0  }
0x223: {  	p2 =	slt.s32 s2, s25  }
0x224: {  	s25 =	smov.u32 @p2 s2  }
0x225: {  	s24 =	simm.s32 $0x1;
	p2 =	slt.s32 s25, $0x1  }
.Ltmp9:
0x226: {  	s24 =	simm.s32 @!p4 $0x0;
	(pc) =	sbr.rel @p2 .LBB2_12-.Ltmp9, $4  }
0x227: {  	s31 =	smul.u32 $0x6C0, s24  }
0x228: {  	s26 =	spop (v2sf)  }
0x229: {  	s0 =	sshrl.u32 s31, $0x2;
	s29 =	spop (v2sf)  }
0x22a: {  	s22 =	sadd.s32 $0x3D98, s0;
	s21 =	spop (v2sf)  }
0x22b: {  	s0 =	smin.u32 s25, $0x10  }
0x22c: {  	v1 =	vmov s0  }
0x22d: {  	p3 =	sgt.s32 s25, $0x10;
	vm1 =	vgt.u32 v1, v0  }
.Ltmp10:
0x22e: {  	_ = 	snop;
	(pc) =	sbr.rel @!p3 .LBB2_11-.Ltmp10, $2  }
0x22f: {  	_ =	sdelay $0x2  }
0x230: {  	s23 =	simm.s32 $0x10;
	s28 =	sadd.s32 $0xFFFFFFF0, s25;
	s0 =	smov.u32 s22;
	vm0 =	vmmov vm1  }
.LBB2_10:
0x231: {  	s2 =	smin.u32 s28, $0x10;
	s23 =	sadd.s32 $0x10, s23;
	v1 =	vld.msk [tilespmem:s0+$0x0 ss:$0x1], vm1  }
0x232: {  	v2 =	vmov s2;
	p3 =	slt.s32 s23, s25  }
0x233: {  	vm1 =	vgt.u32 v2, v0  }
.Ltmp11:
0x234: {  	(pc) =	sbr.rel @p3 .LBB2_10-.Ltmp11, $3  }
0x235: {  	_ =	sdelay $0x1  }
0x236: {  	v1 =	vshll.u32 v1, $0x4  }
0x237: {  	s28 =	sadd.s32 $0xFFFFFFF0, s28;
	[tilespmem:s0+$0x0] =	vst.msk vm0, v1;
	s0 =	sadd.s32 $0x10, s0;
	vm0 =	vmmov vm1  }
.LBB2_11:
0x238: {  	_ =	sdelay $0x4  }
0x239: {  	v1 =	vld.msk [tilespmem:s0+$0x0 ss:$0x1], vm1;
	_ =	sdelay $0x4  }
0x23a: {  	v1 =	vshll.u32 v1, $0x4  }
0x23b: {  	[tilespmem:s0+$0x0] =	vst.msk vm0, v1  }
.LBB2_12:
0x23c: {  	s0 =	sand.u32 $0x1, s20  }
0x23d: {  	s0 =	smul.u32 $0x1B0, s0  }
0x23e: {  	p3 =	sne.s32 s29, $0xFFFFFFFF  }
0x23f: {  	v1 =	vld.msk @!p3 [tilespmem:s0+$0x3D98], $0x1;
	_ =	sdelay $0x4  }
0x240: {  	(v2sf) =	vpush @!p3 v1, $0x0;
	_ =	sdelay $0xc  }
.Ltmp12:
0x241: {  	_ = 	snop;
	(pc) =	sbr.rel @p2 .LBB2_18-.Ltmp12, $4  }
0x242: {  	_ = 	snop  }
0x243: {  	s28 =	spop @!p3 (v2sf)  }
0x244: {  	s21 =	simm.s32 @!p3 $0x0;
	s23 =	smov.u32 s28  }
0x245: {  	[sflag:s17] =	ssyncpa.u1 $0x0;
	s28 =	smov.u32 @p3 s26;
	s23 =	smov.u32 @p3 s29  }
0x246: {  	v1 =	vld.msk [tilespmem:s22+$0x0], $0x1;
	_ =	sdelay $0x4  }
0x247: {  	(v2sf) =	vpush v1, $0x0;
	_ =	sdelay $0xe  }
0x248: {  	s0 =	simm.s32 @!p4 $0x0;
	s26 =	smul.u32 $0x36000, s24;
	s31 =	spop (v2sf)  }
0x249: {  	s29 =	ssub.s32 $0x0, s25;
	s0 =	simm.s32 @p4 $0x1;
	p2 =	seq.s32 s28, s31  }
0x24a: {  	s2 =	smov.u32 s28;
	[smem:$0x7FD] =	sst s0;
	p3 =	sgt.s32 @!p2 s28, $0x0  }
0x24b: {  	s0 =	sshrl.u32 s26, $0x2;
	s26 =	sadd.s32 $0x1, s29;
	p3 =	por !p3, p2  }
0x24c: {  	s2 =	simm.s32 @p3 $0x0;
	p3 =	seq.s32 s26, $0x0  }
.Ltmp13:
0x24d: {  	_ = 	snop;
	(pc) =	sbr.rel @p3 .LBB2_15-.Ltmp13, $4  }
0x24e: {  	s6 =	smov.u32 s4;
	s25 =	simm.s32 $0x0  }
0x24f: {  	s24 =	sadd.s32 $0x40F8, s0;
	s0 =	simm.s32 @!p2 $0x1;
	s3 =	smin.u32 @!p2 s2, $0x2427F  }
0x250: {  	s30 =	sadd.s32 $0x1, s22;
	s0 =	smov.u32 @p2 s25;
	s5 =	sand.u32 @!p2 $0x3FFF8, s3  }
0x251: {  	s2 =	simm.s32 @!p2 $0x1B38;
	s3 =	sand.u32 @!p2 $0x7, s3;
	s5 =	sadd.s32 @!p2 s1, s5  }
.LBB2_14:
0x252: {  	s4 =	smov.u32 s0  }
0x253: {  	[tilespmem:s2], [sflag:$0x2] =	stream.linear.gather @!p2 [hbm4b:s5+s3], $0x4, $0x38;
	[tilespmem:$0x1F0F8] =	vst v63  }
0x254: {  	s26 =	sadd.s32 $0x1, s26;
	s3 =	smov.u32 s31;
	v1 =	vld.msk [tilespmem:s30+$0x0], $0x1  }
0x255: {  	p3 =	seq.s32 s26, $0x0;
	_ =	sdelay $0x3  }
0x256: {  	(v2sf) =	vpush v1, $0x0;
	_ =	sdelay $0xe  }
0x257: {  	s31 =	spop (v2sf)  }
0x258: {  	p2 =	seq.s32 s3, s31  }
0x259: {  	p4 =	sgt.s32 @!p2 s3, $0x0;
	s2 =	sshll.u32 @!p2 s0, $0x6;
	s0 =	sadd.s32 @!p2 $0x1, s0  }
.Ltmp14:
0x25a: {  	p4 =	por !p4, p2;
	s2 =	sshra.s32 @!p2 s2, $0x2;
	(pc) =	sbr.rel @!p3 .LBB2_14-.Ltmp14, $4  }
0x25b: {  	s0 =	smov.u32 @p2 s4;
	s3 =	simm.s32 @p4 $0x0;
	s2 =	sadd.s32 @!p2 $0x1B38, s2  }
0x25c: {  	s3 =	smin.u32 @!p2 s3, $0x2427F  }
0x25d: {  	s4 =	sand.u32 @!p2 $0x3FFF8, s3;
	s3 =	sand.u32 @!p2 $0x7, s3  }
0x25e: {  	s30 =	sadd.s32 $0x1, s30;
	s5 =	sadd.s32 @!p2 s1, s4  }
.LBB2_15:
0x25f: {  	[tilespmem:s2], [sflag:$0x2] =	stream.linear.gather @!p2 [hbm4b:s5+s3], $0x4, $0x38;
	[tilespmem:$0x1F0F8] =	vst v63  }
0x260: {  	s0 =	sshll.u32 s0, $0x2  }
0x261: {  	s31 =	simm.s32 $0x2;
	s0 =	sand.u32 $0x3FFFFFFC, s0  }
0x262: {  	_ =	swait.ge [sflag:s31], s0  }
0x263: {  	s0 =	ssub.s32 $0x0, s0;
	[sflag:s31] =	ssyncset.done $0x0  }
0x264: {  	[sflag:s31] =	ssyncadd.s32 s0  }
0x265: {  	v1 =	vld.msk [tilespmem:s22+$0x0], $0x1;
	_ =	sdelay $0x4  }
0x266: {  	(v2sf) =	vpush v1, $0x0;
	_ =	sdelay $0xe  }
0x267: {  	s26 =	spop (v2sf)  }
0x268: {  	p2 =	sne.s32 s28, s26  }
0x269: {  	p4 =	sne.s32 @p2 s28, s23  }
0x26a: {  	p3 =	por !p4, !p2  }
0x26b: {  	s0 =	simm.s32 @!p3 $0x0  }
0x26c: {  	v1 =	vld.msk @!p3 [tilespmem:s0+$0x1B38], $0xf  }
0x26d: {  	p5 =	sgt.u32 @!p3 s28, $0x2427F  }
0x26e: {  	s2 =	sshll.u32 @!p3 s21, $0x6;
	p6 =	por @p2 p5, !p4  }
0x26f: {  	s2 =	sshra.s32 @!p3 s2, $0x2;
	p1 =	por p6, !p2;
	p6 =	por p4, !p2  }
0x270: {  	s3 =	sadd.s32 @!p3 $0x28, s2;
	s4 =	sand.u32 @!p1 $0x3FFF8, s28;
	s5 =	sshll.u32 @!p6 s21, $0x6  }
0x271: {  	s28 =	sand.u32 @!p1 $0x7, s28;
	[tilespmem:s2+$0x28] =	vst.add.f32.msk @!p3 $0xf, v1;
	s2 =	sadd.s32 @!p1 s1, s4;
	s4 =	sshra.s32 @!p6 s5, $0x2  }
0x272: {  	[hbm4b:s2+s28] =	stream.linear.scatter @!p1 [tilespmem:s3], [sflag:$0xC], $0x4, $0x38;
	[tilespmem:$0x1F0F8] =	vst v63  }
0x273: {  	s0 =	rddreg [dreg:$0x5];
	s2 =	sadd.s32 @!p6 $0x28, s4;
	s3 =	simm.s32 @!p6 $0x1  }
0x274: {  	[spmem:s0] =	stream.linear.scatter @!p6 [tilespmem:s2], [sflag:$0x1], $0x4, $0x38;
	[tilespmem:$0x1F0F8] =	vst v63  }
0x275: {  	s0 =	sadd.s32 @p2 $0x1, s21;
	_ =	swait.ge @!p6 [sflag:s3], $0x4  }
0x276: {  	s2 =	sshrl.u32 @p2 s0, $0x4;
	[sflag:s3] =	ssyncset.done @!p6 $0x0  }
0x277: {  	s2 =	smulhi.u32 @p2 $0x97B425F, s2;
	[sflag:s3] =	ssyncadd.s32 @!p6 $0xFFFFFFFC  }
0x278: {  	s28 =	sadd.s32 $0x1, s29;
	v1 =	vld.msk @p2 [tilespmem:s24+$0x0], $0xf  }
0x279: {  	p1 =	por @p2 !p5, !p4;
	p4 =	seq.s32 s28, $0x0;
	s2 =	smul.u32 @p2 $0x1B0, s2  }
.Ltmp15:
0x27a: {  	p1 =	por !p1, !p2;
	s3 =	simm.s32 @!p3 $0x0;
	(pc) =	sbr.rel @p4 .LBB2_17-.Ltmp15, $4  }
0x27b: {  	s4 =	sshll.u32 @!p2 s21, $0x6;
	s3 =	simm.s32 @!p1 $0x10;
	s0 =	ssub.s32 @p2 s0, s2  }
0x27c: {  	s29 =	simm.s32 $0x0;
	s3 =	sadd.s32 @!p3 $0x0, s3;
	s5 =	sshll.u32 @p2 s0, $0x4  }
0x27d: {  	s30 =	sshra.s32 @!p2 s4, $0x2;
	s2 =	simm.s32 @p2 $0x1;
	s3 =	smov.u32 @p3 s25;
	[tilespmem:s5+$0x28] =	vst.msk @p2 $0xf, v1  }
0x27e: {  	s21 =	smov.u32 @p2 s0;
	s29 =	smov.u32 @p2 s3;
	s25 =	smov.u32 @p2 s2;
	v1 =	vld.msk @!p2 [tilespmem:s24+$0x0], $0xf  }
.LBB2_16:
0x27f: {  	_ =	sdelay $0x3  }
0x280: {  	s22 =	sadd.s32 $0x1, s22;
	[tilespmem:s30+$0x28] =	vst.add.f32.msk @!p2 $0xf, v1  }
0x281: {  	v1 =	vld.msk [tilespmem:s22+$0x0], $0x1;
	_ =	sdelay $0x4  }
0x282: {  	(v2sf) =	vpush v1, $0x0;
	_ =	sdelay $0xe  }
0x283: {  	s0 =	smov.u32 s26;
	s26 =	spop (v2sf)  }
0x284: {  	p2 =	sne.s32 s0, s26  }
0x285: {  	p5 =	sne.s32 @p2 s0, s23  }
0x286: {  	s4 =	sshll.u32 @!p2 s21, $0x6;
	p4 =	por !p5, !p2  }
0x287: {  	s30 =	sshra.s32 @!p2 s4, $0x2;
	s4 =	sshll.u32 @!p4 s25, $0x6  }
0x288: {  	s4 =	sshra.s32 @!p4 s4, $0x2  }
0x289: {  	p1 =	sgt.u32 @!p4 s0, $0x2427F;
	v1 =	vld.msk @!p4 [tilespmem:s4+$0x1B38], $0xf  }
0x28a: {  	s31 =	sshll.u32 @!p4 s21, $0x6;
	p6 =	por @p2 p1, !p5;
	p1 =	por @p2 !p1, !p5  }
0x28b: {  	s8 =	simm.s32 @!p4 $0x0;
	s31 =	sshra.s32 @!p4 s31, $0x2;
	p1 =	por !p1, !p2  }
0x28c: {  	p5 =	por p5, !p2;
	s8 =	simm.s32 @!p1 $0x10;
	p1 =	por p6, !p2  }
0x28d: {  	s4 =	sadd.s32 @!p4 $0x28, s31;
	s13 =	sshll.u32 @!p5 s21, $0x6;
	s10 =	sand.u32 @!p1 $0x3FFF8, s0  }
0x28e: {  	s13 =	sshra.s32 @!p5 s13, $0x2;
	s0 =	sand.u32 @!p1 $0x7, s0;
	s10 =	sadd.s32 @!p1 s1, s10;
	[tilespmem:s31+$0x28] =	vst.add.f32.msk @!p4 $0xf, v1  }
0x28f: {  	[hbm4b:s10+s0] =	stream.linear.scatter @!p1 [tilespmem:s4], [sflag:$0xC], $0x4, $0x38;
	[tilespmem:$0x1F0F8] =	vst v63  }
0x290: {  	s2 =	rddreg [dreg:$0x5];
	s0 =	sadd.s32 @!p5 $0x28, s13;
	s4 =	simm.s32 @!p5 $0x1  }
0x291: {  	[spmem:s2] =	stream.linear.scatter @!p5 [tilespmem:s0], [sflag:$0x1], $0x4, $0x38;
	[tilespmem:$0x1F0F8] =	vst v63  }
0x292: {  	s3 =	sadd.s32 @p2 $0x1, s21;
	_ =	swait.ge @!p5 [sflag:s4], $0x4  }
0x293: {  	s5 =	sshrl.u32 @p2 s3, $0x4;
	[sflag:s4] =	ssyncset.done @!p5 $0x0  }
0x294: {  	s24 =	sadd.s32 $0x80, s24;
	s5 =	smulhi.u32 @p2 $0x97B425F, s5;
	[sflag:s4] =	ssyncadd.s32 @!p5 $0xFFFFFFFC  }
0x295: {  	s28 =	sadd.s32 $0x1, s28;
	v1 =	vld.msk @p2 [tilespmem:s24+$0x0], $0xf  }
0x296: {  	p3 =	seq.s32 s28, $0x0;
	s5 =	smul.u32 @p2 $0x1B0, s5  }
.Ltmp16:
0x297: {  	_ = 	snop;
	(pc) =	sbr.rel @!p3 .LBB2_16-.Ltmp16, $4  }
0x298: {  	s3 =	ssub.s32 @p2 s3, s5  }
0x299: {  	s8 =	sadd.s32 @!p4 s8, s29;
	s5 =	sshll.u32 @p2 s3, $0x4  }
0x29a: {  	s9 =	sadd.s32 @p2 $0x1, s25;
	s8 =	smov.u32 @p4 s29;
	[tilespmem:s5+$0x28] =	vst.msk @p2 $0xf, v1  }
0x29b: {  	s25 =	smov.u32 @p2 s9;
	s21 =	smov.u32 @p2 s3;
	s29 =	smov.u32 @p2 s8;
	v1 =	vld.msk @!p2 [tilespmem:s24+$0x0], $0xf  }
.LBB2_17:
.Ltmp17:
0x29c: {  	_ = 	snop;
	(pc) =	sbr.rel .LBB2_19-.Ltmp17, $3  }
0x29d: {  	s2 =	sld [smem:$0x7FD];
	_ =	sdelay $0x1  }
0x29e: {  	s0 =	sshrl.u32 s29, $0x2;
	s28 =	smov.u32 s26  }
0x29f: {  	s4 =	smov.u32 s6;
	s6 =	rddreg [dreg:$0x7];
	p4 =	seq.s32 s2, $0x1;
	[tilespmem:s30+$0x28] =	vst.add.f32.msk @!p2 $0xf, v1  }
.LBB2_21:
0x2a0: {  	_ =	sfence.sel $0x180000  }
0x2a1: {  	s0 =	simm.s32 $0x9;
	[bflag:$0x0] =	sbarrier.arrive $0xFFFF  }
0x2a2: {  	s24 =	simm.s32 $0xA;
	[sflag:s0] =	ssyncpa.u1 $0x1  }
0x2a3: {  	s25 =	simm.s32 $0xB;
	[sflag:s24] =	ssyncpa.u1 $0x1  }
0x2a4: {  	s26 =	simm.s32 $0x2;
	[sflag:s25] =	ssyncpa.u1 $0x1  }
0x2a5: {  	[sflag:s26] =	ssyncpa.u1 $0x1  }
0x2a6: {  	v0 =	vld [tilespmem:$0x3648];
	_ =	sdelay $0x4  }
0x2a7: {  	(v2sf) =	vpush v0, $0x0  }
0x2a8: {  	(v2sf) =	vpush v0, $0x1;
	_ =	sdelay $0x1  }
0x2a9: {  	(v2sf) =	vpush v0, $0x2;
	_ =	sdelay $0xb  }
0x2aa: {  	s0 =	spop (v2sf)  }
0x2ab: {  	s2 =	spop (v2sf)  }
0x2ac: {  	s3 =	smov.u32 s0;
	p0 =	sne.s32 s0, s2  }
0x2ad: {  	s4 =	spop (v2sf);
	s3 =	simm.s32 @!p0 $0xFFFFFFFF  }
0x2ae: {  	v2 =	vimm.s32 $0x1;
	v3 =	vlaneseq.u32;
	p0 =	seq.s32 s4, $0xFFFFFFFF;
	v1 =	vmov s3  }
0x2af: {  	s16 =	stileid.u32;
	v0 =	vperm.xlane v0, v2;
	p1 =	sne.s32 @!p0 s0, s2;
	v1 =	vperm.xlane v1, v3  }
0x2b0: {  	vm0 =	vcmask $0x3F04;
	s6 =	simm.s32 $0x3648;
	s0 =	simm.s32 @!p0 $0x1;
	p1 =	por !p1, p0  }
0x2b1: {  	s3 =	sshll.u32 s16, $0x1;
	s2 =	sshll.u32 @!p0 s4, $0x6;
	s0 =	simm.s32 @p1 $0x0;
	v0 =	vsel vm0, v1, v0  }
0x2b2: {  	s5 =	sor.u32 $0x200, s3;
	s2 =	sshra.s32 @!p0 s2, $0x2;
	s0 =	sor.u32 @!p0 s0, s3;
	[tilespmem:$0x3648] =	vst v0  }
0x2b3: {  	[spmem:s5] =	stream.linear.scatter [tilespmem:s6], [sflag:$0x1], $0x2, $0x38;
	[tilespmem:$0x1F0F8] =	vst v63  }
0x2b4: {  	s2 =	sadd.s32 @!p0 $0x28, s2;
	s0 =	sshll.u32 @!p0 s0, $0x4  }
0x2b5: {  	[spmem:s0] =	stream.linear.scatter @!p0 [tilespmem:s2], [sflag:$0x1], $0x10, $0x38;
	[tilespmem:$0x1F0F8] =	vst v63  }
0x2b6: {  	s0 =	simm.s32 @!p0 $0x12  }
0x2b7: {  	s28 =	simm.s32 $0x1;
	s0 =	simm.s32 @p0 $0x2  }
0x2b8: {  	_ =	swait.ge [sflag:s28], s0  }
0x2b9: {  	s0 =	ssub.s32 $0x0, s0;
	[sflag:s28] =	ssyncset.done $0x0  }
0x2ba: {  	p0 =	sne.s32 s16, $0x0;
	[sflag:s28] =	ssyncadd.s32 s0  }
.Ltmp18:
0x2bb: {  	_ =	sfence.stream.spmem;
	(pc) =	sbr.rel @p0 .LBB2_38-.Ltmp18, $4  }
0x2bc: {  	s29 =	simm.s32 $0x3;
	[bflag:$0x0] =	sbarrier.arrive $0xFFFF  }
0x2bd: {  	s30 =	simm.s32 $0x4;
	[sflag:s29] =	ssyncpa.u1 $0x1  }
0x2be: {  	s31 =	simm.s32 $0x3C;
	[sflag:s30] =	ssyncpa.u1 $0x1  }
0x2bf: {  	s17 =	rddreg [dreg:$0x6];
	[sflag:s31] =	ssyncpa.u1 $0x1  }
0x2c0: {  	_ =	sfence.stream.spmem;
	s0 =	simm.s32 $0x5  }
0x2c1: {  	s2 =	simm.s32 $0x200;
	s3 =	simm.s32 $0x3658;
	[sflag:s0] =	ssyncpa.u1 $0x0  }
0x2c2: {  	[tilespmem:s3], [sflag:$0x5] =	stream.linear.gather [spmem:s2], $0x20, $0x38;
	[tilespmem:$0x1F0F8] =	vst v63  }
0x2c3: {  	s26 =	simm.s32 $0x0;
	s28 =	simm.s32 $0x3678  }
0x2c4: {  	[tilespmem:s28], [sflag:$0x5] =	stream.linear.gather [spmem:s26], $0x200, $0x38;
	[tilespmem:$0x1F0F8] =	vst v63  }
0x2c5: {  	_ =	swait.ge [sflag:s0], $0x220  }
0x2c6: {  	[sflag:s0] =	ssyncset.done $0x0  }
0x2c7: {  	s29 =	simm.s32 $0x0;
	[sflag:s0] =	ssyncadd.s32 $0xFFFFFDE0  }
0x2c8: {  	v0 =	vld.msk [tilespmem:s29+$0x3658], $0x1;
	_ =	sdelay $0x1  }
0x2c9: {  	s30 =	simm.s32 $0x1  }
0x2ca: {  	v1 =	vld.msk [tilespmem:s30+$0x3658], $0x1;
	_ =	sdelay $0x1  }
0x2cb: {  	(v2sf) =	vpush v0, $0x0;
	_ =	sdelay $0x2  }
0x2cc: {  	(v2sf) =	vpush v1, $0x0;
	_ =	sdelay $0x2  }
0x2cd: {  	s31 =	simm.s32 $0x2  }
0x2ce: {  	v0 =	vld.msk [tilespmem:s31+$0x3658], $0x1;
	_ =	sdelay $0x2  }
0x2cf: {  	s6 =	simm.s32 $0xFFFFFFFF;
	s2 =	simm.s32 $0xFFFFFFFF;
	s0 =	simm.s32 $0xC  }
.LBB2_23:
0x2d0: {  	s3 =	smov.u32 s6;
	s4 =	smov.u32 s2  }
0x2d1: {  	s2 =	sshra.s32 s0, $0x2;
	p1 =	sne.s32 s0, $0x7C;
	s0 =	sadd.s32 $0x4, s0;
	(v2sf) =	vpush v0, $0x0  }
0x2d2: {  	v0 =	vld.msk [tilespmem:s2+$0x3658], $0x1  }
.Ltmp19:
0x2d3: {  	(pc) =	sbr.rel @p1 .LBB2_23-.Ltmp19, $4  }
0x2d4: {  	s6 =	spop (v2sf)  }
0x2d5: {  	p2 =	sne.s32 s4, $0xFFFFFFFF;
	s2 =	smov.u32 s6  }
0x2d6: {  	p3 =	seq.s32 s6, $0xFFFFFFFF;
	s2 =	smov.u32 @p2 s4  }
0x2d7: {  	s6 =	smov.u32 @p3 s3;
	s2 =	smov.u32 @p3 s4  }
0x2d8: {  	(v2sf) =	vpush v0, $0x0;
	_ =	sdelay $0x8  }
0x2d9: {  	s0 =	spop (v2sf)  }
0x2da: {  	p1 =	sne.s32 s2, $0xFFFFFFFF;
	s3 =	smov.u32 s0  }
0x2db: {  	s9 =	simm.s32 $0x6;
	p2 =	seq.s32 s0, $0xFFFFFFFF;
	s3 =	smov.u32 @p1 s2  }
0x2dc: {  	s10 =	simm.s32 $0x3638;
	s3 =	smov.u32 @p2 s2;
	s2 =	spop (v2sf)  }
0x2dd: {  	s0 =	smov.u32 @p2 s6;
	p1 =	sne.s32 s3, $0xFFFFFFFF;
	s4 =	smov.u32 s2  }
.Ltmp20:
0x2de: {  	p2 =	seq.s32 s2, $0xFFFFFFFF;
	s4 =	smov.u32 @p1 s3;
	(pc) =	sbr.rel .LBB2_25-.Ltmp20, $4  }
0x2df: {  	s11 =	simm.s32 $0x0;
	s4 =	smov.u32 @p2 s3;
	s7 =	spop (v2sf)  }
0x2e0: {  	[sflag:s9] =	ssyncpa.u1 $0x0;
	p1 =	sne.s32 s4, $0xFFFFFFFF;
	s8 =	smov.u32 s7  }
0x2e1: {  	s2 =	smov.u32 @p2 s0;
	p2 =	seq.s32 s7, $0xFFFFFFFF;
	s8 =	smov.u32 @p1 s4  }
0x2e2: {  	s6 =	simm.s32 $0x0;
	s7 =	smov.u32 @p2 s2;
	s8 =	smov.u32 @p2 s4  }
.LBB2_30:
0x2e3: {  	p1 =	sgt.u32 s12, $0x2427F  }
0x2e4: {  	p2 =	seq.s32 @!p1 s12, s8  }
0x2e5: {  	p1 =	por p1, p2  }
0x2e6: {  	p2 =	sne.s32 @!p1 s12, s7  }
0x2e7: {  	p1 =	por p1, !p2  }
0x2e8: {  	s0 =	sshll.u32 @p1 s11, $0x6  }
0x2e9: {  	s0 =	sand.u32 @!p1 $0x3FFF8, s12  }
0x2ea: {  	s2 =	sand.u32 @!p1 $0x7, s12;
	s0 =	sadd.s32 @!p1 s1, s0  }
0x2eb: {  	[tilespmem:s10], [sflag:$0x6] =	stream.linear.gather @!p1 [hbm4b:s0+s2], $0x4, $0x38;
	[tilespmem:$0x1F0F8] =	vst v63  }
0x2ec: {  	_ =	swait.ge @!p1 [sflag:s9], $0x4  }
0x2ed: {  	[sflag:s9] =	ssyncset.done @!p1 $0x0  }
0x2ee: {  	[sflag:s9] =	ssyncadd.s32 @!p1 $0xFFFFFFFC  }
0x2ef: {  	v1 =	vld @!p1 [tilespmem:$0x3638];
	_ =	sdelay $0x2  }
0x2f0: {  	s0 =	sshll.u32 @!p1 s11, $0x6  }
0x2f1: {  	s2 =	sshrl.u32 @!p1 s0, $0x2  }
0x2f2: {  	[tilespmem:s2+$0x3678] =	vst.add.f32.msk @!p1 $0xffff, v1  }
0x2f3: {  	s0 =	sshrl.u32 s0, $0x2;
	[tilespmem:s6+$0x3658] =	vst.msk $0x1, v0  }
0x2f4: {  	v0 =	vld [tilespmem:s0+$0x3678];
	_ =	sdelay $0x2  }
0x2f5: {  	s31 =	sshll.u32 s6, $0x6  }
0x2f6: {  	s0 =	sshra.s32 s31, $0x2  }
0x2f7: {  	s6 =	sadd.s32 $0x1, s6;
	[tilespmem:s0+$0x3678] =	vst v0  }
.LBB2_32:
0x2f8: {  	s11 =	sadd.s32 $0x1, s11  }
0x2f9: {  	p1 =	sne.s32 s11, $0x20  }
.Ltmp21:
0x2fa: {  	_ = 	snop;
	(pc) =	sbr.rel @!p1 .LBB2_33-.Ltmp21, $1  }
0x2fb: {  	_ =	sdelay $0x3  }
.LBB2_25:
0x2fc: {  	v0 =	vld.msk [tilespmem:s11+$0x3658], $0x1;
	_ =	sdelay $0x4  }
0x2fd: {  	(v2sf) =	vpush v0, $0x0;
	_ =	sdelay $0xe  }
0x2fe: {  	s12 =	spop (v2sf)  }
0x2ff: {  	p1 =	seq.s32 s12, $0xFFFFFFFF  }
.Ltmp22:
0x300: {  	_ = 	snop;
	(pc) =	sbr.rel @p1 .LBB2_32-.Ltmp22, $1  }
0x301: {  	_ =	sdelay $0x3  }
0x302: {  	p1 =	slt.s32 s6, $0x1  }
.Ltmp23:
0x303: {  	_ = 	snop;
	(pc) =	sbr.rel @p1 .LBB2_30-.Ltmp23, $1  }
0x304: {  	_ =	sdelay $0x3  }
0x305: {  	s13 =	simm.s32 $0x3658;
	p1 =	por $0x0, $0x0  }
0x306: {  	v1 =	vld.msk @!p1 [tilespmem:s13+$0x0], $0x1;
	_ =	sdelay $0x4  }
0x307: {  	(v2sf) =	vpush @!p1 v1, $0x0;
	_ =	sdelay $0xd  }
0x308: {  	p3 =	sne.s32 s6, $0x1  }
.Ltmp24:
0x309: {  	s0 =	spop @!p1 (v2sf);
	(pc) =	sbr.rel @!p3 .LBB2_29-.Ltmp24, $4  }
0x30a: {  	p2 =	seq.s32 @!p1 s12, s0  }
0x30b: {  	s14 =	simm.s32 $0x0;
	p2 =	por !p2, p1  }
0x30c: {  	s0 =	simm.s32 $0xFFFFFFFF;
	s14 =	simm.s32 @p2 $0xFFFFFFFF  }
0x30d: {  	s15 =	simm.s32 $0x1;
	s14 =	smov.u32 @p1 s0  }
.LBB2_28:
0x30e: {  	s0 =	smov.u32 s14;
	p1 =	sne.s32 s14, $0xFFFFFFFF  }
0x30f: {  	s13 =	sadd.s32 $0x1, s13;
	s14 =	smov.u32 s15;
	s15 =	sadd.s32 $0x1, s15  }
0x310: {  	p2 =	sne.s32 s6, s15;
	v1 =	vld.msk @!p1 [tilespmem:s13+$0x0], $0x1;
	_ =	sdelay $0x4  }
0x311: {  	(v2sf) =	vpush @!p1 v1, $0x0;
	_ =	sdelay $0xe  }
.Ltmp25:
0x312: {  	s2 =	spop @!p1 (v2sf);
	(pc) =	sbr.rel @p2 .LBB2_28-.Ltmp25, $4  }
0x313: {  	p3 =	seq.s32 @!p1 s12, s2  }
0x314: {  	p3 =	por !p3, p1  }
0x315: {  	s14 =	simm.s32 @p3 $0xFFFFFFFF  }
0x316: {  	s14 =	smov.u32 @p1 s0  }
.LBB2_29:
0x317: {  	p1 =	sne.s32 s14, $0xFFFFFFFF  }
.Ltmp26:
0x318: {  	_ = 	snop;
	(pc) =	sbr.rel @!p1 .LBB2_30-.Ltmp26, $1  }
0x319: {  	_ =	sdelay $0x3  }
0x31a: {  	s0 =	sshll.u32 s11, $0x4  }
0x31b: {  	s0 =	sand.u32 $0x3FFFFFF0, s0  }
0x31c: {  	v0 =	vld [tilespmem:s0+$0x3678]  }
.Ltmp27:
0x31d: {  	_ = 	snop;
	(pc) =	sbr.rel .LBB2_32-.Ltmp27, $4  }
0x31e: {  	_ = 	snop  }
0x31f: {  	s31 =	sshll.u32 s14, $0x6  }
0x320: {  	s0 =	sshra.s32 s31, $0x2  }
0x321: {  	[tilespmem:s0+$0x3678] =	vst.add.f32.msk $0xffff, v0  }
.LBB2_33:
0x322: {  	s0 =	simm.s32 $0x6;
	p1 =	seq.s32 s6, $0x0  }
0x323: {  	[sflag:s0] =	ssyncpa.u1 $0x1;
	v0 =	vimm.s32 @p1 $0xFFFFFFFF  }
0x324: {  	s9 =	sadd.s32 $0xFFFFFFFF, s6;
	[tilespmem:$0x3878] =	vst @p1 v0  }
0x325: {  	v0 =	vld.msk @!p1 [tilespmem:s9+$0x3658], $0x1;
	_ =	sdelay $0x1  }
0x326: {  	v1 =	vld.msk @!p1 [tilespmem:$0x3658], $0x1;
	_ =	sdelay $0x2  }
0x327: {  	p2 =	seq.s32 @!p1 s9, $0x0;
	v0 =	vbroadcast @!p1 v0, $0x0  }
0x328: {  	vm0 =	vmmov @!p1 $0x1;
	p2 =	por !p2, p1  }
0x329: {  	v1 =	vnsel @!p1 vm0, $0xFFFFFFFF, v1;
	vm0 =	vcmask @!p1 $0x308;
	v0 =	vpsel !p2, $0xFFFFFFFF, v0  }
0x32a: {  	p2 =	sne.s32 @!p1 s8, s7;
	v0 =	vsel @!p1 vm0, v1, v0  }
0x32b: {  	s0 =	simm.s32 @!p1 $0x3678;
	s2 =	simm.s32 @!p1 $0x0;
	p3 =	por !p2, p1;
	[tilespmem:$0x3878] =	vst @!p1 v0  }
0x32c: {  	[spmem:s2] =	stream.linear.scatter @!p1 [tilespmem:s0], [sflag:$0x1], $0x10, $0x38;
	[tilespmem:$0x1F0F8] =	vst v63  }
0x32d: {  	s0 =	sshll.u32 @!p3 s9, $0x6  }
0x32e: {  	s0 =	sshra.s32 @!p3 s0, $0x2  }
0x32f: {  	s2 =	simm.s32 @!p3 $0x10;
	s0 =	sadd.s32 @!p3 $0x3678, s0  }
0x330: {  	[spmem:s2] =	stream.linear.scatter @!p3 [tilespmem:s0], [sflag:$0x1], $0x10, $0x38;
	[tilespmem:$0x1F0F8] =	vst v63  }
0x331: {  	s0 =	simm.s32 @!p3 $0x1  }
0x332: {  	_ =	swait.ge @!p3 [sflag:s0], $0x20  }
0x333: {  	p1 =	por p2, p1;
	[sflag:s0] =	ssyncset.done @!p3 $0x0  }
0x334: {  	[sflag:s0] =	ssyncadd.s32 @!p3 $0xFFFFFFE0;
	s0 =	simm.s32 @!p1 $0x1  }
0x335: {  	_ =	swait.ge @!p1 [sflag:s0], $0x10  }
0x336: {  	s29 =	simm.s32 $0x3878;
	[sflag:s0] =	ssyncset.done @!p1 $0x0  }
0x337: {  	s30 =	simm.s32 $0x200;
	s31 =	simm.s32 $0x1;
	[sflag:s0] =	ssyncadd.s32 @!p1 $0xFFFFFFF0  }
0x338: {  	[spmem:s30] =	stream.linear.scatter [tilespmem:s29], [sflag:$0x1], $0x10, $0x38;
	[tilespmem:$0x1F0F8] =	vst v63  }
0x339: {  	_ =	swait.ge [sflag:s31], $0x10  }
0x33a: {  	[sflag:s31] =	ssyncset.done $0x0  }
0x33b: {  	p1 =	seq.s32 s17, $0x0;
	s8 =	rddreg [dreg:$0x2];
	[sflag:s31] =	ssyncadd.s32 $0xFFFFFFF0  }
0x33c: {  	s2 =	sshll.u32 @p1 s8, $0xE;
	s7 =	rddreg [dreg:$0x3]  }
0x33d: {  	s0 =	sadd.s32 @p1 $0x15C3C, s2;
	s2 =	sshll.u32 @p1 s7, $0x11  }
0x33e: {  	_ =	sfence.stream.spmem;
	s0 =	sor.u32 @p1 s2, s0  }
0x33f: {  	[sflag:s0] =	ssyncadd.remote.s32 @p1 $0x1;
	s0 =	simm.s32 @p1 $0x4  }
0x340: {  	s3 =	simm.s32 @!p1 $0x3C;
	s2 =	sand.u32 $0xFFFFFFFE, s8;
	_ =	swait.ge @p1 [sflag:s0], $0x6  }
0x341: {  	s4 =	simm.s32 @!p1 $0x0;
	s2 =	sadd.s32 @!p1 $0x4, s2;
	[sflag:s0] =	ssyncset.done @p1 $0x0  }
0x342: {  	s5 =	simm.s32 @!p1 $0x20;
	[sflag:s0] =	ssyncadd.s32 @p1 $0xFFFFFFFA;
	s0 =	sshll.u32 @!p1 s2, $0x1A  }
0x343: {  	s2 =	sshll.u32 @!p1 s2, $0xD;
	s0 =	sor.u32 @!p1 s0, s7;
	_ =	swait.eq @!p1 [sflag:s3], $0x1  }
0x344: {  	s2 =	sor.u32 @!p1 $0x1C04, s2;
	s3 =	simm.s32 @!p1 $0x1C03;
	s0 =	sor.u32 @!p1 $0x80004000, s0  }
0x345: {  	[spmem:s5], [sflag:s2] =	dma.general @!p1 [spmem:s4], [sflag:s3], length:$0x4, [dreg:$0x0], stride_count:$0x0, ici_dest:s0, dma_misc:DstOpCode:WRITE  }
0x346: {  	p2 =	slt.s32 s9, $0x2;
	s4 =	simm.s32 @!p1 $0x40;
	s5 =	simm.s32 @!p1 $0x42  }
0x347: {  	[spmem:s5], [sflag:s2] =	dma.general @!p1 [spmem:s4], [sflag:s3], length:$0x2, [dreg:$0x0], stride_count:$0x0, ici_dest:s0, dma_misc:DstOpCode:WRITE  }
.Ltmp28:
0x348: {  	s0 =	simm.s32 @!p1 $0x3;
	(pc) =	sbr.rel @p2 .LBB2_37-.Ltmp28, $4  }
0x349: {  	s2 =	sshll.u32 @!p1 s8, $0xE;
	_ =	swait.ge @!p1 [sflag:s0], $0x6  }
0x34a: {  	s3 =	sshll.u32 @!p1 s7, $0x11;
	s2 =	sadd.s32 @!p1 $0x11C3C, s2;
	[sflag:s0] =	ssyncset.done @!p1 $0x0  }
0x34b: {  	[sflag:s0] =	ssyncadd.s32 @!p1 $0xFFFFFFFA;
	s0 =	sor.u32 @!p1 s3, s2  }
0x34c: {  	[sflag:s0] =	ssyncadd.remote.s32 @!p1 $0xFFFFFFFF;
	s0 =	simm.s32 $0x0  }
0x34d: {  	s0 =	simm.s32 $0x3659  }
0x34e: {  	v0 =	vld.msk [tilespmem:s0+$0x0], $0x1;
	_ =	sdelay $0x4  }
0x34f: {  	(v2sf) =	vpush v0, $0x0;
	_ =	sdelay $0xd  }
0x350: {  	s3 =	sadd.s32 $0xFFFFFFFE, s6  }
0x351: {  	s3 =	sadd.s32 $0xFFFFFFFF, s3;
	s0 =	spop (v2sf)  }
0x352: {  	p2 =	sne.s32 s3, $0x0;
	p1 =	sgt.u32 s0, $0x2427F  }
.Ltmp29:
0x353: {  	s4 =	sand.u32 @!p1 $0x3FFF8, s0;
	(pc) =	sbr.rel @!p2 .LBB2_36-.Ltmp29, $4  }
0x354: {  	s2 =	simm.s32 $0x3688;
	s0 =	sand.u32 @!p1 $0x7, s0;
	s4 =	sadd.s32 @!p1 s1, s4  }
0x355: {  	[hbm4b:s4+s0] =	stream.linear.scatter @!p1 [tilespmem:s2], [sflag:$0x5], $0x4, $0x38;
	[tilespmem:$0x1F0F8] =	vst v63  }
0x356: {  	s0 =	simm.s32 $0x0  }
0x357: {  	s6 =	simm.s32 $0x0;
	s7 =	simm.s32 $0x365A;
	s0 =	simm.s32 @!p1 $0x10  }
.LBB2_35:
0x358: {  	v0 =	vld.msk [tilespmem:s7+$0x0], $0x1;
	s3 =	sadd.s32 $0xFFFFFFFF, s3;
	s6 =	sadd.s32 s6, s0  }
0x359: {  	p1 =	sne.s32 s3, $0x0;
	_ =	sdelay $0x3  }
0x35a: {  	(v2sf) =	vpush v0, $0x0;
	_ =	sdelay $0xe  }
.Ltmp30:
0x35b: {  	s4 =	spop (v2sf);
	(pc) =	sbr.rel @p1 .LBB2_35-.Ltmp30, $4  }
0x35c: {  	s0 =	simm.s32 $0x0;
	p2 =	sgt.u32 s4, $0x2427F  }
0x35d: {  	s2 =	sadd.s32 $0x10, s2;
	s0 =	simm.s32 @!p2 $0x10;
	s5 =	sand.u32 @!p2 $0x3FFF8, s4  }
0x35e: {  	s7 =	sadd.s32 $0x1, s7;
	s4 =	sand.u32 @!p2 $0x7, s4;
	s5 =	sadd.s32 @!p2 s1, s5  }
0x35f: {  	[hbm4b:s5+s4] =	stream.linear.scatter @!p2 [tilespmem:s2], [sflag:$0x5], $0x4, $0x38;
	[tilespmem:$0x1F0F8] =	vst v63  }
.LBB2_36:
0x360: {  	s0 =	sadd.s32 s6, s0  }
0x361: {  	s0 =	sshrl.u32 s0, $0x2  }
.LBB2_37:
0x362: {  	s2 =	simm.s32 $0x5  }
0x363: {  	_ =	swait.ge [sflag:s2], s0  }
0x364: {  	s31 =	ssub.s32 $0x0, s0;
	[sflag:s2] =	ssyncset.done $0x0  }
0x365: {  	[sflag:s2] =	ssyncadd.s32 s31  }
0x366: {  	[sflag:s2] =	ssyncpa.u1 $0x1  }
.LBB2_38:
0x367: {  	s0 =	sor.u32 s17, s16  }
0x368: {  	p1 =	sne.s32 s0, $0x0  }
.Ltmp31:
0x369: {  	_ = 	snop;
	(pc) =	sbr.rel @p1 .LBB2_53-.Ltmp31, $3  }
0x36a: {  	_ =	sdelay $0x1  }
0x36b: {  	[bflag:$0x0] =	sbarrier.arrive $0xFFFF  }
0x36c: {  	_ =	sfence  }
0x36d: {  	s0 =	simm.s32 $0x7  }
0x36e: {  	s2 =	simm.s32 $0x200;
	s3 =	simm.s32 $0x3658;
	[sflag:s0] =	ssyncpa.u1 $0x0  }
0x36f: {  	[tilespmem:s3], [sflag:$0x7] =	stream.linear.gather [spmem:s2], $0x20, $0x38;
	[tilespmem:$0x1F0F8] =	vst v63  }
0x370: {  	s30 =	simm.s32 $0x3678;
	s2 =	simm.s32 $0x0  }
0x371: {  	[tilespmem:s30], [sflag:$0x7] =	stream.linear.gather [spmem:s2], $0x200, $0x38;
	[tilespmem:$0x1F0F8] =	vst v63  }
.Ltmp32:
0x372: {  	_ = 	snop;
	(pc) =	sbr.rel .LBB2_40-.Ltmp32, $4  }
0x373: {  	_ =	swait.ge [sflag:s0], $0x220  }
0x374: {  	[sflag:s0] =	ssyncset.done $0x0  }
0x375: {  	s31 =	simm.s32 $0x8;
	[sflag:s0] =	ssyncadd.s32 $0xFFFFFDE0  }
0x376: {  	s3 =	simm.s32 $0x0;
	[sflag:s31] =	ssyncpa.u1 $0x0  }
.LBB2_45:
0x377: {  	p1 =	slt.u32 s4, $0x24280  }
0x378: {  	s0 =	sand.u32 @p1 $0x3FFF8, s4  }
0x379: {  	s4 =	sand.u32 @p1 $0x7, s4;
	s5 =	simm.s32 @p1 $0x3638;
	s0 =	sadd.s32 @p1 s1, s0  }
0x37a: {  	[tilespmem:s5], [sflag:$0x8] =	stream.linear.gather @p1 [hbm4b:s0+s4], $0x4, $0x38;
	[tilespmem:$0x1F0F8] =	vst v63  }
0x37b: {  	s0 =	simm.s32 @p1 $0x8  }
0x37c: {  	_ =	swait.ge @p1 [sflag:s0], $0x4  }
0x37d: {  	[sflag:s0] =	ssyncset.done @p1 $0x0  }
0x37e: {  	[sflag:s0] =	ssyncadd.s32 @p1 $0xFFFFFFFC  }
0x37f: {  	v1 =	vld @p1 [tilespmem:$0x3638];
	_ =	sdelay $0x2  }
0x380: {  	s0 =	sshll.u32 @p1 s3, $0x6  }
0x381: {  	s5 =	sshll.u32 @!p1 s3, $0x6;
	s4 =	sshrl.u32 @p1 s0, $0x2  }
0x382: {  	s5 =	smov.u32 @p1 s0;
	[tilespmem:s4+$0x3678] =	vst.add.f32.msk @p1 $0xffff, v1  }
0x383: {  	s0 =	sshrl.u32 s5, $0x2;
	[tilespmem:s2+$0x3658] =	vst.msk $0x1, v0  }
0x384: {  	v0 =	vld [tilespmem:s0+$0x3678];
	_ =	sdelay $0x2  }
0x385: {  	s31 =	sshll.u32 s2, $0x6  }
0x386: {  	s0 =	sshra.s32 s31, $0x2  }
0x387: {  	s2 =	sadd.s32 $0x1, s2;
	[tilespmem:s0+$0x3678] =	vst v0  }
.LBB2_47:
0x388: {  	s3 =	sadd.s32 $0x1, s3  }
0x389: {  	p1 =	sne.s32 s3, $0x20  }
.Ltmp33:
0x38a: {  	_ = 	snop;
	(pc) =	sbr.rel @!p1 .LBB2_48-.Ltmp33, $1  }
0x38b: {  	_ =	sdelay $0x3  }
.LBB2_40:
0x38c: {  	v0 =	vld.msk [tilespmem:s3+$0x3658], $0x1;
	_ =	sdelay $0x4  }
0x38d: {  	(v2sf) =	vpush v0, $0x0;
	_ =	sdelay $0xe  }
0x38e: {  	s4 =	spop (v2sf)  }
0x38f: {  	p1 =	seq.s32 s4, $0xFFFFFFFF  }
.Ltmp34:
0x390: {  	_ = 	snop;
	(pc) =	sbr.rel @p1 .LBB2_47-.Ltmp34, $1  }
0x391: {  	_ =	sdelay $0x3  }
0x392: {  	p1 =	slt.s32 s2, $0x1  }
.Ltmp35:
0x393: {  	_ = 	snop;
	(pc) =	sbr.rel @p1 .LBB2_45-.Ltmp35, $1  }
0x394: {  	_ =	sdelay $0x3  }
0x395: {  	s5 =	simm.s32 $0x3658;
	p1 =	por $0x0, $0x0  }
0x396: {  	v1 =	vld.msk @!p1 [tilespmem:s5+$0x0], $0x1;
	_ =	sdelay $0x4  }
0x397: {  	(v2sf) =	vpush @!p1 v1, $0x0;
	_ =	sdelay $0xd  }
0x398: {  	p3 =	sne.s32 s2, $0x1  }
.Ltmp36:
0x399: {  	s0 =	spop @!p1 (v2sf);
	(pc) =	sbr.rel @!p3 .LBB2_44-.Ltmp36, $4  }
0x39a: {  	p2 =	seq.s32 @!p1 s4, s0  }
0x39b: {  	s6 =	simm.s32 $0x0;
	p2 =	por !p2, p1  }
0x39c: {  	s0 =	simm.s32 $0xFFFFFFFF;
	s6 =	simm.s32 @p2 $0xFFFFFFFF  }
0x39d: {  	s7 =	simm.s32 $0x1;
	s6 =	smov.u32 @p1 s0  }
.LBB2_43:
0x39e: {  	s0 =	smov.u32 s6;
	p1 =	sne.s32 s6, $0xFFFFFFFF  }
0x39f: {  	s5 =	sadd.s32 $0x1, s5;
	s6 =	smov.u32 s7;
	s7 =	sadd.s32 $0x1, s7  }
0x3a0: {  	p2 =	sne.s32 s2, s7;
	v1 =	vld.msk @!p1 [tilespmem:s5+$0x0], $0x1;
	_ =	sdelay $0x4  }
0x3a1: {  	(v2sf) =	vpush @!p1 v1, $0x0;
	_ =	sdelay $0xe  }
.Ltmp37:
0x3a2: {  	s8 =	spop @!p1 (v2sf);
	(pc) =	sbr.rel @p2 .LBB2_43-.Ltmp37, $4  }
0x3a3: {  	p3 =	seq.s32 @!p1 s4, s8  }
0x3a4: {  	p3 =	por !p3, p1  }
0x3a5: {  	s6 =	simm.s32 @p3 $0xFFFFFFFF  }
0x3a6: {  	s6 =	smov.u32 @p1 s0  }
.LBB2_44:
0x3a7: {  	p1 =	sne.s32 s6, $0xFFFFFFFF  }
.Ltmp38:
0x3a8: {  	_ = 	snop;
	(pc) =	sbr.rel @!p1 .LBB2_45-.Ltmp38, $1  }
0x3a9: {  	_ =	sdelay $0x3  }
0x3aa: {  	s0 =	sshll.u32 s3, $0x4  }
0x3ab: {  	s0 =	sand.u32 $0x3FFFFFF0, s0  }
0x3ac: {  	v0 =	vld [tilespmem:s0+$0x3678]  }
.Ltmp39:
0x3ad: {  	_ = 	snop;
	(pc) =	sbr.rel .LBB2_47-.Ltmp39, $4  }
0x3ae: {  	_ = 	snop  }
0x3af: {  	s31 =	sshll.u32 s6, $0x6  }
0x3b0: {  	s0 =	sshra.s32 s31, $0x2  }
0x3b1: {  	[tilespmem:s0+$0x3678] =	vst.add.f32.msk $0xffff, v0  }
.LBB2_48:
0x3b2: {  	p1 =	slt.s32 s2, $0x1  }
.Ltmp40:
0x3b3: {  	_ = 	snop;
	(pc) =	sbr.rel @p1 .LBB2_52-.Ltmp40, $3  }
0x3b4: {  	_ =	sdelay $0x1  }
0x3b5: {  	s0 =	simm.s32 $0x8  }
0x3b6: {  	s3 =	simm.s32 $0x0;
	[sflag:s0] =	ssyncpa.u1 $0x1  }
0x3b7: {  	s0 =	simm.s32 $0x3658  }
0x3b8: {  	v0 =	vld.msk [tilespmem:s0+$0x0], $0x1;
	_ =	sdelay $0x4  }
0x3b9: {  	(v2sf) =	vpush v0, $0x0;
	_ =	sdelay $0xe  }
0x3ba: {  	s2 =	sadd.s32 $0xFFFFFFFF, s2;
	s0 =	spop (v2sf)  }
0x3bb: {  	p2 =	sne.s32 s2, $0x0;
	p1 =	sgt.u32 s0, $0x2427F  }
.Ltmp41:
0x3bc: {  	s5 =	sand.u32 @!p1 $0x3FFF8, s0;
	(pc) =	sbr.rel @!p2 .LBB2_51-.Ltmp41, $4  }
0x3bd: {  	s4 =	simm.s32 $0x3678;
	s0 =	sand.u32 @!p1 $0x7, s0;
	s5 =	sadd.s32 @!p1 s1, s5  }
0x3be: {  	[hbm4b:s5+s0] =	stream.linear.scatter @!p1 [tilespmem:s4], [sflag:$0x7], $0x4, $0x38;
	[tilespmem:$0x1F0F8] =	vst v63  }
0x3bf: {  	s0 =	simm.s32 $0x0  }
0x3c0: {  	s5 =	simm.s32 $0x3659;
	s0 =	simm.s32 @!p1 $0x10  }
.LBB2_50:
0x3c1: {  	v0 =	vld.msk [tilespmem:s5+$0x0], $0x1;
	s2 =	sadd.s32 $0xFFFFFFFF, s2;
	s3 =	sadd.s32 s3, s0  }
0x3c2: {  	p1 =	sne.s32 s2, $0x0;
	_ =	sdelay $0x3  }
0x3c3: {  	(v2sf) =	vpush v0, $0x0;
	_ =	sdelay $0xe  }
.Ltmp42:
0x3c4: {  	s6 =	spop (v2sf);
	(pc) =	sbr.rel @p1 .LBB2_50-.Ltmp42, $4  }
0x3c5: {  	s0 =	simm.s32 $0x0;
	p2 =	sgt.u32 s6, $0x2427F  }
0x3c6: {  	s4 =	sadd.s32 $0x10, s4;
	s0 =	simm.s32 @!p2 $0x10;
	s7 =	sand.u32 @!p2 $0x3FFF8, s6  }
0x3c7: {  	s5 =	sadd.s32 $0x1, s5;
	s6 =	sand.u32 @!p2 $0x7, s6;
	s7 =	sadd.s32 @!p2 s1, s7  }
0x3c8: {  	[hbm4b:s7+s6] =	stream.linear.scatter @!p2 [tilespmem:s4], [sflag:$0x7], $0x4, $0x38;
	[tilespmem:$0x1F0F8] =	vst v63  }
.LBB2_51:
0x3c9: {  	s0 =	sadd.s32 s3, s0  }
0x3ca: {  	s3 =	sshrl.u32 s0, $0x2  }
.LBB2_52:
0x3cb: {  	s0 =	simm.s32 $0x7  }
0x3cc: {  	_ =	swait.ge [sflag:s0], s3  }
0x3cd: {  	s1 =	ssub.s32 $0x0, s3;
	[sflag:s0] =	ssyncset.done $0x0  }
0x3ce: {  	[sflag:s0] =	ssyncadd.s32 s1  }
0x3cf: {  	[sflag:s0] =	ssyncpa.u1 $0x1  }
.LBB2_53:
0x3d0: {  	_ =	sfence;
	s0 =	simm.s32 $0x1  }
0x3d1: {  	[sflag:s0] =	ssyncpa.u1 $0x1  }
0x3d2: {  	_ =	strace $0x90000047  }
0x3d3: {  	[bflag:$0x2] =	sbarrier.arrive $0xFFFF  }
0x3d4: {  	s0 =	rddreg [dreg:$0x4]  }
0x3d5: {  	s0 =	sadd.s32 @!p0 $0x100000, s0  }
0x3d6: {  	[sflag:s0] =	ssyncadd.tile.s32 @!p0 $0x1;
	_ =	shalt  }
.Lfunc_end2:
_tile_overlayer_lowered:
.L_overlay_start_2:
0x3d7: {  	(tag) =	ssettag $0x2  }
0x3d8: {  	s0 =	rddreg [dreg:$0x0];
	s2 =	stileid.u32  }
0x3d9: {  	s1 =	rddreg [dreg:$0x1];
	p0 =	sne.s32 s2, $0x0  }
0x3da: {  	s3 =	rddreg [dreg:$0x2];
	[bflag:$0x3] =	sbarrier.arrive $0xFFFF;
	s2 =	simm.s32 @!p0 $0x1C01  }
0x3db: {  	[timem:s3], [sflag:s2] =	dma.local @!p0 [hbm:s0], s1  }
0x3dc: {  	s0 =	simm.s32 @!p0 $0x1  }
0x3dd: {  	_ =	swait.ge @!p0 [sflag:s0], s1  }
0x3de: {  	s1 =	ssub.s32 @!p0 $0x0, s1;
	[sflag:s0] =	ssyncset.done @!p0 $0x0  }
0x3df: {  	[sflag:s0] =	ssyncadd.s32 @!p0 s1  }
0x3e0: {  	[bflag:$0x3] =	sbarrier.arrive $0xFFFF  }
0x3e1: {  	_ =	shalt  }

</sc_bundles>
